<compile_context>
chip_gen: v7x
topology: tpu7x:2x2x1
jax: 0.10.2.dev20260603
libtpu: 0.0.44.dev20260713+nightly
codegen_flags: <defaults>
</compile_context>

<pallas_src>
import functools

import jax
import jax.numpy as jnp
from jax import lax
from jax.experimental import pallas as pl
from jax.experimental.pallas import tpu as pltpu
from jax.experimental.pallas import tpu_sc as plsc

EPS = 1e-8
NC = 2
NS = 16
LANES = 16
CHUNK = 16


def kernel(queries_features, queries_mask, articles_store, idxs,
           top_articles_idxs, articles_lengths):
    B = idxs.shape[0]
    K = top_articles_idxs.shape[1]
    N_ART, T, D = articles_store.shape
    J = B * K
    NW = NC * NS
    jobs_per_w = (J + NW - 1) // NW
    C = CHUNK
    NCH = T // C

    top_t = jnp.transpose(top_articles_idxs)
    N_DATA = top_articles_idxs.shape[0]
    QL = queries_features.shape[1]

    mesh = plsc.VectorSubcoreMesh(core_axis_name="c", subcore_axis_name="s")

    @functools.partial(
        pl.kernel,
        mesh=mesh,
        out_type=[
            jax.ShapeDtypeStruct((B, K, T, D), jnp.float32),
            jax.ShapeDtypeStruct((K, B, T), jnp.float32),
            jax.ShapeDtypeStruct((B, QL, D), jnp.float32),
            jax.ShapeDtypeStruct((B, QL), jnp.float32),
            jax.ShapeDtypeStruct((K, B), jnp.float32),
        ],
        scratch_types=[
            pltpu.VMEM((B + LANES,), jnp.int32),
            pltpu.VMEM((jobs_per_w, K, 128), jnp.int32),
            pltpu.VMEM((jobs_per_w * 128 + LANES,), jnp.int32),
            pltpu.VMEM((N_ART + LANES,), jnp.int32),
            pltpu.VMEM((2 * LANES,), jnp.int32),
            pltpu.VMEM((2 * LANES,), jnp.int32),
            pltpu.VMEM((2 * LANES,), jnp.int32),
            pltpu.VMEM((2, T, D), jnp.float32),
            pltpu.VMEM((C, D), jnp.float32),
            pltpu.VMEM((2, T), jnp.float32),
            pltpu.VMEM((QL // 2, D), jnp.float32),
            pltpu.VMEM((8, QL), jnp.float32),
            pltpu.VMEM((K, B), jnp.float32),
            pltpu.SemaphoreType.DMA,
            pltpu.SemaphoreType.DMA,
            pltpu.SemaphoreType.DMA,
            pltpu.SemaphoreType.DMA,
        ],
    )
    def sc_kernel(store_hbm, idxs_hbm, topt_hbm, len_hbm, qf_hbm, qm_hbm,
                  feat_out, mask_out, qf_out, qm_out, nm_out,
                  idx_v, selwin_v, selflat_v, len_v, av_v, szv_v, nvv_v,
                  artd, zero_v, maskd, qbuf, qmbuf, nmbuf,
                  sem_g, sem_w, sem_r, sem_q):
        wid = lax.axis_index("s") * NC + lax.axis_index("c")

        zeros16 = jnp.zeros((LANES,), jnp.float32)
        iota16 = lax.iota(jnp.int32, LANES)

        def scalar_at(ref, i):
            return ref[pl.ds(i, LANES)][0]

        bq = wid // 2
        rq = (wid - bq * 2) * (QL // 2)
        pltpu.async_copy(qf_hbm.at[bq, pl.ds(rq, QL // 2)], qbuf, sem_q)
        @pl.when(wid < 2)
        def _():
            pltpu.async_copy(qm_hbm.at[pl.ds(wid * 8, 8)], qmbuf, sem_q)
        pltpu.sync_copy(idxs_hbm, idx_v.at[pl.ds(0, B)])
        pltpu.async_copy(len_hbm, len_v.at[pl.ds(0, N_ART)], sem_r)
        rw_s = []
        for s in range(jobs_per_w):
            j = wid + s * NW
            je = jnp.minimum(j, J - 1)
            b = je // K
            k = je - b * K
            row = scalar_at(idx_v, b)
            rw = pl.multiple_of((row // 128) * 128, 128)
            pltpu.async_copy(topt_hbm.at[:, pl.ds(rw, 128)],
                             selwin_v.at[s], sem_r)
            rw_s.append((row, rw, k))

        def zero_row(ref):
            def body(t, _):
                for u in range(D // LANES):
                    ref[t, pl.ds(u * LANES, LANES)] = zeros16
                return 0
            return body
        lax.fori_loop(0, C, zero_row(zero_v), 0)

        pltpu.make_async_copy(len_hbm, len_v.at[pl.ds(0, N_ART)], sem_r).wait()
        for s in range(jobs_per_w):
            row, rw, k = rw_s[s]
            pltpu.make_async_copy(topt_hbm.at[:, pl.ds(rw, 128)],
                                  selwin_v.at[s],
                                  sem_r).wait()

        a_s, sz_s, nv_s, bk_s = [], [], [], []
        for s in range(jobs_per_w):
            j = wid + s * NW
            je = jnp.minimum(j, J - 1)
            b = je // K
            k = je - b * K
            row, rw, _ = rw_s[s]
            for i in range(128 // LANES):
                selflat_v[pl.ds(s * 128 + i * LANES, LANES)] = (
                    selwin_v[s, k, pl.ds(i * LANES, LANES)])
            a = scalar_at(selflat_v, s * 128 + (row - rw))
            a = jnp.clip(a, 0, N_ART - 1)
            sz = jnp.minimum(scalar_at(len_v, a), T)
            nv = (sz + C - 1) // C
            if (s + 1) * NW > J:
                live = j < J
                sz = jnp.where(live, sz, 0)
                nv = jnp.where(live, nv, 0)
            a_s.append(a)
            sz_s.append(sz)
            nv_s.append(nv)
            bk_s.append((b, k))

        a_vec = jnp.full((LANES,), 0, jnp.int32)
        sz_vec16 = jnp.full((LANES,), 0, jnp.int32)
        nv_vec16 = jnp.full((LANES,), 0, jnp.int32)
        for s in range(jobs_per_w):
            sel = iota16 == s
            a_vec = jnp.where(sel, jnp.full((LANES,), a_s[s], jnp.int32),
                              a_vec)
            sz_vec16 = jnp.where(sel, jnp.full((LANES,), sz_s[s], jnp.int32),
                                 sz_vec16)
            nv_vec16 = jnp.where(sel, jnp.full((LANES,), nv_s[s], jnp.int32),
                                 nv_vec16)
        av_v[pl.ds(0, LANES)] = a_vec
        szv_v[pl.ds(0, LANES)] = sz_vec16
        nvv_v[pl.ds(0, LANES)] = nv_vec16
        n_jobs = (J - 1 - wid) // NW + 1

        def drain_prev_writes():
            def w_chunk(c, _):
                pltpu.make_async_copy(artd.at[0, pl.ds(0, C)],
                                      feat_out.at[0, 0, pl.ds(0, C)],
                                      sem_w).wait()
                return 0
            lax.fori_loop(0, NCH, w_chunk, 0)
            pltpu.make_async_copy(maskd.at[0], mask_out.at[0, 0],
                                  sem_w).wait()

        def job_body(s, _):
            sl = s - (s // 2) * 2
            j = wid + s * NW
            b = j // K
            k = j - b * K
            a = scalar_at(av_v, s)
            sz = scalar_at(szv_v, s)
            nv = scalar_at(nvv_v, s)

            def g_issue(c, _):
                pltpu.async_copy(store_hbm.at[a, pl.ds(c * C, C)],
                                 artd.at[sl, pl.ds(c * C, C)], sem_g)
                return 0
            lax.fori_loop(0, nv, g_issue, 0)

            szf_vec = jnp.full((LANES,), sz.astype(jnp.float32), jnp.float32)
            inv_vec = jnp.full((LANES,), 1.0, jnp.float32) / (szf_vec + EPS)
            sz_vecb = jnp.full((LANES,), sz, jnp.int32)
            def m_body(i, _):
                tok = iota16 + i * LANES
                maskd[sl, pl.ds(pl.multiple_of(i * LANES, LANES), LANES)] = (
                    jnp.where(tok < sz_vecb, inv_vec, zeros16))
                return 0
            lax.fori_loop(0, T // LANES, m_body, 0)

            def g_drain(c, _):
                pltpu.make_async_copy(store_hbm.at[a, pl.ds(c * C, C)],
                                      artd.at[sl, pl.ds(c * C, C)],
                                      sem_g).wait()
                return 0
            lax.fori_loop(0, nv, g_drain, 0)

            def z_body(t, _):
                for u in range(D // LANES):
                    artd[sl, t, pl.ds(u * LANES, LANES)] = zeros16
                return 0
            lax.fori_loop(sz, jnp.minimum(nv * C, T), z_body, 0)

            @pl.when(s > 0)
            def _():
                drain_prev_writes()

            def w_art(c, _):
                pltpu.async_copy(artd.at[sl, pl.ds(c * C, C)],
                                 feat_out.at[b, k, pl.ds(c * C, C)], sem_w)
                return 0
            def w_zero(c, _):
                pltpu.async_copy(zero_v, feat_out.at[b, k, pl.ds(c * C, C)],
                                 sem_w)
                return 0
            lax.fori_loop(0, nv, w_art, 0)
            lax.fori_loop(nv, NCH, w_zero, 0)
            pltpu.async_copy(maskd.at[sl], mask_out.at[k, b], sem_w)
            return 0

        lax.fori_loop(0, n_jobs, job_body, 0)
        drain_prev_writes()

        @pl.when(wid == 0)
        def _():
            nmval = jnp.full((LANES,), 1.0 / K, jnp.float32)
            for r in range(K):
                nmbuf[r, pl.ds(0, LANES)] = nmval
            pltpu.sync_copy(nmbuf, nm_out)

        pltpu.make_async_copy(qf_hbm.at[bq, pl.ds(rq, QL // 2)], qbuf,
                              sem_q).wait()
        pltpu.sync_copy(qbuf, qf_out.at[bq, pl.ds(rq, QL // 2)])
        @pl.when(wid < 2)
        def _():
            pltpu.make_async_copy(qm_hbm.at[pl.ds(wid * 8, 8)], qmbuf,
                                  sem_q).wait()
            pltpu.sync_copy(qmbuf, qm_out.at[pl.ds(wid * 8, 8)])

    feat, mask_kbt, qf, qm, nm_kb = sc_kernel(
        articles_store, idxs, top_t, articles_lengths, queries_features,
        queries_mask)
    mask = jnp.transpose(mask_kbt, (1, 0, 2))
    nm = jnp.transpose(nm_kb)
    return (qf, qm, feat, mask, nm)

# --- scband reference (transcript-rebuilt; emitter-appended) ---
"""Pipeline reference for scband-base-detector-8280696946757 (READ-ONLY COPY).

The authoritative reference and input builder live on the scoring server;
editing this copy changes nothing except your own understanding.
"""

import jax, jax.numpy as jnp
import numpy as np

MAX_TOKENS_OF_A_DOC = 256
ZERO = 1e-8


def setup_inputs(seed: int = 0) -> dict:
    key = jax.random.key(seed)
    ks = jax.random.split(key, 6)
    B, QL, D = 16, 128, 128
    N_DATA, K_TOP, N_ART = 10000, 5, 1000
    queries_features = jax.random.normal(ks[0], (B, QL, D), dtype=jnp.float32)
    queries_mask = jax.random.uniform(ks[1], (B, QL), dtype=jnp.float32)
    # dataset.articles_features materialized as a padded store [n_articles, MAX_TOKENS_OF_A_DOC, D]
    # with per-article true lengths (ragged docs modeled via lengths array).
    articles_store = jax.random.normal(ks[2], (N_ART, MAX_TOKENS_OF_A_DOC, D), dtype=jnp.float32)
    idxs = jax.random.randint(ks[3], (B,), 0, N_DATA, dtype=jnp.int32)
    top_articles_idxs = jax.random.randint(ks[4], (N_DATA, K_TOP), 0, N_ART, dtype=jnp.int32)
    articles_lengths = jax.random.randint(ks[5], (N_ART,), 1, MAX_TOKENS_OF_A_DOC + 1, dtype=jnp.int32)
    return {
        "queries_features": queries_features,
        "queries_mask": queries_mask,
        "articles_store": articles_store,
        "idxs": idxs,
        "top_articles_idxs": top_articles_idxs,
        "articles_lengths": articles_lengths,
    }


def reference(queries_features, queries_mask, articles_store, idxs, top_articles_idxs, articles_lengths):
    # top_articles_idxs[idxs] : [B, K]
    top_idx = jnp.take(top_articles_idxs, idxs, axis=0)
    # gather padded article features: [B, K, MAX_TOKENS_OF_A_DOC, D]
    feats = jnp.take(articles_store, top_idx, axis=0)
    # sz = min(len(feat), MAX_TOKENS_OF_A_DOC) per (batch, article)
    sz = jnp.minimum(jnp.take(articles_lengths, top_idx, axis=0), MAX_TOKENS_OF_A_DOC)
    pos = jnp.arange(MAX_TOKENS_OF_A_DOC)
    valid = (pos[None, None, :] < sz[:, :, None]).astype(jnp.float32)  # [B, K, T]
    # zero-init tensor filled only up to sz (emulated by masking)
    articles_features = feats * valid[..., None]
    # mask value 1/(sz+ZERO) on valid tokens, 0 elsewhere
    articles_mask = valid / (sz[:, :, None].astype(jnp.float32) + ZERO)
    articles_num_mask = jnp.ones_like(articles_mask[:, :, 0]) / articles_mask.shape[1]
    return (queries_features, queries_mask, articles_features, articles_mask, articles_num_mask)

if __name__ == "__main__":
    import jax
    _d = setup_inputs()
    print(jax.jit(kernel)(*tuple(_d.values())))

</pallas_src>

<mosaic_0001>
#map = affine_map<(d0, d1) -> (0, 0, 0)>
#map1 = affine_map<(d0, d1) -> (0)>
#map2 = affine_map<(d0, d1) -> (0, 0)>
#map3 = affine_map<(d0, d1) -> (0, 0, 0, 0)>
module attributes {stable_mosaic.version = 14 : i64} {
  func.func @sc_kernel(%arg0: i32, %arg1: i32, %arg2: memref<1000x256x128xf32, #tpu.memory_space<hbm>>, %arg3: memref<16xi32, #tpu.memory_space<hbm>>, %arg4: memref<5x10000xi32, #tpu.memory_space<hbm>>, %arg5: memref<1000xi32, #tpu.memory_space<hbm>>, %arg6: memref<16x128x128xf32, #tpu.memory_space<hbm>>, %arg7: memref<16x128xf32, #tpu.memory_space<hbm>>, %arg8: memref<16x5x256x128xf32, #tpu.memory_space<hbm>>, %arg9: memref<5x16x256xf32, #tpu.memory_space<hbm>>, %arg10: memref<16x128x128xf32, #tpu.memory_space<hbm>>, %arg11: memref<16x128xf32, #tpu.memory_space<hbm>>, %arg12: memref<5x16xf32, #tpu.memory_space<hbm>>, %arg13: memref<32xi32, #tpu.memory_space<vmem>>, %arg14: memref<3x5x128xi32, #tpu.memory_space<vmem>>, %arg15: memref<400xi32, #tpu.memory_space<vmem>>, %arg16: memref<1016xi32, #tpu.memory_space<vmem>>, %arg17: memref<32xi32, #tpu.memory_space<vmem>>, %arg18: memref<32xi32, #tpu.memory_space<vmem>>, %arg19: memref<32xi32, #tpu.memory_space<vmem>>, %arg20: memref<2x256x128xf32, #tpu.memory_space<vmem>>, %arg21: memref<16x128xf32, #tpu.memory_space<vmem>>, %arg22: memref<2x256xf32, #tpu.memory_space<vmem>>, %arg23: memref<64x128xf32, #tpu.memory_space<vmem>>, %arg24: memref<8x128xf32, #tpu.memory_space<vmem>>, %arg25: memref<5x16xf32, #tpu.memory_space<vmem>>, %arg26: memref<!tpu.dma_semaphore, #tpu.memory_space<semaphore_mem>>, %arg27: memref<!tpu.dma_semaphore, #tpu.memory_space<semaphore_mem>>, %arg28: memref<!tpu.dma_semaphore, #tpu.memory_space<semaphore_mem>>, %arg29: memref<!tpu.dma_semaphore, #tpu.memory_space<semaphore_mem>>) attributes {dimension_semantics = [#tpu.dimension_semantics<core_parallel>, #tpu.dimension_semantics<subcore_parallel>], iteration_bounds = array<i64: 2, 16>, scalar_prefetch = 0 : i64, scratch_operands = 17 : i64, tpu.core_type = #tpu.core_type<sc_vector_subcore>, window_params = [{transform_indices = #map}, {transform_indices = #map1}, {transform_indices = #map2}, {transform_indices = #map1}, {transform_indices = #map}, {transform_indices = #map2}, {transform_indices = #map3}, {transform_indices = #map}, {transform_indices = #map}, {transform_indices = #map2}, {transform_indices = #map2}]} {
    %mul3A = arith.constant 2 : i32
    %mul3A_0 = arith.muli %arg1, %mul3A : i32
    %add3A = arith.addi %mul3A_0, %arg0 : i32
    %broadcast_in_dim3A = arith.constant 0.000000e+00 : f32
    %broadcast_in_dim3A_1 = vector.broadcast %broadcast_in_dim3A : f32 to vector<16xf32>
    %iota3A = tpu.iota {dimensions = array<i32: 0>} : vector<16xi32>
    %jit3A = arith.constant 2 : i32
    %div3A = arith.divsi %add3A, %jit3A : i32
    %sign3A = arith.constant 0 : i32
    %sign3A_2 = arith.cmpi sgt, %add3A, %sign3A : i32
    %sign3A_3 = arith.extui %sign3A_2 : i1 to i32
    %sign3A_4 = arith.constant 0 : i32
    %sign3A_5 = arith.cmpi slt, %add3A, %sign3A_4 : i32
    %sign3A_6 = arith.extui %sign3A_5 : i1 to i32
    %sign3A_7 = arith.subi %sign3A_3, %sign3A_6 : i32
    %sign3A_8 = arith.constant 0 : i32
    %sign3A_9 = arith.cmpi sgt, %jit3A, %sign3A_8 : i32
    %sign3A_10 = arith.extui %sign3A_9 : i1 to i32
    %sign3A_11 = arith.constant 0 : i32
    %sign3A_12 = arith.cmpi slt, %jit3A, %sign3A_11 : i32
    %sign3A_13 = arith.extui %sign3A_12 : i1 to i32
    %sign3A_14 = arith.subi %sign3A_10, %sign3A_13 : i32
    %ne3A = arith.cmpi ne, %sign3A_7, %sign3A_14 : i32
    %rem3A = arith.remsi %add3A, %jit3A : i32
    %ne3A_15 = arith.constant 0 : i32
    %ne3A_16 = arith.cmpi ne, %rem3A, %ne3A_15 : i32
    %and3A = arith.andi %ne3A, %ne3A_16 : i1
    %sub3A = arith.constant 1 : i32
    %sub3A_17 = arith.subi %div3A, %sub3A : i32
    %select_n3A = arith.select %and3A, %sub3A_17, %div3A : i32
    %mul3A_18 = arith.constant 2 : i32
    %mul3A_19 = arith.muli %select_n3A, %mul3A_18 : i32
    %sub3A_20 = arith.subi %add3A, %mul3A_19 : i32
    %mul3A_21 = arith.constant 64 : i32
    %mul3A_22 = arith.muli %sub3A_20, %mul3A_21 : i32
    %dma_start3A = arith.constant 0 : i32
    %dma_start3A_23 = tpu.memref_slice %arg6[%select_n3A, %mul3A_22, %dma_start3A] : memref<16x128x128xf32, #tpu.memory_space<hbm>> -> memref<1x64x128xf32, #tpu.memory_space<hbm>>
    %dma_start3A_24 = tpu.memref_squeeze %dma_start3A_23 : memref<1x64x128xf32, #tpu.memory_space<hbm>> -> memref<64x128xf32, #tpu.memory_space<hbm>>
    %dma_start3A_25 = arith.constant 0 : i32
    %dma_start3A_26 = tpu.memref_slice %arg6[%select_n3A, %mul3A_22, %dma_start3A_25] : memref<16x128x128xf32, #tpu.memory_space<hbm>> -> memref<1x64x128xf32, #tpu.memory_space<hbm>>
    %dma_start3A_27 = tpu.memref_squeeze %dma_start3A_26 : memref<1x64x128xf32, #tpu.memory_space<hbm>> -> memref<64x128xf32, #tpu.memory_space<hbm>>
    tpu.enqueue_dma source(%dma_start3A_27 : memref<64x128xf32, #tpu.memory_space<hbm>>) target(%arg23 : memref<64x128xf32, #tpu.memory_space<vmem>>) target_semaphore(%arg29 : memref<!tpu.dma_semaphore, #tpu.memory_space<semaphore_mem>>)
    %lt3A = arith.constant 2 : i32
    %lt3A_28 = arith.cmpi slt, %add3A, %lt3A : i32
    %convert_element_type3A = arith.extui %lt3A_28 : i1 to i32
    %cond3A = arith.constant 0 : i32
    %cond3A_29 = arith.cmpi ne, %convert_element_type3A, %cond3A : i32
    scf.if %cond3A_29 {
      %mul3A_904 = arith.constant 8 : i32
      %mul3A_905 = arith.muli %add3A, %mul3A_904 : i32
      %dma_start3A_906 = arith.constant 0 : i32
      %dma_start3A_907 = tpu.memref_slice %arg7[%mul3A_905, %dma_start3A_906] : memref<16x128xf32, #tpu.memory_space<hbm>> -> memref<8x128xf32, #tpu.memory_space<hbm>>
      %dma_start3A_908 = arith.constant 0 : i32
      %dma_start3A_909 = tpu.memref_slice %arg7[%mul3A_905, %dma_start3A_908] : memref<16x128xf32, #tpu.memory_space<hbm>> -> memref<8x128xf32, #tpu.memory_space<hbm>>
      tpu.enqueue_dma source(%dma_start3A_909 : memref<8x128xf32, #tpu.memory_space<hbm>>) target(%arg24 : memref<8x128xf32, #tpu.memory_space<vmem>>) target_semaphore(%arg29 : memref<!tpu.dma_semaphore, #tpu.memory_space<semaphore_mem>>)
    } else {
    }
    "tpu.region"() ({
      %run_scoped3A = tpu.sem_alloc : memref<!tpu.dma_semaphore, #tpu.memory_space<semaphore_mem>>
      %dma_start3A_904 = arith.constant 0 : i32
      %dma_start3A_905 = tpu.memref_slice %arg13[%dma_start3A_904] : memref<32xi32, #tpu.memory_space<vmem>> -> memref<16xi32, #tpu.memory_space<vmem>>
      %dma_start3A_906 = arith.constant 0 : i32
      %dma_start3A_907 = tpu.memref_slice %arg13[%dma_start3A_906] : memref<32xi32, #tpu.memory_space<vmem>> -> memref<16xi32, #tpu.memory_space<vmem>>
      tpu.enqueue_dma source(%arg3 : memref<16xi32, #tpu.memory_space<hbm>>) target(%dma_start3A_907 : memref<16xi32, #tpu.memory_space<vmem>>) target_semaphore(%run_scoped3A : memref<!tpu.dma_semaphore, #tpu.memory_space<semaphore_mem>>)
      %dma_wait3A_908 = arith.constant 0 : i32
      %dma_wait3A_909 = tpu.memref_slice %arg13[%dma_wait3A_908] : memref<32xi32, #tpu.memory_space<vmem>> -> memref<16xi32, #tpu.memory_space<vmem>>
      %dma_wait3A_910 = arith.constant 0 : i32
      %dma_wait3A_911 = tpu.memref_slice %arg13[%dma_wait3A_910] : memref<32xi32, #tpu.memory_space<vmem>> -> memref<16xi32, #tpu.memory_space<vmem>>
      tpu.wait_dma2 semaphore(%run_scoped3A : memref<!tpu.dma_semaphore, #tpu.memory_space<semaphore_mem>>) src(%arg3 : memref<16xi32, #tpu.memory_space<hbm>>) dst(%dma_wait3A_911 : memref<16xi32, #tpu.memory_space<vmem>>)
      tpu.yield
    }) : () -> ()
    %dma_start3A_30 = arith.constant 0 : i32
    %dma_start3A_31 = tpu.memref_slice %arg16[%dma_start3A_30] : memref<1016xi32, #tpu.memory_space<vmem>> -> memref<1000xi32, #tpu.memory_space<vmem>>
    %dma_start3A_32 = arith.constant 0 : i32
    %dma_start3A_33 = tpu.memref_slice %arg16[%dma_start3A_32] : memref<1016xi32, #tpu.memory_space<vmem>> -> memref<1000xi32, #tpu.memory_space<vmem>>
    tpu.enqueue_dma source(%arg5 : memref<1000xi32, #tpu.memory_space<hbm>>) target(%dma_start3A_33 : memref<1000xi32, #tpu.memory_space<vmem>>) target_semaphore(%arg28 : memref<!tpu.dma_semaphore, #tpu.memory_space<semaphore_mem>>)
    %add3A_34 = arith.constant 0 : i32
    %add3A_35 = arith.addi %add3A, %add3A_34 : i32
    %min3A = arith.constant 79 : i32
    %min3A_36 = arith.minsi %add3A_35, %min3A : i32
    %jit3A_37 = arith.constant 5 : i32
    %div3A_38 = arith.divsi %min3A_36, %jit3A_37 : i32
    %sign3A_39 = arith.constant 0 : i32
    %sign3A_40 = arith.cmpi sgt, %min3A_36, %sign3A_39 : i32
    %sign3A_41 = arith.extui %sign3A_40 : i1 to i32
    %sign3A_42 = arith.constant 0 : i32
    %sign3A_43 = arith.cmpi slt, %min3A_36, %sign3A_42 : i32
    %sign3A_44 = arith.extui %sign3A_43 : i1 to i32
    %sign3A_45 = arith.subi %sign3A_41, %sign3A_44 : i32
    %sign3A_46 = arith.constant 0 : i32
    %sign3A_47 = arith.cmpi sgt, %jit3A_37, %sign3A_46 : i32
    %sign3A_48 = arith.extui %sign3A_47 : i1 to i32
    %sign3A_49 = arith.constant 0 : i32
    %sign3A_50 = arith.cmpi slt, %jit3A_37, %sign3A_49 : i32
    %sign3A_51 = arith.extui %sign3A_50 : i1 to i32
    %sign3A_52 = arith.subi %sign3A_48, %sign3A_51 : i32
    %ne3A_53 = arith.cmpi ne, %sign3A_45, %sign3A_52 : i32
    %rem3A_54 = arith.remsi %min3A_36, %jit3A_37 : i32
    %ne3A_55 = arith.constant 0 : i32
    %ne3A_56 = arith.cmpi ne, %rem3A_54, %ne3A_55 : i32
    %and3A_57 = arith.andi %ne3A_53, %ne3A_56 : i1
    %sub3A_58 = arith.constant 1 : i32
    %sub3A_59 = arith.subi %div3A_38, %sub3A_58 : i32
    %select_n3A_60 = arith.select %and3A_57, %sub3A_59, %div3A_38 : i32
    %mul3A_61 = arith.constant 5 : i32
    %mul3A_62 = arith.muli %select_n3A_60, %mul3A_61 : i32
    %sub3A_63 = arith.subi %min3A_36, %mul3A_62 : i32
    %get3A = arith.index_cast %select_n3A_60 : i32 to index
    %get3A_64 = tpu.vector_load %arg13[%get3A] {strides = array<i32>} : memref<32xi32, #tpu.memory_space<vmem>>, vector<16xi32>,
    %get3A_65 = vector.shape_cast %get3A_64 : vector<16xi32> to vector<16xi32>
    %slice3A = vector.extract_strided_slice %get3A_65 {offsets = [0], sizes = [1], strides = [1]} : vector<16xi32> to vector<1xi32>
    %squeeze3A = vector.extract %slice3A[0] : i32 from vector<1xi32>
    %jit3A_66 = arith.constant 128 : i32
    %div3A_67 = arith.divsi %squeeze3A, %jit3A_66 : i32
    %sign3A_68 = arith.constant 0 : i32
    %sign3A_69 = arith.cmpi sgt, %squeeze3A, %sign3A_68 : i32
    %sign3A_70 = arith.extui %sign3A_69 : i1 to i32
    %sign3A_71 = arith.constant 0 : i32
    %sign3A_72 = arith.cmpi slt, %squeeze3A, %sign3A_71 : i32
    %sign3A_73 = arith.extui %sign3A_72 : i1 to i32
    %sign3A_74 = arith.subi %sign3A_70, %sign3A_73 : i32
    %sign3A_75 = arith.constant 0 : i32
    %sign3A_76 = arith.cmpi sgt, %jit3A_66, %sign3A_75 : i32
    %sign3A_77 = arith.extui %sign3A_76 : i1 to i32
    %sign3A_78 = arith.constant 0 : i32
    %sign3A_79 = arith.cmpi slt, %jit3A_66, %sign3A_78 : i32
    %sign3A_80 = arith.extui %sign3A_79 : i1 to i32
    %sign3A_81 = arith.subi %sign3A_77, %sign3A_80 : i32
    %ne3A_82 = arith.cmpi ne, %sign3A_74, %sign3A_81 : i32
    %rem3A_83 = arith.remsi %squeeze3A, %jit3A_66 : i32
    %ne3A_84 = arith.constant 0 : i32
    %ne3A_85 = arith.cmpi ne, %rem3A_83, %ne3A_84 : i32
    %and3A_86 = arith.andi %ne3A_82, %ne3A_85 : i1
    %sub3A_87 = arith.constant 1 : i32
    %sub3A_88 = arith.subi %div3A_67, %sub3A_87 : i32
    %select_n3A_89 = arith.select %and3A_86, %sub3A_88, %div3A_67 : i32
    %mul3A_90 = arith.constant 128 : i32
    %mul3A_91 = arith.muli %select_n3A_89, %mul3A_90 : i32
    %multiple_of3A = tpu.assume_multiple %mul3A_91, 128 : i32
    %dma_start3A_92 = arith.constant 0 : i32
    %dma_start3A_93 = arith.constant 0 : i32
    %dma_start3A_94 = arith.constant 0 : i32
    %dma_start3A_95 = tpu.memref_slice %arg14[%dma_start3A_92, %dma_start3A_93, %dma_start3A_94] : memref<3x5x128xi32, #tpu.memory_space<vmem>> -> memref<1x5x128xi32, #tpu.memory_space<vmem>>
    %dma_start3A_96 = tpu.memref_squeeze %dma_start3A_95 : memref<1x5x128xi32, #tpu.memory_space<vmem>> -> memref<5x128xi32, #tpu.memory_space<vmem>>
    %dma_start3A_97 = arith.constant 0 : i32
    %dma_start3A_98 = tpu.memref_slice %arg4[%dma_start3A_97, %multiple_of3A] : memref<5x10000xi32, #tpu.memory_space<hbm>> -> memref<5x128xi32, #tpu.memory_space<hbm>>
    %dma_start3A_99 = arith.constant 0 : i32
    %dma_start3A_100 = arith.constant 0 : i32
    %dma_start3A_101 = tpu.memref_slice %arg14[%dma_start3A_92, %dma_start3A_99, %dma_start3A_100] : memref<3x5x128xi32, #tpu.memory_space<vmem>> -> memref<1x5x128xi32, #tpu.memory_space<vmem>>
    %dma_start3A_102 = tpu.memref_squeeze %dma_start3A_101 : memref<1x5x128xi32, #tpu.memory_space<vmem>> -> memref<5x128xi32, #tpu.memory_space<vmem>>
    %dma_start3A_103 = arith.constant 0 : i32
    %dma_start3A_104 = tpu.memref_slice %arg4[%dma_start3A_103, %multiple_of3A] : memref<5x10000xi32, #tpu.memory_space<hbm>> -> memref<5x128xi32, #tpu.memory_space<hbm>>
    tpu.enqueue_dma source(%dma_start3A_104 : memref<5x128xi32, #tpu.memory_space<hbm>>) target(%dma_start3A_102 : memref<5x128xi32, #tpu.memory_space<vmem>>) target_semaphore(%arg28 : memref<!tpu.dma_semaphore, #tpu.memory_space<semaphore_mem>>)
    %add3A_105 = arith.constant 32 : i32
    %add3A_106 = arith.addi %add3A, %add3A_105 : i32
    %min3A_107 = arith.constant 79 : i32
    %min3A_108 = arith.minsi %add3A_106, %min3A_107 : i32
    %jit3A_109 = arith.constant 5 : i32
    %div3A_110 = arith.divsi %min3A_108, %jit3A_109 : i32
    %sign3A_111 = arith.constant 0 : i32
    %sign3A_112 = arith.cmpi sgt, %min3A_108, %sign3A_111 : i32
    %sign3A_113 = arith.extui %sign3A_112 : i1 to i32
    %sign3A_114 = arith.constant 0 : i32
    %sign3A_115 = arith.cmpi slt, %min3A_108, %sign3A_114 : i32
    %sign3A_116 = arith.extui %sign3A_115 : i1 to i32
    %sign3A_117 = arith.subi %sign3A_113, %sign3A_116 : i32
    %sign3A_118 = arith.constant 0 : i32
    %sign3A_119 = arith.cmpi sgt, %jit3A_109, %sign3A_118 : i32
    %sign3A_120 = arith.extui %sign3A_119 : i1 to i32
    %sign3A_121 = arith.constant 0 : i32
    %sign3A_122 = arith.cmpi slt, %jit3A_109, %sign3A_121 : i32
    %sign3A_123 = arith.extui %sign3A_122 : i1 to i32
    %sign3A_124 = arith.subi %sign3A_120, %sign3A_123 : i32
    %ne3A_125 = arith.cmpi ne, %sign3A_117, %sign3A_124 : i32
    %rem3A_126 = arith.remsi %min3A_108, %jit3A_109 : i32
    %ne3A_127 = arith.constant 0 : i32
    %ne3A_128 = arith.cmpi ne, %rem3A_126, %ne3A_127 : i32
    %and3A_129 = arith.andi %ne3A_125, %ne3A_128 : i1
    %sub3A_130 = arith.constant 1 : i32
    %sub3A_131 = arith.subi %div3A_110, %sub3A_130 : i32
    %select_n3A_132 = arith.select %and3A_129, %sub3A_131, %div3A_110 : i32
    %mul3A_133 = arith.constant 5 : i32
    %mul3A_134 = arith.muli %select_n3A_132, %mul3A_133 : i32
    %sub3A_135 = arith.subi %min3A_108, %mul3A_134 : i32
    %get3A_136 = arith.index_cast %select_n3A_132 : i32 to index
    %get3A_137 = tpu.vector_load %arg13[%get3A_136] {strides = array<i32>} : memref<32xi32, #tpu.memory_space<vmem>>, vector<16xi32>,
    %get3A_138 = vector.shape_cast %get3A_137 : vector<16xi32> to vector<16xi32>
    %slice3A_139 = vector.extract_strided_slice %get3A_138 {offsets = [0], sizes = [1], strides = [1]} : vector<16xi32> to vector<1xi32>
    %squeeze3A_140 = vector.extract %slice3A_139[0] : i32 from vector<1xi32>
    %jit3A_141 = arith.constant 128 : i32
    %div3A_142 = arith.divsi %squeeze3A_140, %jit3A_141 : i32
    %sign3A_143 = arith.constant 0 : i32
    %sign3A_144 = arith.cmpi sgt, %squeeze3A_140, %sign3A_143 : i32
    %sign3A_145 = arith.extui %sign3A_144 : i1 to i32
    %sign3A_146 = arith.constant 0 : i32
    %sign3A_147 = arith.cmpi slt, %squeeze3A_140, %sign3A_146 : i32
    %sign3A_148 = arith.extui %sign3A_147 : i1 to i32
    %sign3A_149 = arith.subi %sign3A_145, %sign3A_148 : i32
    %sign3A_150 = arith.constant 0 : i32
    %sign3A_151 = arith.cmpi sgt, %jit3A_141, %sign3A_150 : i32
    %sign3A_152 = arith.extui %sign3A_151 : i1 to i32
    %sign3A_153 = arith.constant 0 : i32
    %sign3A_154 = arith.cmpi slt, %jit3A_141, %sign3A_153 : i32
    %sign3A_155 = arith.extui %sign3A_154 : i1 to i32
    %sign3A_156 = arith.subi %sign3A_152, %sign3A_155 : i32
    %ne3A_157 = arith.cmpi ne, %sign3A_149, %sign3A_156 : i32
    %rem3A_158 = arith.remsi %squeeze3A_140, %jit3A_141 : i32
    %ne3A_159 = arith.constant 0 : i32
    %ne3A_160 = arith.cmpi ne, %rem3A_158, %ne3A_159 : i32
    %and3A_161 = arith.andi %ne3A_157, %ne3A_160 : i1
    %sub3A_162 = arith.constant 1 : i32
    %sub3A_163 = arith.subi %div3A_142, %sub3A_162 : i32
    %select_n3A_164 = arith.select %and3A_161, %sub3A_163, %div3A_142 : i32
    %mul3A_165 = arith.constant 128 : i32
    %mul3A_166 = arith.muli %select_n3A_164, %mul3A_165 : i32
    %multiple_of3A_167 = tpu.assume_multiple %mul3A_166, 128 : i32
    %dma_start3A_168 = arith.constant 1 : i32
    %dma_start3A_169 = arith.constant 0 : i32
    %dma_start3A_170 = arith.constant 0 : i32
    %dma_start3A_171 = tpu.memref_slice %arg14[%dma_start3A_168, %dma_start3A_169, %dma_start3A_170] : memref<3x5x128xi32, #tpu.memory_space<vmem>> -> memref<1x5x128xi32, #tpu.memory_space<vmem>>
    %dma_start3A_172 = tpu.memref_squeeze %dma_start3A_171 : memref<1x5x128xi32, #tpu.memory_space<vmem>> -> memref<5x128xi32, #tpu.memory_space<vmem>>
    %dma_start3A_173 = arith.constant 0 : i32
    %dma_start3A_174 = tpu.memref_slice %arg4[%dma_start3A_173, %multiple_of3A_167] : memref<5x10000xi32, #tpu.memory_space<hbm>> -> memref<5x128xi32, #tpu.memory_space<hbm>>
    %dma_start3A_175 = arith.constant 0 : i32
    %dma_start3A_176 = arith.constant 0 : i32
    %dma_start3A_177 = tpu.memref_slice %arg14[%dma_start3A_168, %dma_start3A_175, %dma_start3A_176] : memref<3x5x128xi32, #tpu.memory_space<vmem>> -> memref<1x5x128xi32, #tpu.memory_space<vmem>>
    %dma_start3A_178 = tpu.memref_squeeze %dma_start3A_177 : memref<1x5x128xi32, #tpu.memory_space<vmem>> -> memref<5x128xi32, #tpu.memory_space<vmem>>
    %dma_start3A_179 = arith.constant 0 : i32
    %dma_start3A_180 = tpu.memref_slice %arg4[%dma_start3A_179, %multiple_of3A_167] : memref<5x10000xi32, #tpu.memory_space<hbm>> -> memref<5x128xi32, #tpu.memory_space<hbm>>
    tpu.enqueue_dma source(%dma_start3A_180 : memref<5x128xi32, #tpu.memory_space<hbm>>) target(%dma_start3A_178 : memref<5x128xi32, #tpu.memory_space<vmem>>) target_semaphore(%arg28 : memref<!tpu.dma_semaphore, #tpu.memory_space<semaphore_mem>>)
    %add3A_181 = arith.constant 64 : i32
    %add3A_182 = arith.addi %add3A, %add3A_181 : i32
    %min3A_183 = arith.constant 79 : i32
    %min3A_184 = arith.minsi %add3A_182, %min3A_183 : i32
    %jit3A_185 = arith.constant 5 : i32
    %div3A_186 = arith.divsi %min3A_184, %jit3A_185 : i32
    %sign3A_187 = arith.constant 0 : i32
    %sign3A_188 = arith.cmpi sgt, %min3A_184, %sign3A_187 : i32
    %sign3A_189 = arith.extui %sign3A_188 : i1 to i32
    %sign3A_190 = arith.constant 0 : i32
    %sign3A_191 = arith.cmpi slt, %min3A_184, %sign3A_190 : i32
    %sign3A_192 = arith.extui %sign3A_191 : i1 to i32
    %sign3A_193 = arith.subi %sign3A_189, %sign3A_192 : i32
    %sign3A_194 = arith.constant 0 : i32
    %sign3A_195 = arith.cmpi sgt, %jit3A_185, %sign3A_194 : i32
    %sign3A_196 = arith.extui %sign3A_195 : i1 to i32
    %sign3A_197 = arith.constant 0 : i32
    %sign3A_198 = arith.cmpi slt, %jit3A_185, %sign3A_197 : i32
    %sign3A_199 = arith.extui %sign3A_198 : i1 to i32
    %sign3A_200 = arith.subi %sign3A_196, %sign3A_199 : i32
    %ne3A_201 = arith.cmpi ne, %sign3A_193, %sign3A_200 : i32
    %rem3A_202 = arith.remsi %min3A_184, %jit3A_185 : i32
    %ne3A_203 = arith.constant 0 : i32
    %ne3A_204 = arith.cmpi ne, %rem3A_202, %ne3A_203 : i32
    %and3A_205 = arith.andi %ne3A_201, %ne3A_204 : i1
    %sub3A_206 = arith.constant 1 : i32
    %sub3A_207 = arith.subi %div3A_186, %sub3A_206 : i32
    %select_n3A_208 = arith.select %and3A_205, %sub3A_207, %div3A_186 : i32
    %mul3A_209 = arith.constant 5 : i32
    %mul3A_210 = arith.muli %select_n3A_208, %mul3A_209 : i32
    %sub3A_211 = arith.subi %min3A_184, %mul3A_210 : i32
    %get3A_212 = arith.index_cast %select_n3A_208 : i32 to index
    %get3A_213 = tpu.vector_load %arg13[%get3A_212] {strides = array<i32>} : memref<32xi32, #tpu.memory_space<vmem>>, vector<16xi32>,
    %get3A_214 = vector.shape_cast %get3A_213 : vector<16xi32> to vector<16xi32>
    %slice3A_215 = vector.extract_strided_slice %get3A_214 {offsets = [0], sizes = [1], strides = [1]} : vector<16xi32> to vector<1xi32>
    %squeeze3A_216 = vector.extract %slice3A_215[0] : i32 from vector<1xi32>
    %jit3A_217 = arith.constant 128 : i32
    %div3A_218 = arith.divsi %squeeze3A_216, %jit3A_217 : i32
    %sign3A_219 = arith.constant 0 : i32
    %sign3A_220 = arith.cmpi sgt, %squeeze3A_216, %sign3A_219 : i32
    %sign3A_221 = arith.extui %sign3A_220 : i1 to i32
    %sign3A_222 = arith.constant 0 : i32
    %sign3A_223 = arith.cmpi slt, %squeeze3A_216, %sign3A_222 : i32
    %sign3A_224 = arith.extui %sign3A_223 : i1 to i32
    %sign3A_225 = arith.subi %sign3A_221, %sign3A_224 : i32
    %sign3A_226 = arith.constant 0 : i32
    %sign3A_227 = arith.cmpi sgt, %jit3A_217, %sign3A_226 : i32
    %sign3A_228 = arith.extui %sign3A_227 : i1 to i32
    %sign3A_229 = arith.constant 0 : i32
    %sign3A_230 = arith.cmpi slt, %jit3A_217, %sign3A_229 : i32
    %sign3A_231 = arith.extui %sign3A_230 : i1 to i32
    %sign3A_232 = arith.subi %sign3A_228, %sign3A_231 : i32
    %ne3A_233 = arith.cmpi ne, %sign3A_225, %sign3A_232 : i32
    %rem3A_234 = arith.remsi %squeeze3A_216, %jit3A_217 : i32
    %ne3A_235 = arith.constant 0 : i32
    %ne3A_236 = arith.cmpi ne, %rem3A_234, %ne3A_235 : i32
    %and3A_237 = arith.andi %ne3A_233, %ne3A_236 : i1
    %sub3A_238 = arith.constant 1 : i32
    %sub3A_239 = arith.subi %div3A_218, %sub3A_238 : i32
    %select_n3A_240 = arith.select %and3A_237, %sub3A_239, %div3A_218 : i32
    %mul3A_241 = arith.constant 128 : i32
    %mul3A_242 = arith.muli %select_n3A_240, %mul3A_241 : i32
    %multiple_of3A_243 = tpu.assume_multiple %mul3A_242, 128 : i32
    %dma_start3A_244 = arith.constant 2 : i32
    %dma_start3A_245 = arith.constant 0 : i32
    %dma_start3A_246 = arith.constant 0 : i32
    %dma_start3A_247 = tpu.memref_slice %arg14[%dma_start3A_244, %dma_start3A_245, %dma_start3A_246] : memref<3x5x128xi32, #tpu.memory_space<vmem>> -> memref<1x5x128xi32, #tpu.memory_space<vmem>>
    %dma_start3A_248 = tpu.memref_squeeze %dma_start3A_247 : memref<1x5x128xi32, #tpu.memory_space<vmem>> -> memref<5x128xi32, #tpu.memory_space<vmem>>
    %dma_start3A_249 = arith.constant 0 : i32
    %dma_start3A_250 = tpu.memref_slice %arg4[%dma_start3A_249, %multiple_of3A_243] : memref<5x10000xi32, #tpu.memory_space<hbm>> -> memref<5x128xi32, #tpu.memory_space<hbm>>
    %dma_start3A_251 = arith.constant 0 : i32
    %dma_start3A_252 = arith.constant 0 : i32
    %dma_start3A_253 = tpu.memref_slice %arg14[%dma_start3A_244, %dma_start3A_251, %dma_start3A_252] : memref<3x5x128xi32, #tpu.memory_space<vmem>> -> memref<1x5x128xi32, #tpu.memory_space<vmem>>
    %dma_start3A_254 = tpu.memref_squeeze %dma_start3A_253 : memref<1x5x128xi32, #tpu.memory_space<vmem>> -> memref<5x128xi32, #tpu.memory_space<vmem>>
    %dma_start3A_255 = arith.constant 0 : i32
    %dma_start3A_256 = tpu.memref_slice %arg4[%dma_start3A_255, %multiple_of3A_243] : memref<5x10000xi32, #tpu.memory_space<hbm>> -> memref<5x128xi32, #tpu.memory_space<hbm>>
    tpu.enqueue_dma source(%dma_start3A_256 : memref<5x128xi32, #tpu.memory_space<hbm>>) target(%dma_start3A_254 : memref<5x128xi32, #tpu.memory_space<vmem>>) target_semaphore(%arg28 : memref<!tpu.dma_semaphore, #tpu.memory_space<semaphore_mem>>)
    %scan3A = arith.constant 0 : i32
    %scan3A_257 = arith.constant 0 : i32
    %scan3A_258 = arith.constant 16 : i32
    %scan3A_259 = arith.addi %scan3A_257, %scan3A_258 : i32
    %scan3A_260 = arith.constant 1 : i32
    %scan3A_261 = scf.for %scan3A_904 = %scan3A_257 to %scan3A_259 step %scan3A_260 iter_args(%scan3A_905 = %scan3A) -> (i32)  : i32 {
      %swap3A_906 = arith.index_cast %scan3A_904 : i32 to index
      %swap3A_907 = arith.constant 0 : index
      %swap3A_908 = tpu.vector_load %arg21[%swap3A_906, %swap3A_907] {strides = array<i32>} : memref<16x128xf32, #tpu.memory_space<vmem>>, vector<1x16xf32>,
      %swap3A_909 = vector.shape_cast %swap3A_908 : vector<1x16xf32> to vector<16xf32>
      %swap3A_910 = vector.shape_cast %broadcast_in_dim3A_1 : vector<16xf32> to vector<1x16xf32>
      tpu.vector_store %arg21[%swap3A_906, %swap3A_907], %swap3A_910 {strides = array<i32>} : memref<16x128xf32, #tpu.memory_space<vmem>>, vector<1x16xf32>,
      %swap3A_911 = arith.index_cast %scan3A_904 : i32 to index
      %swap3A_912 = arith.constant 16 : index
      %swap3A_913 = tpu.vector_load %arg21[%swap3A_911, %swap3A_912] {strides = array<i32>} : memref<16x128xf32, #tpu.memory_space<vmem>>, vector<1x16xf32>,
      %swap3A_914 = vector.shape_cast %swap3A_913 : vector<1x16xf32> to vector<16xf32>
      %swap3A_915 = vector.shape_cast %broadcast_in_dim3A_1 : vector<16xf32> to vector<1x16xf32>
      tpu.vector_store %arg21[%swap3A_911, %swap3A_912], %swap3A_915 {strides = array<i32>} : memref<16x128xf32, #tpu.memory_space<vmem>>, vector<1x16xf32>,
      %swap3A_916 = arith.index_cast %scan3A_904 : i32 to index
      %swap3A_917 = arith.constant 32 : index
      %swap3A_918 = tpu.vector_load %arg21[%swap3A_916, %swap3A_917] {strides = array<i32>} : memref<16x128xf32, #tpu.memory_space<vmem>>, vector<1x16xf32>,
      %swap3A_919 = vector.shape_cast %swap3A_918 : vector<1x16xf32> to vector<16xf32>
      %swap3A_920 = vector.shape_cast %broadcast_in_dim3A_1 : vector<16xf32> to vector<1x16xf32>
      tpu.vector_store %arg21[%swap3A_916, %swap3A_917], %swap3A_920 {strides = array<i32>} : memref<16x128xf32, #tpu.memory_space<vmem>>, vector<1x16xf32>,
      %swap3A_921 = arith.index_cast %scan3A_904 : i32 to index
      %swap3A_922 = arith.constant 48 : index
      %swap3A_923 = tpu.vector_load %arg21[%swap3A_921, %swap3A_922] {strides = array<i32>} : memref<16x128xf32, #tpu.memory_space<vmem>>, vector<1x16xf32>,
      %swap3A_924 = vector.shape_cast %swap3A_923 : vector<1x16xf32> to vector<16xf32>
      %swap3A_925 = vector.shape_cast %broadcast_in_dim3A_1 : vector<16xf32> to vector<1x16xf32>
      tpu.vector_store %arg21[%swap3A_921, %swap3A_922], %swap3A_925 {strides = array<i32>} : memref<16x128xf32, #tpu.memory_space<vmem>>, vector<1x16xf32>,
      %swap3A_926 = arith.index_cast %scan3A_904 : i32 to index
      %swap3A_927 = arith.constant 64 : index
      %swap3A_928 = tpu.vector_load %arg21[%swap3A_926, %swap3A_927] {strides = array<i32>} : memref<16x128xf32, #tpu.memory_space<vmem>>, vector<1x16xf32>,
      %swap3A_929 = vector.shape_cast %swap3A_928 : vector<1x16xf32> to vector<16xf32>
      %swap3A_930 = vector.shape_cast %broadcast_in_dim3A_1 : vector<16xf32> to vector<1x16xf32>
      tpu.vector_store %arg21[%swap3A_926, %swap3A_927], %swap3A_930 {strides = array<i32>} : memref<16x128xf32, #tpu.memory_space<vmem>>, vector<1x16xf32>,
      %swap3A_931 = arith.index_cast %scan3A_904 : i32 to index
      %swap3A_932 = arith.constant 80 : index
      %swap3A_933 = tpu.vector_load %arg21[%swap3A_931, %swap3A_932] {strides = array<i32>} : memref<16x128xf32, #tpu.memory_space<vmem>>, vector<1x16xf32>,
      %swap3A_934 = vector.shape_cast %swap3A_933 : vector<1x16xf32> to vector<16xf32>
      %swap3A_935 = vector.shape_cast %broadcast_in_dim3A_1 : vector<16xf32> to vector<1x16xf32>
      tpu.vector_store %arg21[%swap3A_931, %swap3A_932], %swap3A_935 {strides = array<i32>} : memref<16x128xf32, #tpu.memory_space<vmem>>, vector<1x16xf32>,
      %swap3A_936 = arith.index_cast %scan3A_904 : i32 to index
      %swap3A_937 = arith.constant 96 : index
      %swap3A_938 = tpu.vector_load %arg21[%swap3A_936, %swap3A_937] {strides = array<i32>} : memref<16x128xf32, #tpu.memory_space<vmem>>, vector<1x16xf32>,
      %swap3A_939 = vector.shape_cast %swap3A_938 : vector<1x16xf32> to vector<16xf32>
      %swap3A_940 = vector.shape_cast %broadcast_in_dim3A_1 : vector<16xf32> to vector<1x16xf32>
      tpu.vector_store %arg21[%swap3A_936, %swap3A_937], %swap3A_940 {strides = array<i32>} : memref<16x128xf32, #tpu.memory_space<vmem>>, vector<1x16xf32>,
      %swap3A_941 = arith.index_cast %scan3A_904 : i32 to index
      %swap3A_942 = arith.constant 112 : index
      %swap3A_943 = tpu.vector_load %arg21[%swap3A_941, %swap3A_942] {strides = array<i32>} : memref<16x128xf32, #tpu.memory_space<vmem>>, vector<1x16xf32>,
      %swap3A_944 = vector.shape_cast %swap3A_943 : vector<1x16xf32> to vector<16xf32>
      %swap3A_945 = vector.shape_cast %broadcast_in_dim3A_1 : vector<16xf32> to vector<1x16xf32>
      tpu.vector_store %arg21[%swap3A_941, %swap3A_942], %swap3A_945 {strides = array<i32>} : memref<16x128xf32, #tpu.memory_space<vmem>>, vector<1x16xf32>,
      %scan3A_946 = arith.constant 0 : i32
      scf.yield %scan3A_946 : i32
    }
    %scan3A_262 = arith.constant 16 : i32
    %dma_wait3A = arith.constant 0 : i32
    %dma_wait3A_263 = tpu.memref_slice %arg16[%dma_wait3A] : memref<1016xi32, #tpu.memory_space<vmem>> -> memref<1000xi32, #tpu.memory_space<vmem>>
    %dma_wait3A_264 = arith.constant 0 : i32
    %dma_wait3A_265 = tpu.memref_slice %arg16[%dma_wait3A_264] : memref<1016xi32, #tpu.memory_space<vmem>> -> memref<1000xi32, #tpu.memory_space<vmem>>
    tpu.wait_dma2 semaphore(%arg28 : memref<!tpu.dma_semaphore, #tpu.memory_space<semaphore_mem>>) src(%arg5 : memref<1000xi32, #tpu.memory_space<hbm>>) dst(%dma_wait3A_265 : memref<1000xi32, #tpu.memory_space<vmem>>)
    %dma_wait3A_266 = arith.constant 0 : i32
    %dma_wait3A_267 = arith.constant 0 : i32
    %dma_wait3A_268 = arith.constant 0 : i32
    %dma_wait3A_269 = tpu.memref_slice %arg14[%dma_wait3A_266, %dma_wait3A_267, %dma_wait3A_268] : memref<3x5x128xi32, #tpu.memory_space<vmem>> -> memref<1x5x128xi32, #tpu.memory_space<vmem>>
    %dma_wait3A_270 = tpu.memref_squeeze %dma_wait3A_269 : memref<1x5x128xi32, #tpu.memory_space<vmem>> -> memref<5x128xi32, #tpu.memory_space<vmem>>
    %dma_wait3A_271 = arith.constant 0 : i32
    %dma_wait3A_272 = tpu.memref_slice %arg4[%dma_wait3A_271, %multiple_of3A] : memref<5x10000xi32, #tpu.memory_space<hbm>> -> memref<5x128xi32, #tpu.memory_space<hbm>>
    %dma_wait3A_273 = arith.constant 0 : i32
    %dma_wait3A_274 = arith.constant 0 : i32
    %dma_wait3A_275 = tpu.memref_slice %arg14[%dma_wait3A_266, %dma_wait3A_273, %dma_wait3A_274] : memref<3x5x128xi32, #tpu.memory_space<vmem>> -> memref<1x5x128xi32, #tpu.memory_space<vmem>>
    %dma_wait3A_276 = tpu.memref_squeeze %dma_wait3A_275 : memref<1x5x128xi32, #tpu.memory_space<vmem>> -> memref<5x128xi32, #tpu.memory_space<vmem>>
    %dma_wait3A_277 = arith.constant 0 : i32
    %dma_wait3A_278 = tpu.memref_slice %arg4[%dma_wait3A_277, %multiple_of3A] : memref<5x10000xi32, #tpu.memory_space<hbm>> -> memref<5x128xi32, #tpu.memory_space<hbm>>
    tpu.wait_dma2 semaphore(%arg28 : memref<!tpu.dma_semaphore, #tpu.memory_space<semaphore_mem>>) src(%dma_wait3A_278 : memref<5x128xi32, #tpu.memory_space<hbm>>) dst(%dma_wait3A_276 : memref<5x128xi32, #tpu.memory_space<vmem>>)
    %dma_wait3A_279 = arith.constant 1 : i32
    %dma_wait3A_280 = arith.constant 0 : i32
    %dma_wait3A_281 = arith.constant 0 : i32
    %dma_wait3A_282 = tpu.memref_slice %arg14[%dma_wait3A_279, %dma_wait3A_280, %dma_wait3A_281] : memref<3x5x128xi32, #tpu.memory_space<vmem>> -> memref<1x5x128xi32, #tpu.memory_space<vmem>>
    %dma_wait3A_283 = tpu.memref_squeeze %dma_wait3A_282 : memref<1x5x128xi32, #tpu.memory_space<vmem>> -> memref<5x128xi32, #tpu.memory_space<vmem>>
    %dma_wait3A_284 = arith.constant 0 : i32
    %dma_wait3A_285 = tpu.memref_slice %arg4[%dma_wait3A_284, %multiple_of3A_167] : memref<5x10000xi32, #tpu.memory_space<hbm>> -> memref<5x128xi32, #tpu.memory_space<hbm>>
    %dma_wait3A_286 = arith.constant 0 : i32
    %dma_wait3A_287 = arith.constant 0 : i32
    %dma_wait3A_288 = tpu.memref_slice %arg14[%dma_wait3A_279, %dma_wait3A_286, %dma_wait3A_287] : memref<3x5x128xi32, #tpu.memory_space<vmem>> -> memref<1x5x128xi32, #tpu.memory_space<vmem>>
    %dma_wait3A_289 = tpu.memref_squeeze %dma_wait3A_288 : memref<1x5x128xi32, #tpu.memory_space<vmem>> -> memref<5x128xi32, #tpu.memory_space<vmem>>
    %dma_wait3A_290 = arith.constant 0 : i32
    %dma_wait3A_291 = tpu.memref_slice %arg4[%dma_wait3A_290, %multiple_of3A_167] : memref<5x10000xi32, #tpu.memory_space<hbm>> -> memref<5x128xi32, #tpu.memory_space<hbm>>
    tpu.wait_dma2 semaphore(%arg28 : memref<!tpu.dma_semaphore, #tpu.memory_space<semaphore_mem>>) src(%dma_wait3A_291 : memref<5x128xi32, #tpu.memory_space<hbm>>) dst(%dma_wait3A_289 : memref<5x128xi32, #tpu.memory_space<vmem>>)
    %dma_wait3A_292 = arith.constant 2 : i32
    %dma_wait3A_293 = arith.constant 0 : i32
    %dma_wait3A_294 = arith.constant 0 : i32
    %dma_wait3A_295 = tpu.memref_slice %arg14[%dma_wait3A_292, %dma_wait3A_293, %dma_wait3A_294] : memref<3x5x128xi32, #tpu.memory_space<vmem>> -> memref<1x5x128xi32, #tpu.memory_space<vmem>>
    %dma_wait3A_296 = tpu.memref_squeeze %dma_wait3A_295 : memref<1x5x128xi32, #tpu.memory_space<vmem>> -> memref<5x128xi32, #tpu.memory_space<vmem>>
    %dma_wait3A_297 = arith.constant 0 : i32
    %dma_wait3A_298 = tpu.memref_slice %arg4[%dma_wait3A_297, %multiple_of3A_243] : memref<5x10000xi32, #tpu.memory_space<hbm>> -> memref<5x128xi32, #tpu.memory_space<hbm>>
    %dma_wait3A_299 = arith.constant 0 : i32
    %dma_wait3A_300 = arith.constant 0 : i32
    %dma_wait3A_301 = tpu.memref_slice %arg14[%dma_wait3A_292, %dma_wait3A_299, %dma_wait3A_300] : memref<3x5x128xi32, #tpu.memory_space<vmem>> -> memref<1x5x128xi32, #tpu.memory_space<vmem>>
    %dma_wait3A_302 = tpu.memref_squeeze %dma_wait3A_301 : memref<1x5x128xi32, #tpu.memory_space<vmem>> -> memref<5x128xi32, #tpu.memory_space<vmem>>
    %dma_wait3A_303 = arith.constant 0 : i32
    %dma_wait3A_304 = tpu.memref_slice %arg4[%dma_wait3A_303, %multiple_of3A_243] : memref<5x10000xi32, #tpu.memory_space<hbm>> -> memref<5x128xi32, #tpu.memory_space<hbm>>
    tpu.wait_dma2 semaphore(%arg28 : memref<!tpu.dma_semaphore, #tpu.memory_space<semaphore_mem>>) src(%dma_wait3A_304 : memref<5x128xi32, #tpu.memory_space<hbm>>) dst(%dma_wait3A_302 : memref<5x128xi32, #tpu.memory_space<vmem>>)
    %add3A_305 = arith.constant 0 : i32
    %add3A_306 = arith.addi %add3A, %add3A_305 : i32
    %min3A_307 = arith.constant 79 : i32
    %min3A_308 = arith.minsi %add3A_306, %min3A_307 : i32
    %jit3A_309 = arith.constant 5 : i32
    %div3A_310 = arith.divsi %min3A_308, %jit3A_309 : i32
    %sign3A_311 = arith.constant 0 : i32
    %sign3A_312 = arith.cmpi sgt, %min3A_308, %sign3A_311 : i32
    %sign3A_313 = arith.extui %sign3A_312 : i1 to i32
    %sign3A_314 = arith.constant 0 : i32
    %sign3A_315 = arith.cmpi slt, %min3A_308, %sign3A_314 : i32
    %sign3A_316 = arith.extui %sign3A_315 : i1 to i32
    %sign3A_317 = arith.subi %sign3A_313, %sign3A_316 : i32
    %sign3A_318 = arith.constant 0 : i32
    %sign3A_319 = arith.cmpi sgt, %jit3A_309, %sign3A_318 : i32
    %sign3A_320 = arith.extui %sign3A_319 : i1 to i32
    %sign3A_321 = arith.constant 0 : i32
    %sign3A_322 = arith.cmpi slt, %jit3A_309, %sign3A_321 : i32
    %sign3A_323 = arith.extui %sign3A_322 : i1 to i32
    %sign3A_324 = arith.subi %sign3A_320, %sign3A_323 : i32
    %ne3A_325 = arith.cmpi ne, %sign3A_317, %sign3A_324 : i32
    %rem3A_326 = arith.remsi %min3A_308, %jit3A_309 : i32
    %ne3A_327 = arith.constant 0 : i32
    %ne3A_328 = arith.cmpi ne, %rem3A_326, %ne3A_327 : i32
    %and3A_329 = arith.andi %ne3A_325, %ne3A_328 : i1
    %sub3A_330 = arith.constant 1 : i32
    %sub3A_331 = arith.subi %div3A_310, %sub3A_330 : i32
    %select_n3A_332 = arith.select %and3A_329, %sub3A_331, %div3A_310 : i32
    %mul3A_333 = arith.constant 5 : i32
    %mul3A_334 = arith.muli %select_n3A_332, %mul3A_333 : i32
    %sub3A_335 = arith.subi %min3A_308, %mul3A_334 : i32
    %get3A_336 = arith.constant 0 : i32
    %get3A_337 = arith.index_cast %get3A_336 : i32 to index
    %get3A_338 = arith.index_cast %sub3A_335 : i32 to index
    %get3A_339 = arith.constant 0 : index
    %get3A_340 = tpu.vector_load %arg14[%get3A_337, %get3A_338, %get3A_339] {strides = array<i32>} : memref<3x5x128xi32, #tpu.memory_space<vmem>>, vector<1x1x16xi32>,
    %get3A_341 = vector.shape_cast %get3A_340 : vector<1x1x16xi32> to vector<16xi32>
    %swap3A = arith.constant 0 : index
    %swap3A_342 = tpu.vector_load %arg15[%swap3A] {strides = array<i32>} : memref<400xi32, #tpu.memory_space<vmem>>, vector<16xi32>,
    %swap3A_343 = vector.shape_cast %swap3A_342 : vector<16xi32> to vector<16xi32>
    %swap3A_344 = vector.shape_cast %get3A_341 : vector<16xi32> to vector<16xi32>
    tpu.vector_store %arg15[%swap3A], %swap3A_344 {strides = array<i32>} : memref<400xi32, #tpu.memory_space<vmem>>, vector<16xi32>,
    %get3A_345 = arith.constant 0 : i32
    %get3A_346 = arith.index_cast %get3A_345 : i32 to index
    %get3A_347 = arith.index_cast %sub3A_335 : i32 to index
    %get3A_348 = arith.constant 16 : index
    %get3A_349 = tpu.vector_load %arg14[%get3A_346, %get3A_347, %get3A_348] {strides = array<i32>} : memref<3x5x128xi32, #tpu.memory_space<vmem>>, vector<1x1x16xi32>,
    %get3A_350 = vector.shape_cast %get3A_349 : vector<1x1x16xi32> to vector<16xi32>
    %swap3A_351 = arith.constant 16 : index
    %swap3A_352 = tpu.vector_load %arg15[%swap3A_351] {strides = array<i32>} : memref<400xi32, #tpu.memory_space<vmem>>, vector<16xi32>,
    %swap3A_353 = vector.shape_cast %swap3A_352 : vector<16xi32> to vector<16xi32>
    %swap3A_354 = vector.shape_cast %get3A_350 : vector<16xi32> to vector<16xi32>
    tpu.vector_store %arg15[%swap3A_351], %swap3A_354 {strides = array<i32>} : memref<400xi32, #tpu.memory_space<vmem>>, vector<16xi32>,
    %get3A_355 = arith.constant 0 : i32
    %get3A_356 = arith.index_cast %get3A_355 : i32 to index
    %get3A_357 = arith.index_cast %sub3A_335 : i32 to index
    %get3A_358 = arith.constant 32 : index
    %get3A_359 = tpu.vector_load %arg14[%get3A_356, %get3A_357, %get3A_358] {strides = array<i32>} : memref<3x5x128xi32, #tpu.memory_space<vmem>>, vector<1x1x16xi32>,
    %get3A_360 = vector.shape_cast %get3A_359 : vector<1x1x16xi32> to vector<16xi32>
    %swap3A_361 = arith.constant 32 : index
    %swap3A_362 = tpu.vector_load %arg15[%swap3A_361] {strides = array<i32>} : memref<400xi32, #tpu.memory_space<vmem>>, vector<16xi32>,
    %swap3A_363 = vector.shape_cast %swap3A_362 : vector<16xi32> to vector<16xi32>
    %swap3A_364 = vector.shape_cast %get3A_360 : vector<16xi32> to vector<16xi32>
    tpu.vector_store %arg15[%swap3A_361], %swap3A_364 {strides = array<i32>} : memref<400xi32, #tpu.memory_space<vmem>>, vector<16xi32>,
    %get3A_365 = arith.constant 0 : i32
    %get3A_366 = arith.index_cast %get3A_365 : i32 to index
    %get3A_367 = arith.index_cast %sub3A_335 : i32 to index
    %get3A_368 = arith.constant 48 : index
    %get3A_369 = tpu.vector_load %arg14[%get3A_366, %get3A_367, %get3A_368] {strides = array<i32>} : memref<3x5x128xi32, #tpu.memory_space<vmem>>, vector<1x1x16xi32>,
    %get3A_370 = vector.shape_cast %get3A_369 : vector<1x1x16xi32> to vector<16xi32>
    %swap3A_371 = arith.constant 48 : index
    %swap3A_372 = tpu.vector_load %arg15[%swap3A_371] {strides = array<i32>} : memref<400xi32, #tpu.memory_space<vmem>>, vector<16xi32>,
    %swap3A_373 = vector.shape_cast %swap3A_372 : vector<16xi32> to vector<16xi32>
    %swap3A_374 = vector.shape_cast %get3A_370 : vector<16xi32> to vector<16xi32>
    tpu.vector_store %arg15[%swap3A_371], %swap3A_374 {strides = array<i32>} : memref<400xi32, #tpu.memory_space<vmem>>, vector<16xi32>,
    %get3A_375 = arith.constant 0 : i32
    %get3A_376 = arith.index_cast %get3A_375 : i32 to index
    %get3A_377 = arith.index_cast %sub3A_335 : i32 to index
    %get3A_378 = arith.constant 64 : index
    %get3A_379 = tpu.vector_load %arg14[%get3A_376, %get3A_377, %get3A_378] {strides = array<i32>} : memref<3x5x128xi32, #tpu.memory_space<vmem>>, vector<1x1x16xi32>,
    %get3A_380 = vector.shape_cast %get3A_379 : vector<1x1x16xi32> to vector<16xi32>
    %swap3A_381 = arith.constant 64 : index
    %swap3A_382 = tpu.vector_load %arg15[%swap3A_381] {strides = array<i32>} : memref<400xi32, #tpu.memory_space<vmem>>, vector<16xi32>,
    %swap3A_383 = vector.shape_cast %swap3A_382 : vector<16xi32> to vector<16xi32>
    %swap3A_384 = vector.shape_cast %get3A_380 : vector<16xi32> to vector<16xi32>
    tpu.vector_store %arg15[%swap3A_381], %swap3A_384 {strides = array<i32>} : memref<400xi32, #tpu.memory_space<vmem>>, vector<16xi32>,
    %get3A_385 = arith.constant 0 : i32
    %get3A_386 = arith.index_cast %get3A_385 : i32 to index
    %get3A_387 = arith.index_cast %sub3A_335 : i32 to index
    %get3A_388 = arith.constant 80 : index
    %get3A_389 = tpu.vector_load %arg14[%get3A_386, %get3A_387, %get3A_388] {strides = array<i32>} : memref<3x5x128xi32, #tpu.memory_space<vmem>>, vector<1x1x16xi32>,
    %get3A_390 = vector.shape_cast %get3A_389 : vector<1x1x16xi32> to vector<16xi32>
    %swap3A_391 = arith.constant 80 : index
    %swap3A_392 = tpu.vector_load %arg15[%swap3A_391] {strides = array<i32>} : memref<400xi32, #tpu.memory_space<vmem>>, vector<16xi32>,
    %swap3A_393 = vector.shape_cast %swap3A_392 : vector<16xi32> to vector<16xi32>
    %swap3A_394 = vector.shape_cast %get3A_390 : vector<16xi32> to vector<16xi32>
    tpu.vector_store %arg15[%swap3A_391], %swap3A_394 {strides = array<i32>} : memref<400xi32, #tpu.memory_space<vmem>>, vector<16xi32>,
    %get3A_395 = arith.constant 0 : i32
    %get3A_396 = arith.index_cast %get3A_395 : i32 to index
    %get3A_397 = arith.index_cast %sub3A_335 : i32 to index
    %get3A_398 = arith.constant 96 : index
    %get3A_399 = tpu.vector_load %arg14[%get3A_396, %get3A_397, %get3A_398] {strides = array<i32>} : memref<3x5x128xi32, #tpu.memory_space<vmem>>, vector<1x1x16xi32>,
    %get3A_400 = vector.shape_cast %get3A_399 : vector<1x1x16xi32> to vector<16xi32>
    %swap3A_401 = arith.constant 96 : index
    %swap3A_402 = tpu.vector_load %arg15[%swap3A_401] {strides = array<i32>} : memref<400xi32, #tpu.memory_space<vmem>>, vector<16xi32>,
    %swap3A_403 = vector.shape_cast %swap3A_402 : vector<16xi32> to vector<16xi32>
    %swap3A_404 = vector.shape_cast %get3A_400 : vector<16xi32> to vector<16xi32>
    tpu.vector_store %arg15[%swap3A_401], %swap3A_404 {strides = array<i32>} : memref<400xi32, #tpu.memory_space<vmem>>, vector<16xi32>,
    %get3A_405 = arith.constant 0 : i32
    %get3A_406 = arith.index_cast %get3A_405 : i32 to index
    %get3A_407 = arith.index_cast %sub3A_335 : i32 to index
    %get3A_408 = arith.constant 112 : index
    %get3A_409 = tpu.vector_load %arg14[%get3A_406, %get3A_407, %get3A_408] {strides = array<i32>} : memref<3x5x128xi32, #tpu.memory_space<vmem>>, vector<1x1x16xi32>,
    %get3A_410 = vector.shape_cast %get3A_409 : vector<1x1x16xi32> to vector<16xi32>
    %swap3A_411 = arith.constant 112 : index
    %swap3A_412 = tpu.vector_load %arg15[%swap3A_411] {strides = array<i32>} : memref<400xi32, #tpu.memory_space<vmem>>, vector<16xi32>,
    %swap3A_413 = vector.shape_cast %swap3A_412 : vector<16xi32> to vector<16xi32>
    %swap3A_414 = vector.shape_cast %get3A_410 : vector<16xi32> to vector<16xi32>
    tpu.vector_store %arg15[%swap3A_411], %swap3A_414 {strides = array<i32>} : memref<400xi32, #tpu.memory_space<vmem>>, vector<16xi32>,
    %sub3A_415 = arith.subi %squeeze3A, %multiple_of3A : i32
    %add3A_416 = arith.constant 0 : i32
    %add3A_417 = arith.addi %add3A_416, %sub3A_415 : i32
    %get3A_418 = arith.index_cast %add3A_417 : i32 to index
    %get3A_419 = tpu.vector_load %arg15[%get3A_418] {strides = array<i32>} : memref<400xi32, #tpu.memory_space<vmem>>, vector<16xi32>,
    %get3A_420 = vector.shape_cast %get3A_419 : vector<16xi32> to vector<16xi32>
    %slice3A_421 = vector.extract_strided_slice %get3A_420 {offsets = [0], sizes = [1], strides = [1]} : vector<16xi32> to vector<1xi32>
    %squeeze3A_422 = vector.extract %slice3A_421[0] : i32 from vector<1xi32>
    %jit3A_423 = arith.constant 0 : i32
    %jit3A_424 = arith.constant 999 : i32
    %max3A = arith.maxsi %jit3A_423, %squeeze3A_422 : i32
    %min3A_425 = arith.minsi %jit3A_424, %max3A : i32
    %get3A_426 = arith.index_cast %min3A_425 : i32 to index
    %get3A_427 = tpu.vector_load %arg16[%get3A_426] {strides = array<i32>} : memref<1016xi32, #tpu.memory_space<vmem>>, vector<16xi32>,
    %get3A_428 = vector.shape_cast %get3A_427 : vector<16xi32> to vector<16xi32>
    %slice3A_429 = vector.extract_strided_slice %get3A_428 {offsets = [0], sizes = [1], strides = [1]} : vector<16xi32> to vector<1xi32>
    %squeeze3A_430 = vector.extract %slice3A_429[0] : i32 from vector<1xi32>
    %min3A_431 = arith.constant 256 : i32
    %min3A_432 = arith.minsi %squeeze3A_430, %min3A_431 : i32
    %add3A_433 = arith.constant 16 : i32
    %add3A_434 = arith.addi %min3A_432, %add3A_433 : i32
    %sub3A_435 = arith.constant 1 : i32
    %sub3A_436 = arith.subi %add3A_434, %sub3A_435 : i32
    %jit3A_437 = arith.constant 16 : i32
    %div3A_438 = arith.divsi %sub3A_436, %jit3A_437 : i32
    %sign3A_439 = arith.constant 0 : i32
    %sign3A_440 = arith.cmpi sgt, %sub3A_436, %sign3A_439 : i32
    %sign3A_441 = arith.extui %sign3A_440 : i1 to i32
    %sign3A_442 = arith.constant 0 : i32
    %sign3A_443 = arith.cmpi slt, %sub3A_436, %sign3A_442 : i32
    %sign3A_444 = arith.extui %sign3A_443 : i1 to i32
    %sign3A_445 = arith.subi %sign3A_441, %sign3A_444 : i32
    %sign3A_446 = arith.constant 0 : i32
    %sign3A_447 = arith.cmpi sgt, %jit3A_437, %sign3A_446 : i32
    %sign3A_448 = arith.extui %sign3A_447 : i1 to i32
    %sign3A_449 = arith.constant 0 : i32
    %sign3A_450 = arith.cmpi slt, %jit3A_437, %sign3A_449 : i32
    %sign3A_451 = arith.extui %sign3A_450 : i1 to i32
    %sign3A_452 = arith.subi %sign3A_448, %sign3A_451 : i32
    %ne3A_453 = arith.cmpi ne, %sign3A_445, %sign3A_452 : i32
    %rem3A_454 = arith.remsi %sub3A_436, %jit3A_437 : i32
    %ne3A_455 = arith.constant 0 : i32
    %ne3A_456 = arith.cmpi ne, %rem3A_454, %ne3A_455 : i32
    %and3A_457 = arith.andi %ne3A_453, %ne3A_456 : i1
    %sub3A_458 = arith.constant 1 : i32
    %sub3A_459 = arith.subi %div3A_438, %sub3A_458 : i32
    %select_n3A_460 = arith.select %and3A_457, %sub3A_459, %div3A_438 : i32
    %add3A_461 = arith.constant 32 : i32
    %add3A_462 = arith.addi %add3A, %add3A_461 : i32
    %min3A_463 = arith.constant 79 : i32
    %min3A_464 = arith.minsi %add3A_462, %min3A_463 : i32
    %jit3A_465 = arith.constant 5 : i32
    %div3A_466 = arith.divsi %min3A_464, %jit3A_465 : i32
    %sign3A_467 = arith.constant 0 : i32
    %sign3A_468 = arith.cmpi sgt, %min3A_464, %sign3A_467 : i32
    %sign3A_469 = arith.extui %sign3A_468 : i1 to i32
    %sign3A_470 = arith.constant 0 : i32
    %sign3A_471 = arith.cmpi slt, %min3A_464, %sign3A_470 : i32
    %sign3A_472 = arith.extui %sign3A_471 : i1 to i32
    %sign3A_473 = arith.subi %sign3A_469, %sign3A_472 : i32
    %sign3A_474 = arith.constant 0 : i32
    %sign3A_475 = arith.cmpi sgt, %jit3A_465, %sign3A_474 : i32
    %sign3A_476 = arith.extui %sign3A_475 : i1 to i32
    %sign3A_477 = arith.constant 0 : i32
    %sign3A_478 = arith.cmpi slt, %jit3A_465, %sign3A_477 : i32
    %sign3A_479 = arith.extui %sign3A_478 : i1 to i32
    %sign3A_480 = arith.subi %sign3A_476, %sign3A_479 : i32
    %ne3A_481 = arith.cmpi ne, %sign3A_473, %sign3A_480 : i32
    %rem3A_482 = arith.remsi %min3A_464, %jit3A_465 : i32
    %ne3A_483 = arith.constant 0 : i32
    %ne3A_484 = arith.cmpi ne, %rem3A_482, %ne3A_483 : i32
    %and3A_485 = arith.andi %ne3A_481, %ne3A_484 : i1
    %sub3A_486 = arith.constant 1 : i32
    %sub3A_487 = arith.subi %div3A_466, %sub3A_486 : i32
    %select_n3A_488 = arith.select %and3A_485, %sub3A_487, %div3A_466 : i32
    %mul3A_489 = arith.constant 5 : i32
    %mul3A_490 = arith.muli %select_n3A_488, %mul3A_489 : i32
    %sub3A_491 = arith.subi %min3A_464, %mul3A_490 : i32
    %get3A_492 = arith.constant 1 : i32
    %get3A_493 = arith.index_cast %get3A_492 : i32 to index
    %get3A_494 = arith.index_cast %sub3A_491 : i32 to index
    %get3A_495 = arith.constant 0 : index
    %get3A_496 = tpu.vector_load %arg14[%get3A_493, %get3A_494, %get3A_495] {strides = array<i32>} : memref<3x5x128xi32, #tpu.memory_space<vmem>>, vector<1x1x16xi32>,
    %get3A_497 = vector.shape_cast %get3A_496 : vector<1x1x16xi32> to vector<16xi32>
    %swap3A_498 = arith.constant 128 : index
    %swap3A_499 = tpu.vector_load %arg15[%swap3A_498] {strides = array<i32>} : memref<400xi32, #tpu.memory_space<vmem>>, vector<16xi32>,
    %swap3A_500 = vector.shape_cast %swap3A_499 : vector<16xi32> to vector<16xi32>
    %swap3A_501 = vector.shape_cast %get3A_497 : vector<16xi32> to vector<16xi32>
    tpu.vector_store %arg15[%swap3A_498], %swap3A_501 {strides = array<i32>} : memref<400xi32, #tpu.memory_space<vmem>>, vector<16xi32>,
    %get3A_502 = arith.constant 1 : i32
    %get3A_503 = arith.index_cast %get3A_502 : i32 to index
    %get3A_504 = arith.index_cast %sub3A_491 : i32 to index
    %get3A_505 = arith.constant 16 : index
    %get3A_506 = tpu.vector_load %arg14[%get3A_503, %get3A_504, %get3A_505] {strides = array<i32>} : memref<3x5x128xi32, #tpu.memory_space<vmem>>, vector<1x1x16xi32>,
    %get3A_507 = vector.shape_cast %get3A_506 : vector<1x1x16xi32> to vector<16xi32>
    %swap3A_508 = arith.constant 144 : index
    %swap3A_509 = tpu.vector_load %arg15[%swap3A_508] {strides = array<i32>} : memref<400xi32, #tpu.memory_space<vmem>>, vector<16xi32>,
    %swap3A_510 = vector.shape_cast %swap3A_509 : vector<16xi32> to vector<16xi32>
    %swap3A_511 = vector.shape_cast %get3A_507 : vector<16xi32> to vector<16xi32>
    tpu.vector_store %arg15[%swap3A_508], %swap3A_511 {strides = array<i32>} : memref<400xi32, #tpu.memory_space<vmem>>, vector<16xi32>,
    %get3A_512 = arith.constant 1 : i32
    %get3A_513 = arith.index_cast %get3A_512 : i32 to index
    %get3A_514 = arith.index_cast %sub3A_491 : i32 to index
    %get3A_515 = arith.constant 32 : index
    %get3A_516 = tpu.vector_load %arg14[%get3A_513, %get3A_514, %get3A_515] {strides = array<i32>} : memref<3x5x128xi32, #tpu.memory_space<vmem>>, vector<1x1x16xi32>,
    %get3A_517 = vector.shape_cast %get3A_516 : vector<1x1x16xi32> to vector<16xi32>
    %swap3A_518 = arith.constant 160 : index
    %swap3A_519 = tpu.vector_load %arg15[%swap3A_518] {strides = array<i32>} : memref<400xi32, #tpu.memory_space<vmem>>, vector<16xi32>,
    %swap3A_520 = vector.shape_cast %swap3A_519 : vector<16xi32> to vector<16xi32>
    %swap3A_521 = vector.shape_cast %get3A_517 : vector<16xi32> to vector<16xi32>
    tpu.vector_store %arg15[%swap3A_518], %swap3A_521 {strides = array<i32>} : memref<400xi32, #tpu.memory_space<vmem>>, vector<16xi32>,
    %get3A_522 = arith.constant 1 : i32
    %get3A_523 = arith.index_cast %get3A_522 : i32 to index
    %get3A_524 = arith.index_cast %sub3A_491 : i32 to index
    %get3A_525 = arith.constant 48 : index
    %get3A_526 = tpu.vector_load %arg14[%get3A_523, %get3A_524, %get3A_525] {strides = array<i32>} : memref<3x5x128xi32, #tpu.memory_space<vmem>>, vector<1x1x16xi32>,
    %get3A_527 = vector.shape_cast %get3A_526 : vector<1x1x16xi32> to vector<16xi32>
    %swap3A_528 = arith.constant 176 : index
    %swap3A_529 = tpu.vector_load %arg15[%swap3A_528] {strides = array<i32>} : memref<400xi32, #tpu.memory_space<vmem>>, vector<16xi32>,
    %swap3A_530 = vector.shape_cast %swap3A_529 : vector<16xi32> to vector<16xi32>
    %swap3A_531 = vector.shape_cast %get3A_527 : vector<16xi32> to vector<16xi32>
    tpu.vector_store %arg15[%swap3A_528], %swap3A_531 {strides = array<i32>} : memref<400xi32, #tpu.memory_space<vmem>>, vector<16xi32>,
    %get3A_532 = arith.constant 1 : i32
    %get3A_533 = arith.index_cast %get3A_532 : i32 to index
    %get3A_534 = arith.index_cast %sub3A_491 : i32 to index
    %get3A_535 = arith.constant 64 : index
    %get3A_536 = tpu.vector_load %arg14[%get3A_533, %get3A_534, %get3A_535] {strides = array<i32>} : memref<3x5x128xi32, #tpu.memory_space<vmem>>, vector<1x1x16xi32>,
    %get3A_537 = vector.shape_cast %get3A_536 : vector<1x1x16xi32> to vector<16xi32>
    %swap3A_538 = arith.constant 192 : index
    %swap3A_539 = tpu.vector_load %arg15[%swap3A_538] {strides = array<i32>} : memref<400xi32, #tpu.memory_space<vmem>>, vector<16xi32>,
    %swap3A_540 = vector.shape_cast %swap3A_539 : vector<16xi32> to vector<16xi32>
    %swap3A_541 = vector.shape_cast %get3A_537 : vector<16xi32> to vector<16xi32>
    tpu.vector_store %arg15[%swap3A_538], %swap3A_541 {strides = array<i32>} : memref<400xi32, #tpu.memory_space<vmem>>, vector<16xi32>,
    %get3A_542 = arith.constant 1 : i32
    %get3A_543 = arith.index_cast %get3A_542 : i32 to index
    %get3A_544 = arith.index_cast %sub3A_491 : i32 to index
    %get3A_545 = arith.constant 80 : index
    %get3A_546 = tpu.vector_load %arg14[%get3A_543, %get3A_544, %get3A_545] {strides = array<i32>} : memref<3x5x128xi32, #tpu.memory_space<vmem>>, vector<1x1x16xi32>,
    %get3A_547 = vector.shape_cast %get3A_546 : vector<1x1x16xi32> to vector<16xi32>
    %swap3A_548 = arith.constant 208 : index
    %swap3A_549 = tpu.vector_load %arg15[%swap3A_548] {strides = array<i32>} : memref<400xi32, #tpu.memory_space<vmem>>, vector<16xi32>,
    %swap3A_550 = vector.shape_cast %swap3A_549 : vector<16xi32> to vector<16xi32>
    %swap3A_551 = vector.shape_cast %get3A_547 : vector<16xi32> to vector<16xi32>
    tpu.vector_store %arg15[%swap3A_548], %swap3A_551 {strides = array<i32>} : memref<400xi32, #tpu.memory_space<vmem>>, vector<16xi32>,
    %get3A_552 = arith.constant 1 : i32
    %get3A_553 = arith.index_cast %get3A_552 : i32 to index
    %get3A_554 = arith.index_cast %sub3A_491 : i32 to index
    %get3A_555 = arith.constant 96 : index
    %get3A_556 = tpu.vector_load %arg14[%get3A_553, %get3A_554, %get3A_555] {strides = array<i32>} : memref<3x5x128xi32, #tpu.memory_space<vmem>>, vector<1x1x16xi32>,
    %get3A_557 = vector.shape_cast %get3A_556 : vector<1x1x16xi32> to vector<16xi32>
    %swap3A_558 = arith.constant 224 : index
    %swap3A_559 = tpu.vector_load %arg15[%swap3A_558] {strides = array<i32>} : memref<400xi32, #tpu.memory_space<vmem>>, vector<16xi32>,
    %swap3A_560 = vector.shape_cast %swap3A_559 : vector<16xi32> to vector<16xi32>
    %swap3A_561 = vector.shape_cast %get3A_557 : vector<16xi32> to vector<16xi32>
    tpu.vector_store %arg15[%swap3A_558], %swap3A_561 {strides = array<i32>} : memref<400xi32, #tpu.memory_space<vmem>>, vector<16xi32>,
    %get3A_562 = arith.constant 1 : i32
    %get3A_563 = arith.index_cast %get3A_562 : i32 to index
    %get3A_564 = arith.index_cast %sub3A_491 : i32 to index
    %get3A_565 = arith.constant 112 : index
    %get3A_566 = tpu.vector_load %arg14[%get3A_563, %get3A_564, %get3A_565] {strides = array<i32>} : memref<3x5x128xi32, #tpu.memory_space<vmem>>, vector<1x1x16xi32>,
    %get3A_567 = vector.shape_cast %get3A_566 : vector<1x1x16xi32> to vector<16xi32>
    %swap3A_568 = arith.constant 240 : index
    %swap3A_569 = tpu.vector_load %arg15[%swap3A_568] {strides = array<i32>} : memref<400xi32, #tpu.memory_space<vmem>>, vector<16xi32>,
    %swap3A_570 = vector.shape_cast %swap3A_569 : vector<16xi32> to vector<16xi32>
    %swap3A_571 = vector.shape_cast %get3A_567 : vector<16xi32> to vector<16xi32>
    tpu.vector_store %arg15[%swap3A_568], %swap3A_571 {strides = array<i32>} : memref<400xi32, #tpu.memory_space<vmem>>, vector<16xi32>,
    %sub3A_572 = arith.subi %squeeze3A_140, %multiple_of3A_167 : i32
    %add3A_573 = arith.constant 128 : i32
    %add3A_574 = arith.addi %add3A_573, %sub3A_572 : i32
    %get3A_575 = arith.index_cast %add3A_574 : i32 to index
    %get3A_576 = tpu.vector_load %arg15[%get3A_575] {strides = array<i32>} : memref<400xi32, #tpu.memory_space<vmem>>, vector<16xi32>,
    %get3A_577 = vector.shape_cast %get3A_576 : vector<16xi32> to vector<16xi32>
    %slice3A_578 = vector.extract_strided_slice %get3A_577 {offsets = [0], sizes = [1], strides = [1]} : vector<16xi32> to vector<1xi32>
    %squeeze3A_579 = vector.extract %slice3A_578[0] : i32 from vector<1xi32>
    %jit3A_580 = arith.constant 0 : i32
    %jit3A_581 = arith.constant 999 : i32
    %max3A_582 = arith.maxsi %jit3A_580, %squeeze3A_579 : i32
    %min3A_583 = arith.minsi %jit3A_581, %max3A_582 : i32
    %get3A_584 = arith.index_cast %min3A_583 : i32 to index
    %get3A_585 = tpu.vector_load %arg16[%get3A_584] {strides = array<i32>} : memref<1016xi32, #tpu.memory_space<vmem>>, vector<16xi32>,
    %get3A_586 = vector.shape_cast %get3A_585 : vector<16xi32> to vector<16xi32>
    %slice3A_587 = vector.extract_strided_slice %get3A_586 {offsets = [0], sizes = [1], strides = [1]} : vector<16xi32> to vector<1xi32>
    %squeeze3A_588 = vector.extract %slice3A_587[0] : i32 from vector<1xi32>
    %min3A_589 = arith.constant 256 : i32
    %min3A_590 = arith.minsi %squeeze3A_588, %min3A_589 : i32
    %add3A_591 = arith.constant 16 : i32
    %add3A_592 = arith.addi %min3A_590, %add3A_591 : i32
    %sub3A_593 = arith.constant 1 : i32
    %sub3A_594 = arith.subi %add3A_592, %sub3A_593 : i32
    %jit3A_595 = arith.constant 16 : i32
    %div3A_596 = arith.divsi %sub3A_594, %jit3A_595 : i32
    %sign3A_597 = arith.constant 0 : i32
    %sign3A_598 = arith.cmpi sgt, %sub3A_594, %sign3A_597 : i32
    %sign3A_599 = arith.extui %sign3A_598 : i1 to i32
    %sign3A_600 = arith.constant 0 : i32
    %sign3A_601 = arith.cmpi slt, %sub3A_594, %sign3A_600 : i32
    %sign3A_602 = arith.extui %sign3A_601 : i1 to i32
    %sign3A_603 = arith.subi %sign3A_599, %sign3A_602 : i32
    %sign3A_604 = arith.constant 0 : i32
    %sign3A_605 = arith.cmpi sgt, %jit3A_595, %sign3A_604 : i32
    %sign3A_606 = arith.extui %sign3A_605 : i1 to i32
    %sign3A_607 = arith.constant 0 : i32
    %sign3A_608 = arith.cmpi slt, %jit3A_595, %sign3A_607 : i32
    %sign3A_609 = arith.extui %sign3A_608 : i1 to i32
    %sign3A_610 = arith.subi %sign3A_606, %sign3A_609 : i32
    %ne3A_611 = arith.cmpi ne, %sign3A_603, %sign3A_610 : i32
    %rem3A_612 = arith.remsi %sub3A_594, %jit3A_595 : i32
    %ne3A_613 = arith.constant 0 : i32
    %ne3A_614 = arith.cmpi ne, %rem3A_612, %ne3A_613 : i32
    %and3A_615 = arith.andi %ne3A_611, %ne3A_614 : i1
    %sub3A_616 = arith.constant 1 : i32
    %sub3A_617 = arith.subi %div3A_596, %sub3A_616 : i32
    %select_n3A_618 = arith.select %and3A_615, %sub3A_617, %div3A_596 : i32
    %add3A_619 = arith.constant 64 : i32
    %add3A_620 = arith.addi %add3A, %add3A_619 : i32
    %min3A_621 = arith.constant 79 : i32
    %min3A_622 = arith.minsi %add3A_620, %min3A_621 : i32
    %jit3A_623 = arith.constant 5 : i32
    %div3A_624 = arith.divsi %min3A_622, %jit3A_623 : i32
    %sign3A_625 = arith.constant 0 : i32
    %sign3A_626 = arith.cmpi sgt, %min3A_622, %sign3A_625 : i32
    %sign3A_627 = arith.extui %sign3A_626 : i1 to i32
    %sign3A_628 = arith.constant 0 : i32
    %sign3A_629 = arith.cmpi slt, %min3A_622, %sign3A_628 : i32
    %sign3A_630 = arith.extui %sign3A_629 : i1 to i32
    %sign3A_631 = arith.subi %sign3A_627, %sign3A_630 : i32
    %sign3A_632 = arith.constant 0 : i32
    %sign3A_633 = arith.cmpi sgt, %jit3A_623, %sign3A_632 : i32
    %sign3A_634 = arith.extui %sign3A_633 : i1 to i32
    %sign3A_635 = arith.constant 0 : i32
    %sign3A_636 = arith.cmpi slt, %jit3A_623, %sign3A_635 : i32
    %sign3A_637 = arith.extui %sign3A_636 : i1 to i32
    %sign3A_638 = arith.subi %sign3A_634, %sign3A_637 : i32
    %ne3A_639 = arith.cmpi ne, %sign3A_631, %sign3A_638 : i32
    %rem3A_640 = arith.remsi %min3A_622, %jit3A_623 : i32
    %ne3A_641 = arith.constant 0 : i32
    %ne3A_642 = arith.cmpi ne, %rem3A_640, %ne3A_641 : i32
    %and3A_643 = arith.andi %ne3A_639, %ne3A_642 : i1
    %sub3A_644 = arith.constant 1 : i32
    %sub3A_645 = arith.subi %div3A_624, %sub3A_644 : i32
    %select_n3A_646 = arith.select %and3A_643, %sub3A_645, %div3A_624 : i32
    %mul3A_647 = arith.constant 5 : i32
    %mul3A_648 = arith.muli %select_n3A_646, %mul3A_647 : i32
    %sub3A_649 = arith.subi %min3A_622, %mul3A_648 : i32
    %get3A_650 = arith.constant 2 : i32
    %get3A_651 = arith.index_cast %get3A_650 : i32 to index
    %get3A_652 = arith.index_cast %sub3A_649 : i32 to index
    %get3A_653 = arith.constant 0 : index
    %get3A_654 = tpu.vector_load %arg14[%get3A_651, %get3A_652, %get3A_653] {strides = array<i32>} : memref<3x5x128xi32, #tpu.memory_space<vmem>>, vector<1x1x16xi32>,
    %get3A_655 = vector.shape_cast %get3A_654 : vector<1x1x16xi32> to vector<16xi32>
    %swap3A_656 = arith.constant 256 : index
    %swap3A_657 = tpu.vector_load %arg15[%swap3A_656] {strides = array<i32>} : memref<400xi32, #tpu.memory_space<vmem>>, vector<16xi32>,
    %swap3A_658 = vector.shape_cast %swap3A_657 : vector<16xi32> to vector<16xi32>
    %swap3A_659 = vector.shape_cast %get3A_655 : vector<16xi32> to vector<16xi32>
    tpu.vector_store %arg15[%swap3A_656], %swap3A_659 {strides = array<i32>} : memref<400xi32, #tpu.memory_space<vmem>>, vector<16xi32>,
    %get3A_660 = arith.constant 2 : i32
    %get3A_661 = arith.index_cast %get3A_660 : i32 to index
    %get3A_662 = arith.index_cast %sub3A_649 : i32 to index
    %get3A_663 = arith.constant 16 : index
    %get3A_664 = tpu.vector_load %arg14[%get3A_661, %get3A_662, %get3A_663] {strides = array<i32>} : memref<3x5x128xi32, #tpu.memory_space<vmem>>, vector<1x1x16xi32>,
    %get3A_665 = vector.shape_cast %get3A_664 : vector<1x1x16xi32> to vector<16xi32>
    %swap3A_666 = arith.constant 272 : index
    %swap3A_667 = tpu.vector_load %arg15[%swap3A_666] {strides = array<i32>} : memref<400xi32, #tpu.memory_space<vmem>>, vector<16xi32>,
    %swap3A_668 = vector.shape_cast %swap3A_667 : vector<16xi32> to vector<16xi32>
    %swap3A_669 = vector.shape_cast %get3A_665 : vector<16xi32> to vector<16xi32>
    tpu.vector_store %arg15[%swap3A_666], %swap3A_669 {strides = array<i32>} : memref<400xi32, #tpu.memory_space<vmem>>, vector<16xi32>,
    %get3A_670 = arith.constant 2 : i32
    %get3A_671 = arith.index_cast %get3A_670 : i32 to index
    %get3A_672 = arith.index_cast %sub3A_649 : i32 to index
    %get3A_673 = arith.constant 32 : index
    %get3A_674 = tpu.vector_load %arg14[%get3A_671, %get3A_672, %get3A_673] {strides = array<i32>} : memref<3x5x128xi32, #tpu.memory_space<vmem>>, vector<1x1x16xi32>,
    %get3A_675 = vector.shape_cast %get3A_674 : vector<1x1x16xi32> to vector<16xi32>
    %swap3A_676 = arith.constant 288 : index
    %swap3A_677 = tpu.vector_load %arg15[%swap3A_676] {strides = array<i32>} : memref<400xi32, #tpu.memory_space<vmem>>, vector<16xi32>,
    %swap3A_678 = vector.shape_cast %swap3A_677 : vector<16xi32> to vector<16xi32>
    %swap3A_679 = vector.shape_cast %get3A_675 : vector<16xi32> to vector<16xi32>
    tpu.vector_store %arg15[%swap3A_676], %swap3A_679 {strides = array<i32>} : memref<400xi32, #tpu.memory_space<vmem>>, vector<16xi32>,
    %get3A_680 = arith.constant 2 : i32
    %get3A_681 = arith.index_cast %get3A_680 : i32 to index
    %get3A_682 = arith.index_cast %sub3A_649 : i32 to index
    %get3A_683 = arith.constant 48 : index
    %get3A_684 = tpu.vector_load %arg14[%get3A_681, %get3A_682, %get3A_683] {strides = array<i32>} : memref<3x5x128xi32, #tpu.memory_space<vmem>>, vector<1x1x16xi32>,
    %get3A_685 = vector.shape_cast %get3A_684 : vector<1x1x16xi32> to vector<16xi32>
    %swap3A_686 = arith.constant 304 : index
    %swap3A_687 = tpu.vector_load %arg15[%swap3A_686] {strides = array<i32>} : memref<400xi32, #tpu.memory_space<vmem>>, vector<16xi32>,
    %swap3A_688 = vector.shape_cast %swap3A_687 : vector<16xi32> to vector<16xi32>
    %swap3A_689 = vector.shape_cast %get3A_685 : vector<16xi32> to vector<16xi32>
    tpu.vector_store %arg15[%swap3A_686], %swap3A_689 {strides = array<i32>} : memref<400xi32, #tpu.memory_space<vmem>>, vector<16xi32>,
    %get3A_690 = arith.constant 2 : i32
    %get3A_691 = arith.index_cast %get3A_690 : i32 to index
    %get3A_692 = arith.index_cast %sub3A_649 : i32 to index
    %get3A_693 = arith.constant 64 : index
    %get3A_694 = tpu.vector_load %arg14[%get3A_691, %get3A_692, %get3A_693] {strides = array<i32>} : memref<3x5x128xi32, #tpu.memory_space<vmem>>, vector<1x1x16xi32>,
    %get3A_695 = vector.shape_cast %get3A_694 : vector<1x1x16xi32> to vector<16xi32>
    %swap3A_696 = arith.constant 320 : index
    %swap3A_697 = tpu.vector_load %arg15[%swap3A_696] {strides = array<i32>} : memref<400xi32, #tpu.memory_space<vmem>>, vector<16xi32>,
    %swap3A_698 = vector.shape_cast %swap3A_697 : vector<16xi32> to vector<16xi32>
    %swap3A_699 = vector.shape_cast %get3A_695 : vector<16xi32> to vector<16xi32>
    tpu.vector_store %arg15[%swap3A_696], %swap3A_699 {strides = array<i32>} : memref<400xi32, #tpu.memory_space<vmem>>, vector<16xi32>,
    %get3A_700 = arith.constant 2 : i32
    %get3A_701 = arith.index_cast %get3A_700 : i32 to index
    %get3A_702 = arith.index_cast %sub3A_649 : i32 to index
    %get3A_703 = arith.constant 80 : index
    %get3A_704 = tpu.vector_load %arg14[%get3A_701, %get3A_702, %get3A_703] {strides = array<i32>} : memref<3x5x128xi32, #tpu.memory_space<vmem>>, vector<1x1x16xi32>,
    %get3A_705 = vector.shape_cast %get3A_704 : vector<1x1x16xi32> to vector<16xi32>
    %swap3A_706 = arith.constant 336 : index
    %swap3A_707 = tpu.vector_load %arg15[%swap3A_706] {strides = array<i32>} : memref<400xi32, #tpu.memory_space<vmem>>, vector<16xi32>,
    %swap3A_708 = vector.shape_cast %swap3A_707 : vector<16xi32> to vector<16xi32>
    %swap3A_709 = vector.shape_cast %get3A_705 : vector<16xi32> to vector<16xi32>
    tpu.vector_store %arg15[%swap3A_706], %swap3A_709 {strides = array<i32>} : memref<400xi32, #tpu.memory_space<vmem>>, vector<16xi32>,
    %get3A_710 = arith.constant 2 : i32
    %get3A_711 = arith.index_cast %get3A_710 : i32 to index
    %get3A_712 = arith.index_cast %sub3A_649 : i32 to index
    %get3A_713 = arith.constant 96 : index
    %get3A_714 = tpu.vector_load %arg14[%get3A_711, %get3A_712, %get3A_713] {strides = array<i32>} : memref<3x5x128xi32, #tpu.memory_space<vmem>>, vector<1x1x16xi32>,
    %get3A_715 = vector.shape_cast %get3A_714 : vector<1x1x16xi32> to vector<16xi32>
    %swap3A_716 = arith.constant 352 : index
    %swap3A_717 = tpu.vector_load %arg15[%swap3A_716] {strides = array<i32>} : memref<400xi32, #tpu.memory_space<vmem>>, vector<16xi32>,
    %swap3A_718 = vector.shape_cast %swap3A_717 : vector<16xi32> to vector<16xi32>
    %swap3A_719 = vector.shape_cast %get3A_715 : vector<16xi32> to vector<16xi32>
    tpu.vector_store %arg15[%swap3A_716], %swap3A_719 {strides = array<i32>} : memref<400xi32, #tpu.memory_space<vmem>>, vector<16xi32>,
    %get3A_720 = arith.constant 2 : i32
    %get3A_721 = arith.index_cast %get3A_720 : i32 to index
    %get3A_722 = arith.index_cast %sub3A_649 : i32 to index
    %get3A_723 = arith.constant 112 : index
    %get3A_724 = tpu.vector_load %arg14[%get3A_721, %get3A_722, %get3A_723] {strides = array<i32>} : memref<3x5x128xi32, #tpu.memory_space<vmem>>, vector<1x1x16xi32>,
    %get3A_725 = vector.shape_cast %get3A_724 : vector<1x1x16xi32> to vector<16xi32>
    %swap3A_726 = arith.constant 368 : index
    %swap3A_727 = tpu.vector_load %arg15[%swap3A_726] {strides = array<i32>} : memref<400xi32, #tpu.memory_space<vmem>>, vector<16xi32>,
    %swap3A_728 = vector.shape_cast %swap3A_727 : vector<16xi32> to vector<16xi32>
    %swap3A_729 = vector.shape_cast %get3A_725 : vector<16xi32> to vector<16xi32>
    tpu.vector_store %arg15[%swap3A_726], %swap3A_729 {strides = array<i32>} : memref<400xi32, #tpu.memory_space<vmem>>, vector<16xi32>,
    %sub3A_730 = arith.subi %squeeze3A_216, %multiple_of3A_243 : i32
    %add3A_731 = arith.constant 256 : i32
    %add3A_732 = arith.addi %add3A_731, %sub3A_730 : i32
    %get3A_733 = arith.index_cast %add3A_732 : i32 to index
    %get3A_734 = tpu.vector_load %arg15[%get3A_733] {strides = array<i32>} : memref<400xi32, #tpu.memory_space<vmem>>, vector<16xi32>,
    %get3A_735 = vector.shape_cast %get3A_734 : vector<16xi32> to vector<16xi32>
    %slice3A_736 = vector.extract_strided_slice %get3A_735 {offsets = [0], sizes = [1], strides = [1]} : vector<16xi32> to vector<1xi32>
    %squeeze3A_737 = vector.extract %slice3A_736[0] : i32 from vector<1xi32>
    %jit3A_738 = arith.constant 0 : i32
    %jit3A_739 = arith.constant 999 : i32
    %max3A_740 = arith.maxsi %jit3A_738, %squeeze3A_737 : i32
    %min3A_741 = arith.minsi %jit3A_739, %max3A_740 : i32
    %get3A_742 = arith.index_cast %min3A_741 : i32 to index
    %get3A_743 = tpu.vector_load %arg16[%get3A_742] {strides = array<i32>} : memref<1016xi32, #tpu.memory_space<vmem>>, vector<16xi32>,
    %get3A_744 = vector.shape_cast %get3A_743 : vector<16xi32> to vector<16xi32>
    %slice3A_745 = vector.extract_strided_slice %get3A_744 {offsets = [0], sizes = [1], strides = [1]} : vector<16xi32> to vector<1xi32>
    %squeeze3A_746 = vector.extract %slice3A_745[0] : i32 from vector<1xi32>
    %min3A_747 = arith.constant 256 : i32
    %min3A_748 = arith.minsi %squeeze3A_746, %min3A_747 : i32
    %add3A_749 = arith.constant 16 : i32
    %add3A_750 = arith.addi %min3A_748, %add3A_749 : i32
    %sub3A_751 = arith.constant 1 : i32
    %sub3A_752 = arith.subi %add3A_750, %sub3A_751 : i32
    %jit3A_753 = arith.constant 16 : i32
    %div3A_754 = arith.divsi %sub3A_752, %jit3A_753 : i32
    %sign3A_755 = arith.constant 0 : i32
    %sign3A_756 = arith.cmpi sgt, %sub3A_752, %sign3A_755 : i32
    %sign3A_757 = arith.extui %sign3A_756 : i1 to i32
    %sign3A_758 = arith.constant 0 : i32
    %sign3A_759 = arith.cmpi slt, %sub3A_752, %sign3A_758 : i32
    %sign3A_760 = arith.extui %sign3A_759 : i1 to i32
    %sign3A_761 = arith.subi %sign3A_757, %sign3A_760 : i32
    %sign3A_762 = arith.constant 0 : i32
    %sign3A_763 = arith.cmpi sgt, %jit3A_753, %sign3A_762 : i32
    %sign3A_764 = arith.extui %sign3A_763 : i1 to i32
    %sign3A_765 = arith.constant 0 : i32
    %sign3A_766 = arith.cmpi slt, %jit3A_753, %sign3A_765 : i32
    %sign3A_767 = arith.extui %sign3A_766 : i1 to i32
    %sign3A_768 = arith.subi %sign3A_764, %sign3A_767 : i32
    %ne3A_769 = arith.cmpi ne, %sign3A_761, %sign3A_768 : i32
    %rem3A_770 = arith.remsi %sub3A_752, %jit3A_753 : i32
    %ne3A_771 = arith.constant 0 : i32
    %ne3A_772 = arith.cmpi ne, %rem3A_770, %ne3A_771 : i32
    %and3A_773 = arith.andi %ne3A_769, %ne3A_772 : i1
    %sub3A_774 = arith.constant 1 : i32
    %sub3A_775 = arith.subi %div3A_754, %sub3A_774 : i32
    %select_n3A_776 = arith.select %and3A_773, %sub3A_775, %div3A_754 : i32
    %lt3A_777 = arith.constant 80 : i32
    %lt3A_778 = arith.cmpi slt, %add3A_620, %lt3A_777 : i32
    %jit3A_779 = arith.constant 0 : i32
    %select_n3A_780 = arith.select %lt3A_778, %min3A_748, %jit3A_779 : i32
    %jit3A_781 = arith.constant 0 : i32
    %select_n3A_782 = arith.select %lt3A_778, %select_n3A_776, %jit3A_781 : i32
    %broadcast_in_dim3A_783 = arith.constant 0 : i32
    %broadcast_in_dim3A_784 = vector.broadcast %broadcast_in_dim3A_783 : i32 to vector<16xi32>
    %broadcast_in_dim3A_785 = arith.constant 0 : i32
    %broadcast_in_dim3A_786 = vector.broadcast %broadcast_in_dim3A_785 : i32 to vector<16xi32>
    %broadcast_in_dim3A_787 = arith.constant 0 : i32
    %broadcast_in_dim3A_788 = vector.broadcast %broadcast_in_dim3A_787 : i32 to vector<16xi32>
    %eq3A = arith.constant 0 : i32
    %eq3A_789 = vector.broadcast %eq3A : i32 to vector<16xi32>
    %eq3A_790 = arith.cmpi eq, %iota3A, %eq3A_789 : vector<16xi32>
    %broadcast_in_dim3A_791 = vector.broadcast %min3A_425 : i32 to vector<16xi32>
    %select_n3A_792 = arith.select %eq3A_790, %broadcast_in_dim3A_791, %broadcast_in_dim3A_784 : vector<16xi1>, vector<16xi32>
    %broadcast_in_dim3A_793 = vector.broadcast %min3A_432 : i32 to vector<16xi32>
    %select_n3A_794 = arith.select %eq3A_790, %broadcast_in_dim3A_793, %broadcast_in_dim3A_786 : vector<16xi1>, vector<16xi32>
    %broadcast_in_dim3A_795 = vector.broadcast %select_n3A_460 : i32 to vector<16xi32>
    %select_n3A_796 = arith.select %eq3A_790, %broadcast_in_dim3A_795, %broadcast_in_dim3A_788 : vector<16xi1>, vector<16xi32>
    %eq3A_797 = arith.constant 1 : i32
    %eq3A_798 = vector.broadcast %eq3A_797 : i32 to vector<16xi32>
    %eq3A_799 = arith.cmpi eq, %iota3A, %eq3A_798 : vector<16xi32>
    %broadcast_in_dim3A_800 = vector.broadcast %min3A_583 : i32 to vector<16xi32>
    %select_n3A_801 = arith.select %eq3A_799, %broadcast_in_dim3A_800, %select_n3A_792 : vector<16xi1>, vector<16xi32>
    %broadcast_in_dim3A_802 = vector.broadcast %min3A_590 : i32 to vector<16xi32>
    %select_n3A_803 = arith.select %eq3A_799, %broadcast_in_dim3A_802, %select_n3A_794 : vector<16xi1>, vector<16xi32>
    %broadcast_in_dim3A_804 = vector.broadcast %select_n3A_618 : i32 to vector<16xi32>
    %select_n3A_805 = arith.select %eq3A_799, %broadcast_in_dim3A_804, %select_n3A_796 : vector<16xi1>, vector<16xi32>
    %eq3A_806 = arith.constant 2 : i32
    %eq3A_807 = vector.broadcast %eq3A_806 : i32 to vector<16xi32>
    %eq3A_808 = arith.cmpi eq, %iota3A, %eq3A_807 : vector<16xi32>
    %broadcast_in_dim3A_809 = vector.broadcast %min3A_741 : i32 to vector<16xi32>
    %select_n3A_810 = arith.select %eq3A_808, %broadcast_in_dim3A_809, %select_n3A_801 : vector<16xi1>, vector<16xi32>
    %broadcast_in_dim3A_811 = vector.broadcast %select_n3A_780 : i32 to vector<16xi32>
    %select_n3A_812 = arith.select %eq3A_808, %broadcast_in_dim3A_811, %select_n3A_803 : vector<16xi1>, vector<16xi32>
    %broadcast_in_dim3A_813 = vector.broadcast %select_n3A_782 : i32 to vector<16xi32>
    %select_n3A_814 = arith.select %eq3A_808, %broadcast_in_dim3A_813, %select_n3A_805 : vector<16xi1>, vector<16xi32>
    %swap3A_815 = arith.constant 0 : index
    %swap3A_816 = tpu.vector_load %arg17[%swap3A_815] {strides = array<i32>} : memref<32xi32, #tpu.memory_space<vmem>>, vector<16xi32>,
    %swap3A_817 = vector.shape_cast %swap3A_816 : vector<16xi32> to vector<16xi32>
    %swap3A_818 = vector.shape_cast %select_n3A_810 : vector<16xi32> to vector<16xi32>
    tpu.vector_store %arg17[%swap3A_815], %swap3A_818 {strides = array<i32>} : memref<32xi32, #tpu.memory_space<vmem>>, vector<16xi32>,
    %swap3A_819 = arith.constant 0 : index
    %swap3A_820 = tpu.vector_load %arg18[%swap3A_819] {strides = array<i32>} : memref<32xi32, #tpu.memory_space<vmem>>, vector<16xi32>,
    %swap3A_821 = vector.shape_cast %swap3A_820 : vector<16xi32> to vector<16xi32>
    %swap3A_822 = vector.shape_cast %select_n3A_812 : vector<16xi32> to vector<16xi32>
    tpu.vector_store %arg18[%swap3A_819], %swap3A_822 {strides = array<i32>} : memref<32xi32, #tpu.memory_space<vmem>>, vector<16xi32>,
    %swap3A_823 = arith.constant 0 : index
    %swap3A_824 = tpu.vector_load %arg19[%swap3A_823] {strides = array<i32>} : memref<32xi32, #tpu.memory_space<vmem>>, vector<16xi32>,
    %swap3A_825 = vector.shape_cast %swap3A_824 : vector<16xi32> to vector<16xi32>
    %swap3A_826 = vector.shape_cast %select_n3A_814 : vector<16xi32> to vector<16xi32>
    tpu.vector_store %arg19[%swap3A_823], %swap3A_826 {strides = array<i32>} : memref<32xi32, #tpu.memory_space<vmem>>, vector<16xi32>,
    %sub3A_827 = arith.constant 79 : i32
    %sub3A_828 = arith.subi %sub3A_827, %add3A : i32
    %jit3A_829 = arith.constant 32 : i32
    %div3A_830 = arith.divsi %sub3A_828, %jit3A_829 : i32
    %sign3A_831 = arith.constant 0 : i32
    %sign3A_832 = arith.cmpi sgt, %sub3A_828, %sign3A_831 : i32
    %sign3A_833 = arith.extui %sign3A_832 : i1 to i32
    %sign3A_834 = arith.constant 0 : i32
    %sign3A_835 = arith.cmpi slt, %sub3A_828, %sign3A_834 : i32
    %sign3A_836 = arith.extui %sign3A_835 : i1 to i32
    %sign3A_837 = arith.subi %sign3A_833, %sign3A_836 : i32
    %sign3A_838 = arith.constant 0 : i32
    %sign3A_839 = arith.cmpi sgt, %jit3A_829, %sign3A_838 : i32
    %sign3A_840 = arith.extui %sign3A_839 : i1 to i32
    %sign3A_841 = arith.constant 0 : i32
    %sign3A_842 = arith.cmpi slt, %jit3A_829, %sign3A_841 : i32
    %sign3A_843 = arith.extui %sign3A_842 : i1 to i32
    %sign3A_844 = arith.subi %sign3A_840, %sign3A_843 : i32
    %ne3A_845 = arith.cmpi ne, %sign3A_837, %sign3A_844 : i32
    %rem3A_846 = arith.remsi %sub3A_828, %jit3A_829 : i32
    %ne3A_847 = arith.constant 0 : i32
    %ne3A_848 = arith.cmpi ne, %rem3A_846, %ne3A_847 : i32
    %and3A_849 = arith.andi %ne3A_845, %ne3A_848 : i1
    %sub3A_850 = arith.constant 1 : i32
    %sub3A_851 = arith.subi %div3A_830, %sub3A_850 : i32
    %select_n3A_852 = arith.select %and3A_849, %sub3A_851, %div3A_830 : i32
    %add3A_853 = arith.constant 1 : i32
    %add3A_854 = arith.addi %select_n3A_852, %add3A_853 : i32
    %while3A = arith.constant 0 : i32
    %while3A_855 = arith.constant 0 : i32
    %while3A_856 = arith.subi %add3A_854, %while3A : i32
    %while3A_857 = arith.addi %while3A, %while3A_856 : i32
    %while3A_858 = arith.constant 1 : i32
    %while3A_859 = arith.divsi %while3A_856, %while3A_858 : i32
    %while3A_860 = arith.muli %while3A_859, %while3A_858 : i32
    %while3A_861 = arith.addi %while3A, %while3A_860 : i32
    %while3A_862 = arith.constant 1 : i32
    %while3A_863 = scf.for %while3A_904 = %while3A to %while3A_861 step %while3A_862 iter_args(%while3A_905 = %while3A_855) -> (i32)  : i32 {
      %jit3A_906 = arith.constant 2 : i32
      %div3A_907 = arith.divsi %while3A_904, %jit3A_906 : i32
      %sign3A_908 = arith.constant 0 : i32
      %sign3A_909 = arith.cmpi sgt, %while3A_904, %sign3A_908 : i32
      %sign3A_910 = arith.extui %sign3A_909 : i1 to i32
      %sign3A_911 = arith.constant 0 : i32
      %sign3A_912 = arith.cmpi slt, %while3A_904, %sign3A_911 : i32
      %sign3A_913 = arith.extui %sign3A_912 : i1 to i32
      %sign3A_914 = arith.subi %sign3A_910, %sign3A_913 : i32
      %sign3A_915 = arith.constant 0 : i32
      %sign3A_916 = arith.cmpi sgt, %jit3A_906, %sign3A_915 : i32
      %sign3A_917 = arith.extui %sign3A_916 : i1 to i32
      %sign3A_918 = arith.constant 0 : i32
      %sign3A_919 = arith.cmpi slt, %jit3A_906, %sign3A_918 : i32
      %sign3A_920 = arith.extui %sign3A_919 : i1 to i32
      %sign3A_921 = arith.subi %sign3A_917, %sign3A_920 : i32
      %ne3A_922 = arith.cmpi ne, %sign3A_914, %sign3A_921 : i32
      %rem3A_923 = arith.remsi %while3A_904, %jit3A_906 : i32
      %ne3A_924 = arith.constant 0 : i32
      %ne3A_925 = arith.cmpi ne, %rem3A_923, %ne3A_924 : i32
      %and3A_926 = arith.andi %ne3A_922, %ne3A_925 : i1
      %sub3A_927 = arith.constant 1 : i32
      %sub3A_928 = arith.subi %div3A_907, %sub3A_927 : i32
      %select_n3A_929 = arith.select %and3A_926, %sub3A_928, %div3A_907 : i32
      %mul3A_930 = arith.constant 2 : i32
      %mul3A_931 = arith.muli %select_n3A_929, %mul3A_930 : i32
      %sub3A_932 = arith.subi %while3A_904, %mul3A_931 : i32
      %mul3A_933 = arith.constant 32 : i32
      %mul3A_934 = arith.muli %while3A_904, %mul3A_933 : i32
      %add3A_935 = arith.addi %add3A, %mul3A_934 : i32
      %jit3A_936 = arith.constant 5 : i32
      %div3A_937 = arith.divsi %add3A_935, %jit3A_936 : i32
      %sign3A_938 = arith.constant 0 : i32
      %sign3A_939 = arith.cmpi sgt, %add3A_935, %sign3A_938 : i32
      %sign3A_940 = arith.extui %sign3A_939 : i1 to i32
      %sign3A_941 = arith.constant 0 : i32
      %sign3A_942 = arith.cmpi slt, %add3A_935, %sign3A_941 : i32
      %sign3A_943 = arith.extui %sign3A_942 : i1 to i32
      %sign3A_944 = arith.subi %sign3A_940, %sign3A_943 : i32
      %sign3A_945 = arith.constant 0 : i32
      %sign3A_946 = arith.cmpi sgt, %jit3A_936, %sign3A_945 : i32
      %sign3A_947 = arith.extui %sign3A_946 : i1 to i32
      %sign3A_948 = arith.constant 0 : i32
      %sign3A_949 = arith.cmpi slt, %jit3A_936, %sign3A_948 : i32
      %sign3A_950 = arith.extui %sign3A_949 : i1 to i32
      %sign3A_951 = arith.subi %sign3A_947, %sign3A_950 : i32
      %ne3A_952 = arith.cmpi ne, %sign3A_944, %sign3A_951 : i32
      %rem3A_953 = arith.remsi %add3A_935, %jit3A_936 : i32
      %ne3A_954 = arith.constant 0 : i32
      %ne3A_955 = arith.cmpi ne, %rem3A_953, %ne3A_954 : i32
      %and3A_956 = arith.andi %ne3A_952, %ne3A_955 : i1
      %sub3A_957 = arith.constant 1 : i32
      %sub3A_958 = arith.subi %div3A_937, %sub3A_957 : i32
      %select_n3A_959 = arith.select %and3A_956, %sub3A_958, %div3A_937 : i32
      %mul3A_960 = arith.constant 5 : i32
      %mul3A_961 = arith.muli %select_n3A_959, %mul3A_960 : i32
      %sub3A_962 = arith.subi %add3A_935, %mul3A_961 : i32
      %get3A_963 = arith.index_cast %while3A_904 : i32 to index
      %get3A_964 = tpu.vector_load %arg17[%get3A_963] {strides = array<i32>} : memref<32xi32, #tpu.memory_space<vmem>>, vector<16xi32>,
      %get3A_965 = vector.shape_cast %get3A_964 : vector<16xi32> to vector<16xi32>
      %slice3A_966 = vector.extract_strided_slice %get3A_965 {offsets = [0], sizes = [1], strides = [1]} : vector<16xi32> to vector<1xi32>
      %squeeze3A_967 = vector.extract %slice3A_966[0] : i32 from vector<1xi32>
      %get3A_968 = arith.index_cast %while3A_904 : i32 to index
      %get3A_969 = tpu.vector_load %arg18[%get3A_968] {strides = array<i32>} : memref<32xi32, #tpu.memory_space<vmem>>, vector<16xi32>,
      %get3A_970 = vector.shape_cast %get3A_969 : vector<16xi32> to vector<16xi32>
      %slice3A_971 = vector.extract_strided_slice %get3A_970 {offsets = [0], sizes = [1], strides = [1]} : vector<16xi32> to vector<1xi32>
      %squeeze3A_972 = vector.extract %slice3A_971[0] : i32 from vector<1xi32>
      %get3A_973 = arith.index_cast %while3A_904 : i32 to index
      %get3A_974 = tpu.vector_load %arg19[%get3A_973] {strides = array<i32>} : memref<32xi32, #tpu.memory_space<vmem>>, vector<16xi32>,
      %get3A_975 = vector.shape_cast %get3A_974 : vector<16xi32> to vector<16xi32>
      %slice3A_976 = vector.extract_strided_slice %get3A_975 {offsets = [0], sizes = [1], strides = [1]} : vector<16xi32> to vector<1xi32>
      %squeeze3A_977 = vector.extract %slice3A_976[0] : i32 from vector<1xi32>
      %while3A_978 = arith.constant 0 : i32
      %while3A_979 = arith.constant 0 : i32
      %while3A_980 = arith.subi %squeeze3A_977, %while3A_978 : i32
      %while3A_981 = arith.addi %while3A_978, %while3A_980 : i32
      %while3A_982 = arith.constant 1 : i32
      %while3A_983 = arith.divsi %while3A_980, %while3A_982 : i32
      %while3A_984 = arith.muli %while3A_983, %while3A_982 : i32
      %while3A_985 = arith.addi %while3A_978, %while3A_984 : i32
      %while3A_986 = arith.constant 1 : i32
      %while3A_987 = scf.for %while3A_1074 = %while3A_978 to %while3A_985 step %while3A_986 iter_args(%while3A_1075 = %while3A_979) -> (i32)  : i32 {
        %mul3A_1076 = arith.constant 16 : i32
        %mul3A_1077 = arith.muli %while3A_1074, %mul3A_1076 : i32
        %mul3A_1078 = arith.constant 16 : i32
        %mul3A_1079 = arith.muli %while3A_1074, %mul3A_1078 : i32
        %dma_start3A_1080 = arith.constant 0 : i32
        %dma_start3A_1081 = tpu.memref_slice %arg20[%sub3A_932, %mul3A_1079, %dma_start3A_1080] : memref<2x256x128xf32, #tpu.memory_space<vmem>> -> memref<1x16x128xf32, #tpu.memory_space<vmem>>
        %dma_start3A_1082 = tpu.memref_squeeze %dma_start3A_1081 : memref<1x16x128xf32, #tpu.memory_space<vmem>> -> memref<16x128xf32, #tpu.memory_space<vmem>>
        %dma_start3A_1083 = arith.constant 0 : i32
        %dma_start3A_1084 = tpu.memref_slice %arg2[%squeeze3A_967, %mul3A_1077, %dma_start3A_1083] : memref<1000x256x128xf32, #tpu.memory_space<hbm>> -> memref<1x16x128xf32, #tpu.memory_space<hbm>>
        %dma_start3A_1085 = tpu.memref_squeeze %dma_start3A_1084 : memref<1x16x128xf32, #tpu.memory_space<hbm>> -> memref<16x128xf32, #tpu.memory_space<hbm>>
        %dma_start3A_1086 = arith.constant 0 : i32
        %dma_start3A_1087 = tpu.memref_slice %arg20[%sub3A_932, %mul3A_1079, %dma_start3A_1086] : memref<2x256x128xf32, #tpu.memory_space<vmem>> -> memref<1x16x128xf32, #tpu.memory_space<vmem>>
        %dma_start3A_1088 = tpu.memref_squeeze %dma_start3A_1087 : memref<1x16x128xf32, #tpu.memory_space<vmem>> -> memref<16x128xf32, #tpu.memory_space<vmem>>
        %dma_start3A_1089 = arith.constant 0 : i32
        %dma_start3A_1090 = tpu.memref_slice %arg2[%squeeze3A_967, %mul3A_1077, %dma_start3A_1089] : memref<1000x256x128xf32, #tpu.memory_space<hbm>> -> memref<1x16x128xf32, #tpu.memory_space<hbm>>
        %dma_start3A_1091 = tpu.memref_squeeze %dma_start3A_1090 : memref<1x16x128xf32, #tpu.memory_space<hbm>> -> memref<16x128xf32, #tpu.memory_space<hbm>>
        tpu.enqueue_dma source(%dma_start3A_1091 : memref<16x128xf32, #tpu.memory_space<hbm>>) target(%dma_start3A_1088 : memref<16x128xf32, #tpu.memory_space<vmem>>) target_semaphore(%arg26 : memref<!tpu.dma_semaphore, #tpu.memory_space<semaphore_mem>>)
        %while3A_1092 = arith.constant 0 : i32
        scf.yield %while3A_1092 : i32
      }
      %while3A_988 = arith.constant 1 : i32
      %while3A_989 = scf.for %while3A_1074 = %while3A_985 to %while3A_981 step %while3A_988 iter_args(%while3A_1075 = %while3A_987) -> (i32)  : i32 {
        %mul3A_1076 = arith.constant 16 : i32
        %mul3A_1077 = arith.muli %while3A_1074, %mul3A_1076 : i32
        %mul3A_1078 = arith.constant 16 : i32
        %mul3A_1079 = arith.muli %while3A_1074, %mul3A_1078 : i32
        %dma_start3A_1080 = arith.constant 0 : i32
        %dma_start3A_1081 = tpu.memref_slice %arg20[%sub3A_932, %mul3A_1079, %dma_start3A_1080] : memref<2x256x128xf32, #tpu.memory_space<vmem>> -> memref<1x16x128xf32, #tpu.memory_space<vmem>>
        %dma_start3A_1082 = tpu.memref_squeeze %dma_start3A_1081 : memref<1x16x128xf32, #tpu.memory_space<vmem>> -> memref<16x128xf32, #tpu.memory_space<vmem>>
        %dma_start3A_1083 = arith.constant 0 : i32
        %dma_start3A_1084 = tpu.memref_slice %arg2[%squeeze3A_967, %mul3A_1077, %dma_start3A_1083] : memref<1000x256x128xf32, #tpu.memory_space<hbm>> -> memref<1x16x128xf32, #tpu.memory_space<hbm>>
        %dma_start3A_1085 = tpu.memref_squeeze %dma_start3A_1084 : memref<1x16x128xf32, #tpu.memory_space<hbm>> -> memref<16x128xf32, #tpu.memory_space<hbm>>
        %dma_start3A_1086 = arith.constant 0 : i32
        %dma_start3A_1087 = tpu.memref_slice %arg20[%sub3A_932, %mul3A_1079, %dma_start3A_1086] : memref<2x256x128xf32, #tpu.memory_space<vmem>> -> memref<1x16x128xf32, #tpu.memory_space<vmem>>
        %dma_start3A_1088 = tpu.memref_squeeze %dma_start3A_1087 : memref<1x16x128xf32, #tpu.memory_space<vmem>> -> memref<16x128xf32, #tpu.memory_space<vmem>>
        %dma_start3A_1089 = arith.constant 0 : i32
        %dma_start3A_1090 = tpu.memref_slice %arg2[%squeeze3A_967, %mul3A_1077, %dma_start3A_1089] : memref<1000x256x128xf32, #tpu.memory_space<hbm>> -> memref<1x16x128xf32, #tpu.memory_space<hbm>>
        %dma_start3A_1091 = tpu.memref_squeeze %dma_start3A_1090 : memref<1x16x128xf32, #tpu.memory_space<hbm>> -> memref<16x128xf32, #tpu.memory_space<hbm>>
        tpu.enqueue_dma source(%dma_start3A_1091 : memref<16x128xf32, #tpu.memory_space<hbm>>) target(%dma_start3A_1088 : memref<16x128xf32, #tpu.memory_space<vmem>>) target_semaphore(%arg26 : memref<!tpu.dma_semaphore, #tpu.memory_space<semaphore_mem>>)
        %while3A_1092 = arith.constant 0 : i32
        scf.yield %while3A_1092 : i32
      }
      %convert_element_type3A_990 = arith.sitofp %squeeze3A_972 : i32 to f32
      %broadcast_in_dim3A_991 = vector.broadcast %convert_element_type3A_990 : f32 to vector<16xf32>
      %broadcast_in_dim3A_992 = arith.constant 1.000000e+00 : f32
      %broadcast_in_dim3A_993 = vector.broadcast %broadcast_in_dim3A_992 : f32 to vector<16xf32>
      %add3A_994 = arith.constant 9.99999993E-9 : f32
      %add3A_995 = vector.broadcast %add3A_994 : f32 to vector<16xf32>
      %add3A_996 = arith.addf %broadcast_in_dim3A_991, %add3A_995 : vector<16xf32>
      %div3A_997 = arith.divf %broadcast_in_dim3A_993, %add3A_996 : vector<16xf32>
      %broadcast_in_dim3A_998 = vector.broadcast %squeeze3A_972 : i32 to vector<16xi32>
      %scan3A_999 = arith.constant 0 : i32
      %scan3A_1000 = arith.constant 0 : i32
      %scan3A_1001 = arith.constant 16 : i32
      %scan3A_1002 = arith.addi %scan3A_1000, %scan3A_1001 : i32
      %scan3A_1003 = arith.constant 1 : i32
      %scan3A_1004 = scf.for %scan3A_1074 = %scan3A_1000 to %scan3A_1002 step %scan3A_1003 iter_args(%scan3A_1075 = %scan3A_999) -> (i32)  : i32 {
        %mul3A_1076 = arith.constant 16 : i32
        %mul3A_1077 = arith.muli %scan3A_1074, %mul3A_1076 : i32
        %add3A_1078 = vector.broadcast %mul3A_1077 : i32 to vector<16xi32>
        %add3A_1079 = arith.addi %iota3A, %add3A_1078 : vector<16xi32>
        %lt3A_1080 = arith.cmpi slt, %add3A_1079, %broadcast_in_dim3A_998 : vector<16xi32>
        %select_n3A_1081 = arith.select %lt3A_1080, %div3A_997, %broadcast_in_dim3A_1 : vector<16xi1>, vector<16xf32>
        %mul3A_1082 = arith.constant 16 : i32
        %mul3A_1083 = arith.muli %scan3A_1074, %mul3A_1082 : i32
        %multiple_of3A_1084 = tpu.assume_multiple %mul3A_1083, 16 : i32
        %swap3A_1085 = arith.index_cast %sub3A_932 : i32 to index
        %swap3A_1086 = arith.index_cast %multiple_of3A_1084 : i32 to index
        %swap3A_1087 = tpu.vector_load %arg22[%swap3A_1085, %swap3A_1086] {strides = array<i32>} : memref<2x256xf32, #tpu.memory_space<vmem>>, vector<1x16xf32>,
        %swap3A_1088 = vector.shape_cast %swap3A_1087 : vector<1x16xf32> to vector<16xf32>
        %swap3A_1089 = vector.shape_cast %select_n3A_1081 : vector<16xf32> to vector<1x16xf32>
        tpu.vector_store %arg22[%swap3A_1085, %swap3A_1086], %swap3A_1089 {strides = array<i32>} : memref<2x256xf32, #tpu.memory_space<vmem>>, vector<1x16xf32>,
        %scan3A_1090 = arith.constant 0 : i32
        scf.yield %scan3A_1090 : i32
      }
      %scan3A_1005 = arith.constant 16 : i32
      %while3A_1006 = arith.constant 0 : i32
      %while3A_1007 = arith.constant 0 : i32
      %while3A_1008 = arith.subi %squeeze3A_977, %while3A_1006 : i32
      %while3A_1009 = arith.addi %while3A_1006, %while3A_1008 : i32
      %while3A_1010 = arith.constant 1 : i32
      %while3A_1011 = arith.divsi %while3A_1008, %while3A_1010 : i32
      %while3A_1012 = arith.muli %while3A_1011, %while3A_1010 : i32
      %while3A_1013 = arith.addi %while3A_1006, %while3A_1012 : i32
      %while3A_1014 = arith.constant 1 : i32
      %while3A_1015 = scf.for %while3A_1074 = %while3A_1006 to %while3A_1013 step %while3A_1014 iter_args(%while3A_1075 = %while3A_1007) -> (i32)  : i32 {
        %mul3A_1076 = arith.constant 16 : i32
        %mul3A_1077 = arith.muli %while3A_1074, %mul3A_1076 : i32
        %mul3A_1078 = arith.constant 16 : i32
        %mul3A_1079 = arith.muli %while3A_1074, %mul3A_1078 : i32
        %dma_wait3A_1080 = arith.constant 0 : i32
        %dma_wait3A_1081 = tpu.memref_slice %arg20[%sub3A_932, %mul3A_1079, %dma_wait3A_1080] : memref<2x256x128xf32, #tpu.memory_space<vmem>> -> memref<1x16x128xf32, #tpu.memory_space<vmem>>
        %dma_wait3A_1082 = tpu.memref_squeeze %dma_wait3A_1081 : memref<1x16x128xf32, #tpu.memory_space<vmem>> -> memref<16x128xf32, #tpu.memory_space<vmem>>
        %dma_wait3A_1083 = arith.constant 0 : i32
        %dma_wait3A_1084 = tpu.memref_slice %arg2[%squeeze3A_967, %mul3A_1077, %dma_wait3A_1083] : memref<1000x256x128xf32, #tpu.memory_space<hbm>> -> memref<1x16x128xf32, #tpu.memory_space<hbm>>
        %dma_wait3A_1085 = tpu.memref_squeeze %dma_wait3A_1084 : memref<1x16x128xf32, #tpu.memory_space<hbm>> -> memref<16x128xf32, #tpu.memory_space<hbm>>
        %dma_wait3A_1086 = arith.constant 0 : i32
        %dma_wait3A_1087 = tpu.memref_slice %arg20[%sub3A_932, %mul3A_1079, %dma_wait3A_1086] : memref<2x256x128xf32, #tpu.memory_space<vmem>> -> memref<1x16x128xf32, #tpu.memory_space<vmem>>
        %dma_wait3A_1088 = tpu.memref_squeeze %dma_wait3A_1087 : memref<1x16x128xf32, #tpu.memory_space<vmem>> -> memref<16x128xf32, #tpu.memory_space<vmem>>
        %dma_wait3A_1089 = arith.constant 0 : i32
        %dma_wait3A_1090 = tpu.memref_slice %arg2[%squeeze3A_967, %mul3A_1077, %dma_wait3A_1089] : memref<1000x256x128xf32, #tpu.memory_space<hbm>> -> memref<1x16x128xf32, #tpu.memory_space<hbm>>
        %dma_wait3A_1091 = tpu.memref_squeeze %dma_wait3A_1090 : memref<1x16x128xf32, #tpu.memory_space<hbm>> -> memref<16x128xf32, #tpu.memory_space<hbm>>
        tpu.wait_dma2 semaphore(%arg26 : memref<!tpu.dma_semaphore, #tpu.memory_space<semaphore_mem>>) src(%dma_wait3A_1091 : memref<16x128xf32, #tpu.memory_space<hbm>>) dst(%dma_wait3A_1088 : memref<16x128xf32, #tpu.memory_space<vmem>>)
        %while3A_1092 = arith.constant 0 : i32
        scf.yield %while3A_1092 : i32
      }
      %while3A_1016 = arith.constant 1 : i32
      %while3A_1017 = scf.for %while3A_1074 = %while3A_1013 to %while3A_1009 step %while3A_1016 iter_args(%while3A_1075 = %while3A_1015) -> (i32)  : i32 {
        %mul3A_1076 = arith.constant 16 : i32
        %mul3A_1077 = arith.muli %while3A_1074, %mul3A_1076 : i32
        %mul3A_1078 = arith.constant 16 : i32
        %mul3A_1079 = arith.muli %while3A_1074, %mul3A_1078 : i32
        %dma_wait3A_1080 = arith.constant 0 : i32
        %dma_wait3A_1081 = tpu.memref_slice %arg20[%sub3A_932, %mul3A_1079, %dma_wait3A_1080] : memref<2x256x128xf32, #tpu.memory_space<vmem>> -> memref<1x16x128xf32, #tpu.memory_space<vmem>>
        %dma_wait3A_1082 = tpu.memref_squeeze %dma_wait3A_1081 : memref<1x16x128xf32, #tpu.memory_space<vmem>> -> memref<16x128xf32, #tpu.memory_space<vmem>>
        %dma_wait3A_1083 = arith.constant 0 : i32
        %dma_wait3A_1084 = tpu.memref_slice %arg2[%squeeze3A_967, %mul3A_1077, %dma_wait3A_1083] : memref<1000x256x128xf32, #tpu.memory_space<hbm>> -> memref<1x16x128xf32, #tpu.memory_space<hbm>>
        %dma_wait3A_1085 = tpu.memref_squeeze %dma_wait3A_1084 : memref<1x16x128xf32, #tpu.memory_space<hbm>> -> memref<16x128xf32, #tpu.memory_space<hbm>>
        %dma_wait3A_1086 = arith.constant 0 : i32
        %dma_wait3A_1087 = tpu.memref_slice %arg20[%sub3A_932, %mul3A_1079, %dma_wait3A_1086] : memref<2x256x128xf32, #tpu.memory_space<vmem>> -> memref<1x16x128xf32, #tpu.memory_space<vmem>>
        %dma_wait3A_1088 = tpu.memref_squeeze %dma_wait3A_1087 : memref<1x16x128xf32, #tpu.memory_space<vmem>> -> memref<16x128xf32, #tpu.memory_space<vmem>>
        %dma_wait3A_1089 = arith.constant 0 : i32
        %dma_wait3A_1090 = tpu.memref_slice %arg2[%squeeze3A_967, %mul3A_1077, %dma_wait3A_1089] : memref<1000x256x128xf32, #tpu.memory_space<hbm>> -> memref<1x16x128xf32, #tpu.memory_space<hbm>>
        %dma_wait3A_1091 = tpu.memref_squeeze %dma_wait3A_1090 : memref<1x16x128xf32, #tpu.memory_space<hbm>> -> memref<16x128xf32, #tpu.memory_space<hbm>>
        tpu.wait_dma2 semaphore(%arg26 : memref<!tpu.dma_semaphore, #tpu.memory_space<semaphore_mem>>) src(%dma_wait3A_1091 : memref<16x128xf32, #tpu.memory_space<hbm>>) dst(%dma_wait3A_1088 : memref<16x128xf32, #tpu.memory_space<vmem>>)
        %while3A_1092 = arith.constant 0 : i32
        scf.yield %while3A_1092 : i32
      }
      %mul3A_1018 = arith.constant 16 : i32
      %mul3A_1019 = arith.muli %squeeze3A_977, %mul3A_1018 : i32
      %min3A_1020 = arith.constant 256 : i32
      %min3A_1021 = arith.minsi %mul3A_1019, %min3A_1020 : i32
      %while3A_1022 = arith.constant 0 : i32
      %while3A_1023 = arith.subi %min3A_1021, %squeeze3A_972 : i32
      %while3A_1024 = arith.addi %squeeze3A_972, %while3A_1023 : i32
      %while3A_1025 = arith.constant 1 : i32
      %while3A_1026 = arith.divsi %while3A_1023, %while3A_1025 : i32
      %while3A_1027 = arith.muli %while3A_1026, %while3A_1025 : i32
      %while3A_1028 = arith.addi %squeeze3A_972, %while3A_1027 : i32
      %while3A_1029 = arith.constant 1 : i32
      %while3A_1030 = scf.for %while3A_1074 = %squeeze3A_972 to %while3A_1028 step %while3A_1029 iter_args(%while3A_1075 = %while3A_1022) -> (i32)  : i32 {
        %swap3A_1076 = arith.index_cast %sub3A_932 : i32 to index
        %swap3A_1077 = arith.index_cast %while3A_1074 : i32 to index
        %swap3A_1078 = arith.constant 0 : index
        %swap3A_1079 = tpu.vector_load %arg20[%swap3A_1076, %swap3A_1077, %swap3A_1078] {strides = array<i32>} : memref<2x256x128xf32, #tpu.memory_space<vmem>>, vector<1x1x16xf32>,
        %swap3A_1080 = vector.shape_cast %swap3A_1079 : vector<1x1x16xf32> to vector<16xf32>
        %swap3A_1081 = vector.shape_cast %broadcast_in_dim3A_1 : vector<16xf32> to vector<1x1x16xf32>
        tpu.vector_store %arg20[%swap3A_1076, %swap3A_1077, %swap3A_1078], %swap3A_1081 {strides = array<i32>} : memref<2x256x128xf32, #tpu.memory_space<vmem>>, vector<1x1x16xf32>,
        %swap3A_1082 = arith.index_cast %sub3A_932 : i32 to index
        %swap3A_1083 = arith.index_cast %while3A_1074 : i32 to index
        %swap3A_1084 = arith.constant 16 : index
        %swap3A_1085 = tpu.vector_load %arg20[%swap3A_1082, %swap3A_1083, %swap3A_1084] {strides = array<i32>} : memref<2x256x128xf32, #tpu.memory_space<vmem>>, vector<1x1x16xf32>,
        %swap3A_1086 = vector.shape_cast %swap3A_1085 : vector<1x1x16xf32> to vector<16xf32>
        %swap3A_1087 = vector.shape_cast %broadcast_in_dim3A_1 : vector<16xf32> to vector<1x1x16xf32>
        tpu.vector_store %arg20[%swap3A_1082, %swap3A_1083, %swap3A_1084], %swap3A_1087 {strides = array<i32>} : memref<2x256x128xf32, #tpu.memory_space<vmem>>, vector<1x1x16xf32>,
        %swap3A_1088 = arith.index_cast %sub3A_932 : i32 to index
        %swap3A_1089 = arith.index_cast %while3A_1074 : i32 to index
        %swap3A_1090 = arith.constant 32 : index
        %swap3A_1091 = tpu.vector_load %arg20[%swap3A_1088, %swap3A_1089, %swap3A_1090] {strides = array<i32>} : memref<2x256x128xf32, #tpu.memory_space<vmem>>, vector<1x1x16xf32>,
        %swap3A_1092 = vector.shape_cast %swap3A_1091 : vector<1x1x16xf32> to vector<16xf32>
        %swap3A_1093 = vector.shape_cast %broadcast_in_dim3A_1 : vector<16xf32> to vector<1x1x16xf32>
        tpu.vector_store %arg20[%swap3A_1088, %swap3A_1089, %swap3A_1090], %swap3A_1093 {strides = array<i32>} : memref<2x256x128xf32, #tpu.memory_space<vmem>>, vector<1x1x16xf32>,
        %swap3A_1094 = arith.index_cast %sub3A_932 : i32 to index
        %swap3A_1095 = arith.index_cast %while3A_1074 : i32 to index
        %swap3A_1096 = arith.constant 48 : index
        %swap3A_1097 = tpu.vector_load %arg20[%swap3A_1094, %swap3A_1095, %swap3A_1096] {strides = array<i32>} : memref<2x256x128xf32, #tpu.memory_space<vmem>>, vector<1x1x16xf32>,
        %swap3A_1098 = vector.shape_cast %swap3A_1097 : vector<1x1x16xf32> to vector<16xf32>
        %swap3A_1099 = vector.shape_cast %broadcast_in_dim3A_1 : vector<16xf32> to vector<1x1x16xf32>
        tpu.vector_store %arg20[%swap3A_1094, %swap3A_1095, %swap3A_1096], %swap3A_1099 {strides = array<i32>} : memref<2x256x128xf32, #tpu.memory_space<vmem>>, vector<1x1x16xf32>,
        %swap3A_1100 = arith.index_cast %sub3A_932 : i32 to index
        %swap3A_1101 = arith.index_cast %while3A_1074 : i32 to index
        %swap3A_1102 = arith.constant 64 : index
        %swap3A_1103 = tpu.vector_load %arg20[%swap3A_1100, %swap3A_1101, %swap3A_1102] {strides = array<i32>} : memref<2x256x128xf32, #tpu.memory_space<vmem>>, vector<1x1x16xf32>,
        %swap3A_1104 = vector.shape_cast %swap3A_1103 : vector<1x1x16xf32> to vector<16xf32>
        %swap3A_1105 = vector.shape_cast %broadcast_in_dim3A_1 : vector<16xf32> to vector<1x1x16xf32>
        tpu.vector_store %arg20[%swap3A_1100, %swap3A_1101, %swap3A_1102], %swap3A_1105 {strides = array<i32>} : memref<2x256x128xf32, #tpu.memory_space<vmem>>, vector<1x1x16xf32>,
        %swap3A_1106 = arith.index_cast %sub3A_932 : i32 to index
        %swap3A_1107 = arith.index_cast %while3A_1074 : i32 to index
        %swap3A_1108 = arith.constant 80 : index
        %swap3A_1109 = tpu.vector_load %arg20[%swap3A_1106, %swap3A_1107, %swap3A_1108] {strides = array<i32>} : memref<2x256x128xf32, #tpu.memory_space<vmem>>, vector<1x1x16xf32>,
        %swap3A_1110 = vector.shape_cast %swap3A_1109 : vector<1x1x16xf32> to vector<16xf32>
        %swap3A_1111 = vector.shape_cast %broadcast_in_dim3A_1 : vector<16xf32> to vector<1x1x16xf32>
        tpu.vector_store %arg20[%swap3A_1106, %swap3A_1107, %swap3A_1108], %swap3A_1111 {strides = array<i32>} : memref<2x256x128xf32, #tpu.memory_space<vmem>>, vector<1x1x16xf32>,
        %swap3A_1112 = arith.index_cast %sub3A_932 : i32 to index
        %swap3A_1113 = arith.index_cast %while3A_1074 : i32 to index
        %swap3A_1114 = arith.constant 96 : index
        %swap3A_1115 = tpu.vector_load %arg20[%swap3A_1112, %swap3A_1113, %swap3A_1114] {strides = array<i32>} : memref<2x256x128xf32, #tpu.memory_space<vmem>>, vector<1x1x16xf32>,
        %swap3A_1116 = vector.shape_cast %swap3A_1115 : vector<1x1x16xf32> to vector<16xf32>
        %swap3A_1117 = vector.shape_cast %broadcast_in_dim3A_1 : vector<16xf32> to vector<1x1x16xf32>
        tpu.vector_store %arg20[%swap3A_1112, %swap3A_1113, %swap3A_1114], %swap3A_1117 {strides = array<i32>} : memref<2x256x128xf32, #tpu.memory_space<vmem>>, vector<1x1x16xf32>,
        %swap3A_1118 = arith.index_cast %sub3A_932 : i32 to index
        %swap3A_1119 = arith.index_cast %while3A_1074 : i32 to index
        %swap3A_1120 = arith.constant 112 : index
        %swap3A_1121 = tpu.vector_load %arg20[%swap3A_1118, %swap3A_1119, %swap3A_1120] {strides = array<i32>} : memref<2x256x128xf32, #tpu.memory_space<vmem>>, vector<1x1x16xf32>,
        %swap3A_1122 = vector.shape_cast %swap3A_1121 : vector<1x1x16xf32> to vector<16xf32>
        %swap3A_1123 = vector.shape_cast %broadcast_in_dim3A_1 : vector<16xf32> to vector<1x1x16xf32>
        tpu.vector_store %arg20[%swap3A_1118, %swap3A_1119, %swap3A_1120], %swap3A_1123 {strides = array<i32>} : memref<2x256x128xf32, #tpu.memory_space<vmem>>, vector<1x1x16xf32>,
        %while3A_1124 = arith.constant 0 : i32
        scf.yield %while3A_1124 : i32
      }
      %while3A_1031 = arith.constant 1 : i32
      %while3A_1032 = scf.for %while3A_1074 = %while3A_1028 to %while3A_1024 step %while3A_1031 iter_args(%while3A_1075 = %while3A_1030) -> (i32)  : i32 {
        %swap3A_1076 = arith.index_cast %sub3A_932 : i32 to index
        %swap3A_1077 = arith.index_cast %while3A_1074 : i32 to index
        %swap3A_1078 = arith.constant 0 : index
        %swap3A_1079 = tpu.vector_load %arg20[%swap3A_1076, %swap3A_1077, %swap3A_1078] {strides = array<i32>} : memref<2x256x128xf32, #tpu.memory_space<vmem>>, vector<1x1x16xf32>,
        %swap3A_1080 = vector.shape_cast %swap3A_1079 : vector<1x1x16xf32> to vector<16xf32>
        %swap3A_1081 = vector.shape_cast %broadcast_in_dim3A_1 : vector<16xf32> to vector<1x1x16xf32>
        tpu.vector_store %arg20[%swap3A_1076, %swap3A_1077, %swap3A_1078], %swap3A_1081 {strides = array<i32>} : memref<2x256x128xf32, #tpu.memory_space<vmem>>, vector<1x1x16xf32>,
        %swap3A_1082 = arith.index_cast %sub3A_932 : i32 to index
        %swap3A_1083 = arith.index_cast %while3A_1074 : i32 to index
        %swap3A_1084 = arith.constant 16 : index
        %swap3A_1085 = tpu.vector_load %arg20[%swap3A_1082, %swap3A_1083, %swap3A_1084] {strides = array<i32>} : memref<2x256x128xf32, #tpu.memory_space<vmem>>, vector<1x1x16xf32>,
        %swap3A_1086 = vector.shape_cast %swap3A_1085 : vector<1x1x16xf32> to vector<16xf32>
        %swap3A_1087 = vector.shape_cast %broadcast_in_dim3A_1 : vector<16xf32> to vector<1x1x16xf32>
        tpu.vector_store %arg20[%swap3A_1082, %swap3A_1083, %swap3A_1084], %swap3A_1087 {strides = array<i32>} : memref<2x256x128xf32, #tpu.memory_space<vmem>>, vector<1x1x16xf32>,
        %swap3A_1088 = arith.index_cast %sub3A_932 : i32 to index
        %swap3A_1089 = arith.index_cast %while3A_1074 : i32 to index
        %swap3A_1090 = arith.constant 32 : index
        %swap3A_1091 = tpu.vector_load %arg20[%swap3A_1088, %swap3A_1089, %swap3A_1090] {strides = array<i32>} : memref<2x256x128xf32, #tpu.memory_space<vmem>>, vector<1x1x16xf32>,
        %swap3A_1092 = vector.shape_cast %swap3A_1091 : vector<1x1x16xf32> to vector<16xf32>
        %swap3A_1093 = vector.shape_cast %broadcast_in_dim3A_1 : vector<16xf32> to vector<1x1x16xf32>
        tpu.vector_store %arg20[%swap3A_1088, %swap3A_1089, %swap3A_1090], %swap3A_1093 {strides = array<i32>} : memref<2x256x128xf32, #tpu.memory_space<vmem>>, vector<1x1x16xf32>,
        %swap3A_1094 = arith.index_cast %sub3A_932 : i32 to index
        %swap3A_1095 = arith.index_cast %while3A_1074 : i32 to index
        %swap3A_1096 = arith.constant 48 : index
        %swap3A_1097 = tpu.vector_load %arg20[%swap3A_1094, %swap3A_1095, %swap3A_1096] {strides = array<i32>} : memref<2x256x128xf32, #tpu.memory_space<vmem>>, vector<1x1x16xf32>,
        %swap3A_1098 = vector.shape_cast %swap3A_1097 : vector<1x1x16xf32> to vector<16xf32>
        %swap3A_1099 = vector.shape_cast %broadcast_in_dim3A_1 : vector<16xf32> to vector<1x1x16xf32>
        tpu.vector_store %arg20[%swap3A_1094, %swap3A_1095, %swap3A_1096], %swap3A_1099 {strides = array<i32>} : memref<2x256x128xf32, #tpu.memory_space<vmem>>, vector<1x1x16xf32>,
        %swap3A_1100 = arith.index_cast %sub3A_932 : i32 to index
        %swap3A_1101 = arith.index_cast %while3A_1074 : i32 to index
        %swap3A_1102 = arith.constant 64 : index
        %swap3A_1103 = tpu.vector_load %arg20[%swap3A_1100, %swap3A_1101, %swap3A_1102] {strides = array<i32>} : memref<2x256x128xf32, #tpu.memory_space<vmem>>, vector<1x1x16xf32>,
        %swap3A_1104 = vector.shape_cast %swap3A_1103 : vector<1x1x16xf32> to vector<16xf32>
        %swap3A_1105 = vector.shape_cast %broadcast_in_dim3A_1 : vector<16xf32> to vector<1x1x16xf32>
        tpu.vector_store %arg20[%swap3A_1100, %swap3A_1101, %swap3A_1102], %swap3A_1105 {strides = array<i32>} : memref<2x256x128xf32, #tpu.memory_space<vmem>>, vector<1x1x16xf32>,
        %swap3A_1106 = arith.index_cast %sub3A_932 : i32 to index
        %swap3A_1107 = arith.index_cast %while3A_1074 : i32 to index
        %swap3A_1108 = arith.constant 80 : index
        %swap3A_1109 = tpu.vector_load %arg20[%swap3A_1106, %swap3A_1107, %swap3A_1108] {strides = array<i32>} : memref<2x256x128xf32, #tpu.memory_space<vmem>>, vector<1x1x16xf32>,
        %swap3A_1110 = vector.shape_cast %swap3A_1109 : vector<1x1x16xf32> to vector<16xf32>
        %swap3A_1111 = vector.shape_cast %broadcast_in_dim3A_1 : vector<16xf32> to vector<1x1x16xf32>
        tpu.vector_store %arg20[%swap3A_1106, %swap3A_1107, %swap3A_1108], %swap3A_1111 {strides = array<i32>} : memref<2x256x128xf32, #tpu.memory_space<vmem>>, vector<1x1x16xf32>,
        %swap3A_1112 = arith.index_cast %sub3A_932 : i32 to index
        %swap3A_1113 = arith.index_cast %while3A_1074 : i32 to index
        %swap3A_1114 = arith.constant 96 : index
        %swap3A_1115 = tpu.vector_load %arg20[%swap3A_1112, %swap3A_1113, %swap3A_1114] {strides = array<i32>} : memref<2x256x128xf32, #tpu.memory_space<vmem>>, vector<1x1x16xf32>,
        %swap3A_1116 = vector.shape_cast %swap3A_1115 : vector<1x1x16xf32> to vector<16xf32>
        %swap3A_1117 = vector.shape_cast %broadcast_in_dim3A_1 : vector<16xf32> to vector<1x1x16xf32>
        tpu.vector_store %arg20[%swap3A_1112, %swap3A_1113, %swap3A_1114], %swap3A_1117 {strides = array<i32>} : memref<2x256x128xf32, #tpu.memory_space<vmem>>, vector<1x1x16xf32>,
        %swap3A_1118 = arith.index_cast %sub3A_932 : i32 to index
        %swap3A_1119 = arith.index_cast %while3A_1074 : i32 to index
        %swap3A_1120 = arith.constant 112 : index
        %swap3A_1121 = tpu.vector_load %arg20[%swap3A_1118, %swap3A_1119, %swap3A_1120] {strides = array<i32>} : memref<2x256x128xf32, #tpu.memory_space<vmem>>, vector<1x1x16xf32>,
        %swap3A_1122 = vector.shape_cast %swap3A_1121 : vector<1x1x16xf32> to vector<16xf32>
        %swap3A_1123 = vector.shape_cast %broadcast_in_dim3A_1 : vector<16xf32> to vector<1x1x16xf32>
        tpu.vector_store %arg20[%swap3A_1118, %swap3A_1119, %swap3A_1120], %swap3A_1123 {strides = array<i32>} : memref<2x256x128xf32, #tpu.memory_space<vmem>>, vector<1x1x16xf32>,
        %while3A_1124 = arith.constant 0 : i32
        scf.yield %while3A_1124 : i32
      }
      %gt3A = arith.constant 0 : i32
      %gt3A_1033 = arith.cmpi sgt, %while3A_904, %gt3A : i32
      %convert_element_type3A_1034 = arith.extui %gt3A_1033 : i1 to i32
      %cond3A_1035 = arith.constant 0 : i32
      %cond3A_1036 = arith.cmpi ne, %convert_element_type3A_1034, %cond3A_1035 : i32
      scf.if %cond3A_1036 {
        %scan3A_1074 = arith.constant 0 : i32
        %scan3A_1075 = arith.constant 0 : i32
        %scan3A_1076 = arith.constant 16 : i32
        %scan3A_1077 = arith.addi %scan3A_1075, %scan3A_1076 : i32
        %scan3A_1078 = arith.constant 1 : i32
        %scan3A_1079 = scf.for %scan3A_1096 = %scan3A_1075 to %scan3A_1077 step %scan3A_1078 iter_args(%scan3A_1097 = %scan3A_1074) -> (i32)  : i32 {
          %dma_wait3A_1098 = arith.constant 0 : i32
          %dma_wait3A_1099 = arith.constant 0 : i32
          %dma_wait3A_1100 = arith.constant 0 : i32
          %dma_wait3A_1101 = arith.constant 0 : i32
          %dma_wait3A_1102 = arith.constant 0 : i32
          %dma_wait3A_1103 = tpu.memref_slice %arg20[%dma_wait3A_1098, %dma_wait3A_1101, %dma_wait3A_1102] : memref<2x256x128xf32, #tpu.memory_space<vmem>> -> memref<1x16x128xf32, #tpu.memory_space<vmem>>
          %dma_wait3A_1104 = tpu.memref_squeeze %dma_wait3A_1103 : memref<1x16x128xf32, #tpu.memory_space<vmem>> -> memref<16x128xf32, #tpu.memory_space<vmem>>
          %dma_wait3A_1105 = arith.constant 0 : i32
          %dma_wait3A_1106 = arith.constant 0 : i32
          %dma_wait3A_1107 = tpu.memref_slice %arg8[%dma_wait3A_1099, %dma_wait3A_1100, %dma_wait3A_1105, %dma_wait3A_1106] : memref<16x5x256x128xf32, #tpu.memory_space<hbm>> -> memref<1x1x16x128xf32, #tpu.memory_space<hbm>>
          %dma_wait3A_1108 = tpu.memref_squeeze %dma_wait3A_1107 : memref<1x1x16x128xf32, #tpu.memory_space<hbm>> -> memref<16x128xf32, #tpu.memory_space<hbm>>
          %dma_wait3A_1109 = arith.constant 0 : i32
          %dma_wait3A_1110 = arith.constant 0 : i32
          %dma_wait3A_1111 = tpu.memref_slice %arg8[%dma_wait3A_1099, %dma_wait3A_1100, %dma_wait3A_1109, %dma_wait3A_1110] : memref<16x5x256x128xf32, #tpu.memory_space<hbm>> -> memref<1x1x16x128xf32, #tpu.memory_space<hbm>>
          %dma_wait3A_1112 = tpu.memref_squeeze %dma_wait3A_1111 : memref<1x1x16x128xf32, #tpu.memory_space<hbm>> -> memref<16x128xf32, #tpu.memory_space<hbm>>
          %dma_wait3A_1113 = arith.constant 0 : i32
          %dma_wait3A_1114 = arith.constant 0 : i32
          %dma_wait3A_1115 = tpu.memref_slice %arg20[%dma_wait3A_1098, %dma_wait3A_1113, %dma_wait3A_1114] : memref<2x256x128xf32, #tpu.memory_space<vmem>> -> memref<1x16x128xf32, #tpu.memory_space<vmem>>
          %dma_wait3A_1116 = tpu.memref_squeeze %dma_wait3A_1115 : memref<1x16x128xf32, #tpu.memory_space<vmem>> -> memref<16x128xf32, #tpu.memory_space<vmem>>
          tpu.wait_dma2 semaphore(%arg27 : memref<!tpu.dma_semaphore, #tpu.memory_space<semaphore_mem>>) src(%dma_wait3A_1116 : memref<16x128xf32, #tpu.memory_space<vmem>>) dst(%dma_wait3A_1112 : memref<16x128xf32, #tpu.memory_space<hbm>>)
          %scan3A_1117 = arith.constant 0 : i32
          scf.yield %scan3A_1117 : i32
        }
        %scan3A_1080 = arith.constant 16 : i32
        %dma_wait3A_1081 = arith.constant 0 : i32
        %dma_wait3A_1082 = arith.constant 0 : i32
        %dma_wait3A_1083 = arith.constant 0 : i32
        %dma_wait3A_1084 = arith.constant 0 : i32
        %dma_wait3A_1085 = tpu.memref_slice %arg22[%dma_wait3A_1081, %dma_wait3A_1084] : memref<2x256xf32, #tpu.memory_space<vmem>> -> memref<1x256xf32, #tpu.memory_space<vmem>>
        %dma_wait3A_1086 = tpu.memref_squeeze %dma_wait3A_1085 : memref<1x256xf32, #tpu.memory_space<vmem>> -> memref<256xf32, #tpu.memory_space<vmem>>
        %dma_wait3A_1087 = arith.constant 0 : i32
        %dma_wait3A_1088 = tpu.memref_slice %arg9[%dma_wait3A_1082, %dma_wait3A_1083, %dma_wait3A_1087] : memref<5x16x256xf32, #tpu.memory_space<hbm>> -> memref<1x1x256xf32, #tpu.memory_space<hbm>>
        %dma_wait3A_1089 = tpu.memref_squeeze %dma_wait3A_1088 : memref<1x1x256xf32, #tpu.memory_space<hbm>> -> memref<256xf32, #tpu.memory_space<hbm>>
        %dma_wait3A_1090 = arith.constant 0 : i32
        %dma_wait3A_1091 = tpu.memref_slice %arg9[%dma_wait3A_1082, %dma_wait3A_1083, %dma_wait3A_1090] : memref<5x16x256xf32, #tpu.memory_space<hbm>> -> memref<1x1x256xf32, #tpu.memory_space<hbm>>
        %dma_wait3A_1092 = tpu.memref_squeeze %dma_wait3A_1091 : memref<1x1x256xf32, #tpu.memory_space<hbm>> -> memref<256xf32, #tpu.memory_space<hbm>>
        %dma_wait3A_1093 = arith.constant 0 : i32
        %dma_wait3A_1094 = tpu.memref_slice %arg22[%dma_wait3A_1081, %dma_wait3A_1093] : memref<2x256xf32, #tpu.memory_space<vmem>> -> memref<1x256xf32, #tpu.memory_space<vmem>>
        %dma_wait3A_1095 = tpu.memref_squeeze %dma_wait3A_1094 : memref<1x256xf32, #tpu.memory_space<vmem>> -> memref<256xf32, #tpu.memory_space<vmem>>
        tpu.wait_dma2 semaphore(%arg27 : memref<!tpu.dma_semaphore, #tpu.memory_space<semaphore_mem>>) src(%dma_wait3A_1095 : memref<256xf32, #tpu.memory_space<vmem>>) dst(%dma_wait3A_1092 : memref<256xf32, #tpu.memory_space<hbm>>)
      } else {
      }
      %while3A_1037 = arith.constant 0 : i32
      %while3A_1038 = arith.constant 0 : i32
      %while3A_1039 = arith.subi %squeeze3A_977, %while3A_1037 : i32
      %while3A_1040 = arith.addi %while3A_1037, %while3A_1039 : i32
      %while3A_1041 = arith.constant 1 : i32
      %while3A_1042 = arith.divsi %while3A_1039, %while3A_1041 : i32
      %while3A_1043 = arith.muli %while3A_1042, %while3A_1041 : i32
      %while3A_1044 = arith.addi %while3A_1037, %while3A_1043 : i32
      %while3A_1045 = arith.constant 1 : i32
      %while3A_1046 = scf.for %while3A_1074 = %while3A_1037 to %while3A_1044 step %while3A_1045 iter_args(%while3A_1075 = %while3A_1038) -> (i32)  : i32 {
        %mul3A_1076 = arith.constant 16 : i32
        %mul3A_1077 = arith.muli %while3A_1074, %mul3A_1076 : i32
        %mul3A_1078 = arith.constant 16 : i32
        %mul3A_1079 = arith.muli %while3A_1074, %mul3A_1078 : i32
        %dma_start3A_1080 = arith.constant 0 : i32
        %dma_start3A_1081 = tpu.memref_slice %arg20[%sub3A_932, %mul3A_1077, %dma_start3A_1080] : memref<2x256x128xf32, #tpu.memory_space<vmem>> -> memref<1x16x128xf32, #tpu.memory_space<vmem>>
        %dma_start3A_1082 = tpu.memref_squeeze %dma_start3A_1081 : memref<1x16x128xf32, #tpu.memory_space<vmem>> -> memref<16x128xf32, #tpu.memory_space<vmem>>
        %dma_start3A_1083 = arith.constant 0 : i32
        %dma_start3A_1084 = tpu.memref_slice %arg8[%select_n3A_959, %sub3A_962, %mul3A_1079, %dma_start3A_1083] : memref<16x5x256x128xf32, #tpu.memory_space<hbm>> -> memref<1x1x16x128xf32, #tpu.memory_space<hbm>>
        %dma_start3A_1085 = tpu.memref_squeeze %dma_start3A_1084 : memref<1x1x16x128xf32, #tpu.memory_space<hbm>> -> memref<16x128xf32, #tpu.memory_space<hbm>>
        %dma_start3A_1086 = arith.constant 0 : i32
        %dma_start3A_1087 = tpu.memref_slice %arg8[%select_n3A_959, %sub3A_962, %mul3A_1079, %dma_start3A_1086] : memref<16x5x256x128xf32, #tpu.memory_space<hbm>> -> memref<1x1x16x128xf32, #tpu.memory_space<hbm>>
        %dma_start3A_1088 = tpu.memref_squeeze %dma_start3A_1087 : memref<1x1x16x128xf32, #tpu.memory_space<hbm>> -> memref<16x128xf32, #tpu.memory_space<hbm>>
        %dma_start3A_1089 = arith.constant 0 : i32
        %dma_start3A_1090 = tpu.memref_slice %arg20[%sub3A_932, %mul3A_1077, %dma_start3A_1089] : memref<2x256x128xf32, #tpu.memory_space<vmem>> -> memref<1x16x128xf32, #tpu.memory_space<vmem>>
        %dma_start3A_1091 = tpu.memref_squeeze %dma_start3A_1090 : memref<1x16x128xf32, #tpu.memory_space<vmem>> -> memref<16x128xf32, #tpu.memory_space<vmem>>
        tpu.enqueue_dma source(%dma_start3A_1091 : memref<16x128xf32, #tpu.memory_space<vmem>>) target(%dma_start3A_1088 : memref<16x128xf32, #tpu.memory_space<hbm>>) target_semaphore(%arg27 : memref<!tpu.dma_semaphore, #tpu.memory_space<semaphore_mem>>)
        %while3A_1092 = arith.constant 0 : i32
        scf.yield %while3A_1092 : i32
      }
      %while3A_1047 = arith.constant 1 : i32
      %while3A_1048 = scf.for %while3A_1074 = %while3A_1044 to %while3A_1040 step %while3A_1047 iter_args(%while3A_1075 = %while3A_1046) -> (i32)  : i32 {
        %mul3A_1076 = arith.constant 16 : i32
        %mul3A_1077 = arith.muli %while3A_1074, %mul3A_1076 : i32
        %mul3A_1078 = arith.constant 16 : i32
        %mul3A_1079 = arith.muli %while3A_1074, %mul3A_1078 : i32
        %dma_start3A_1080 = arith.constant 0 : i32
        %dma_start3A_1081 = tpu.memref_slice %arg20[%sub3A_932, %mul3A_1077, %dma_start3A_1080] : memref<2x256x128xf32, #tpu.memory_space<vmem>> -> memref<1x16x128xf32, #tpu.memory_space<vmem>>
        %dma_start3A_1082 = tpu.memref_squeeze %dma_start3A_1081 : memref<1x16x128xf32, #tpu.memory_space<vmem>> -> memref<16x128xf32, #tpu.memory_space<vmem>>
        %dma_start3A_1083 = arith.constant 0 : i32
        %dma_start3A_1084 = tpu.memref_slice %arg8[%select_n3A_959, %sub3A_962, %mul3A_1079, %dma_start3A_1083] : memref<16x5x256x128xf32, #tpu.memory_space<hbm>> -> memref<1x1x16x128xf32, #tpu.memory_space<hbm>>
        %dma_start3A_1085 = tpu.memref_squeeze %dma_start3A_1084 : memref<1x1x16x128xf32, #tpu.memory_space<hbm>> -> memref<16x128xf32, #tpu.memory_space<hbm>>
        %dma_start3A_1086 = arith.constant 0 : i32
        %dma_start3A_1087 = tpu.memref_slice %arg8[%select_n3A_959, %sub3A_962, %mul3A_1079, %dma_start3A_1086] : memref<16x5x256x128xf32, #tpu.memory_space<hbm>> -> memref<1x1x16x128xf32, #tpu.memory_space<hbm>>
        %dma_start3A_1088 = tpu.memref_squeeze %dma_start3A_1087 : memref<1x1x16x128xf32, #tpu.memory_space<hbm>> -> memref<16x128xf32, #tpu.memory_space<hbm>>
        %dma_start3A_1089 = arith.constant 0 : i32
        %dma_start3A_1090 = tpu.memref_slice %arg20[%sub3A_932, %mul3A_1077, %dma_start3A_1089] : memref<2x256x128xf32, #tpu.memory_space<vmem>> -> memref<1x16x128xf32, #tpu.memory_space<vmem>>
        %dma_start3A_1091 = tpu.memref_squeeze %dma_start3A_1090 : memref<1x16x128xf32, #tpu.memory_space<vmem>> -> memref<16x128xf32, #tpu.memory_space<vmem>>
        tpu.enqueue_dma source(%dma_start3A_1091 : memref<16x128xf32, #tpu.memory_space<vmem>>) target(%dma_start3A_1088 : memref<16x128xf32, #tpu.memory_space<hbm>>) target_semaphore(%arg27 : memref<!tpu.dma_semaphore, #tpu.memory_space<semaphore_mem>>)
        %while3A_1092 = arith.constant 0 : i32
        scf.yield %while3A_1092 : i32
      }
      %while3A_1049 = arith.constant 16 : i32
      %while3A_1050 = arith.constant 0 : i32
      %while3A_1051 = arith.subi %while3A_1049, %squeeze3A_977 : i32
      %while3A_1052 = arith.addi %squeeze3A_977, %while3A_1051 : i32
      %while3A_1053 = arith.constant 1 : i32
      %while3A_1054 = arith.divsi %while3A_1051, %while3A_1053 : i32
      %while3A_1055 = arith.muli %while3A_1054, %while3A_1053 : i32
      %while3A_1056 = arith.addi %squeeze3A_977, %while3A_1055 : i32
      %while3A_1057 = arith.constant 1 : i32
      %while3A_1058 = scf.for %while3A_1074 = %squeeze3A_977 to %while3A_1056 step %while3A_1057 iter_args(%while3A_1075 = %while3A_1050) -> (i32)  : i32 {
        %mul3A_1076 = arith.constant 16 : i32
        %mul3A_1077 = arith.muli %while3A_1074, %mul3A_1076 : i32
        %dma_start3A_1078 = arith.constant 0 : i32
        %dma_start3A_1079 = tpu.memref_slice %arg8[%select_n3A_959, %sub3A_962, %mul3A_1077, %dma_start3A_1078] : memref<16x5x256x128xf32, #tpu.memory_space<hbm>> -> memref<1x1x16x128xf32, #tpu.memory_space<hbm>>
        %dma_start3A_1080 = tpu.memref_squeeze %dma_start3A_1079 : memref<1x1x16x128xf32, #tpu.memory_space<hbm>> -> memref<16x128xf32, #tpu.memory_space<hbm>>
        %dma_start3A_1081 = arith.constant 0 : i32
        %dma_start3A_1082 = tpu.memref_slice %arg8[%select_n3A_959, %sub3A_962, %mul3A_1077, %dma_start3A_1081] : memref<16x5x256x128xf32, #tpu.memory_space<hbm>> -> memref<1x1x16x128xf32, #tpu.memory_space<hbm>>
        %dma_start3A_1083 = tpu.memref_squeeze %dma_start3A_1082 : memref<1x1x16x128xf32, #tpu.memory_space<hbm>> -> memref<16x128xf32, #tpu.memory_space<hbm>>
        tpu.enqueue_dma source(%arg21 : memref<16x128xf32, #tpu.memory_space<vmem>>) target(%dma_start3A_1083 : memref<16x128xf32, #tpu.memory_space<hbm>>) target_semaphore(%arg27 : memref<!tpu.dma_semaphore, #tpu.memory_space<semaphore_mem>>)
        %while3A_1084 = arith.constant 0 : i32
        scf.yield %while3A_1084 : i32
      }
      %while3A_1059 = arith.constant 1 : i32
      %while3A_1060 = scf.for %while3A_1074 = %while3A_1056 to %while3A_1052 step %while3A_1059 iter_args(%while3A_1075 = %while3A_1058) -> (i32)  : i32 {
        %mul3A_1076 = arith.constant 16 : i32
        %mul3A_1077 = arith.muli %while3A_1074, %mul3A_1076 : i32
        %dma_start3A_1078 = arith.constant 0 : i32
        %dma_start3A_1079 = tpu.memref_slice %arg8[%select_n3A_959, %sub3A_962, %mul3A_1077, %dma_start3A_1078] : memref<16x5x256x128xf32, #tpu.memory_space<hbm>> -> memref<1x1x16x128xf32, #tpu.memory_space<hbm>>
        %dma_start3A_1080 = tpu.memref_squeeze %dma_start3A_1079 : memref<1x1x16x128xf32, #tpu.memory_space<hbm>> -> memref<16x128xf32, #tpu.memory_space<hbm>>
        %dma_start3A_1081 = arith.constant 0 : i32
        %dma_start3A_1082 = tpu.memref_slice %arg8[%select_n3A_959, %sub3A_962, %mul3A_1077, %dma_start3A_1081] : memref<16x5x256x128xf32, #tpu.memory_space<hbm>> -> memref<1x1x16x128xf32, #tpu.memory_space<hbm>>
        %dma_start3A_1083 = tpu.memref_squeeze %dma_start3A_1082 : memref<1x1x16x128xf32, #tpu.memory_space<hbm>> -> memref<16x128xf32, #tpu.memory_space<hbm>>
        tpu.enqueue_dma source(%arg21 : memref<16x128xf32, #tpu.memory_space<vmem>>) target(%dma_start3A_1083 : memref<16x128xf32, #tpu.memory_space<hbm>>) target_semaphore(%arg27 : memref<!tpu.dma_semaphore, #tpu.memory_space<semaphore_mem>>)
        %while3A_1084 = arith.constant 0 : i32
        scf.yield %while3A_1084 : i32
      }
      %dma_start3A_1061 = arith.constant 0 : i32
      %dma_start3A_1062 = tpu.memref_slice %arg22[%sub3A_932, %dma_start3A_1061] : memref<2x256xf32, #tpu.memory_space<vmem>> -> memref<1x256xf32, #tpu.memory_space<vmem>>
      %dma_start3A_1063 = tpu.memref_squeeze %dma_start3A_1062 : memref<1x256xf32, #tpu.memory_space<vmem>> -> memref<256xf32, #tpu.memory_space<vmem>>
      %dma_start3A_1064 = arith.constant 0 : i32
      %dma_start3A_1065 = tpu.memref_slice %arg9[%sub3A_962, %select_n3A_959, %dma_start3A_1064] : memref<5x16x256xf32, #tpu.memory_space<hbm>> -> memref<1x1x256xf32, #tpu.memory_space<hbm>>
      %dma_start3A_1066 = tpu.memref_squeeze %dma_start3A_1065 : memref<1x1x256xf32, #tpu.memory_space<hbm>> -> memref<256xf32, #tpu.memory_space<hbm>>
      %dma_start3A_1067 = arith.constant 0 : i32
      %dma_start3A_1068 = tpu.memref_slice %arg9[%sub3A_962, %select_n3A_959, %dma_start3A_1067] : memref<5x16x256xf32, #tpu.memory_space<hbm>> -> memref<1x1x256xf32, #tpu.memory_space<hbm>>
      %dma_start3A_1069 = tpu.memref_squeeze %dma_start3A_1068 : memref<1x1x256xf32, #tpu.memory_space<hbm>> -> memref<256xf32, #tpu.memory_space<hbm>>
      %dma_start3A_1070 = arith.constant 0 : i32
      %dma_start3A_1071 = tpu.memref_slice %arg22[%sub3A_932, %dma_start3A_1070] : memref<2x256xf32, #tpu.memory_space<vmem>> -> memref<1x256xf32, #tpu.memory_space<vmem>>
      %dma_start3A_1072 = tpu.memref_squeeze %dma_start3A_1071 : memref<1x256xf32, #tpu.memory_space<vmem>> -> memref<256xf32, #tpu.memory_space<vmem>>
      tpu.enqueue_dma source(%dma_start3A_1072 : memref<256xf32, #tpu.memory_space<vmem>>) target(%dma_start3A_1069 : memref<256xf32, #tpu.memory_space<hbm>>) target_semaphore(%arg27 : memref<!tpu.dma_semaphore, #tpu.memory_space<semaphore_mem>>)
      %while3A_1073 = arith.constant 0 : i32
      scf.yield %while3A_1073 : i32
    }
    %while3A_864 = arith.constant 1 : i32
    %while3A_865 = scf.for %while3A_904 = %while3A_861 to %while3A_857 step %while3A_864 iter_args(%while3A_905 = %while3A_863) -> (i32)  : i32 {
      %jit3A_906 = arith.constant 2 : i32
      %div3A_907 = arith.divsi %while3A_904, %jit3A_906 : i32
      %sign3A_908 = arith.constant 0 : i32
      %sign3A_909 = arith.cmpi sgt, %while3A_904, %sign3A_908 : i32
      %sign3A_910 = arith.extui %sign3A_909 : i1 to i32
      %sign3A_911 = arith.constant 0 : i32
      %sign3A_912 = arith.cmpi slt, %while3A_904, %sign3A_911 : i32
      %sign3A_913 = arith.extui %sign3A_912 : i1 to i32
      %sign3A_914 = arith.subi %sign3A_910, %sign3A_913 : i32
      %sign3A_915 = arith.constant 0 : i32
      %sign3A_916 = arith.cmpi sgt, %jit3A_906, %sign3A_915 : i32
      %sign3A_917 = arith.extui %sign3A_916 : i1 to i32
      %sign3A_918 = arith.constant 0 : i32
      %sign3A_919 = arith.cmpi slt, %jit3A_906, %sign3A_918 : i32
      %sign3A_920 = arith.extui %sign3A_919 : i1 to i32
      %sign3A_921 = arith.subi %sign3A_917, %sign3A_920 : i32
      %ne3A_922 = arith.cmpi ne, %sign3A_914, %sign3A_921 : i32
      %rem3A_923 = arith.remsi %while3A_904, %jit3A_906 : i32
      %ne3A_924 = arith.constant 0 : i32
      %ne3A_925 = arith.cmpi ne, %rem3A_923, %ne3A_924 : i32
      %and3A_926 = arith.andi %ne3A_922, %ne3A_925 : i1
      %sub3A_927 = arith.constant 1 : i32
      %sub3A_928 = arith.subi %div3A_907, %sub3A_927 : i32
      %select_n3A_929 = arith.select %and3A_926, %sub3A_928, %div3A_907 : i32
      %mul3A_930 = arith.constant 2 : i32
      %mul3A_931 = arith.muli %select_n3A_929, %mul3A_930 : i32
      %sub3A_932 = arith.subi %while3A_904, %mul3A_931 : i32
      %mul3A_933 = arith.constant 32 : i32
      %mul3A_934 = arith.muli %while3A_904, %mul3A_933 : i32
      %add3A_935 = arith.addi %add3A, %mul3A_934 : i32
      %jit3A_936 = arith.constant 5 : i32
      %div3A_937 = arith.divsi %add3A_935, %jit3A_936 : i32
      %sign3A_938 = arith.constant 0 : i32
      %sign3A_939 = arith.cmpi sgt, %add3A_935, %sign3A_938 : i32
      %sign3A_940 = arith.extui %sign3A_939 : i1 to i32
      %sign3A_941 = arith.constant 0 : i32
      %sign3A_942 = arith.cmpi slt, %add3A_935, %sign3A_941 : i32
      %sign3A_943 = arith.extui %sign3A_942 : i1 to i32
      %sign3A_944 = arith.subi %sign3A_940, %sign3A_943 : i32
      %sign3A_945 = arith.constant 0 : i32
      %sign3A_946 = arith.cmpi sgt, %jit3A_936, %sign3A_945 : i32
      %sign3A_947 = arith.extui %sign3A_946 : i1 to i32
      %sign3A_948 = arith.constant 0 : i32
      %sign3A_949 = arith.cmpi slt, %jit3A_936, %sign3A_948 : i32
      %sign3A_950 = arith.extui %sign3A_949 : i1 to i32
      %sign3A_951 = arith.subi %sign3A_947, %sign3A_950 : i32
      %ne3A_952 = arith.cmpi ne, %sign3A_944, %sign3A_951 : i32
      %rem3A_953 = arith.remsi %add3A_935, %jit3A_936 : i32
      %ne3A_954 = arith.constant 0 : i32
      %ne3A_955 = arith.cmpi ne, %rem3A_953, %ne3A_954 : i32
      %and3A_956 = arith.andi %ne3A_952, %ne3A_955 : i1
      %sub3A_957 = arith.constant 1 : i32
      %sub3A_958 = arith.subi %div3A_937, %sub3A_957 : i32
      %select_n3A_959 = arith.select %and3A_956, %sub3A_958, %div3A_937 : i32
      %mul3A_960 = arith.constant 5 : i32
      %mul3A_961 = arith.muli %select_n3A_959, %mul3A_960 : i32
      %sub3A_962 = arith.subi %add3A_935, %mul3A_961 : i32
      %get3A_963 = arith.index_cast %while3A_904 : i32 to index
      %get3A_964 = tpu.vector_load %arg17[%get3A_963] {strides = array<i32>} : memref<32xi32, #tpu.memory_space<vmem>>, vector<16xi32>,
      %get3A_965 = vector.shape_cast %get3A_964 : vector<16xi32> to vector<16xi32>
      %slice3A_966 = vector.extract_strided_slice %get3A_965 {offsets = [0], sizes = [1], strides = [1]} : vector<16xi32> to vector<1xi32>
      %squeeze3A_967 = vector.extract %slice3A_966[0] : i32 from vector<1xi32>
      %get3A_968 = arith.index_cast %while3A_904 : i32 to index
      %get3A_969 = tpu.vector_load %arg18[%get3A_968] {strides = array<i32>} : memref<32xi32, #tpu.memory_space<vmem>>, vector<16xi32>,
      %get3A_970 = vector.shape_cast %get3A_969 : vector<16xi32> to vector<16xi32>
      %slice3A_971 = vector.extract_strided_slice %get3A_970 {offsets = [0], sizes = [1], strides = [1]} : vector<16xi32> to vector<1xi32>
      %squeeze3A_972 = vector.extract %slice3A_971[0] : i32 from vector<1xi32>
      %get3A_973 = arith.index_cast %while3A_904 : i32 to index
      %get3A_974 = tpu.vector_load %arg19[%get3A_973] {strides = array<i32>} : memref<32xi32, #tpu.memory_space<vmem>>, vector<16xi32>,
      %get3A_975 = vector.shape_cast %get3A_974 : vector<16xi32> to vector<16xi32>
      %slice3A_976 = vector.extract_strided_slice %get3A_975 {offsets = [0], sizes = [1], strides = [1]} : vector<16xi32> to vector<1xi32>
      %squeeze3A_977 = vector.extract %slice3A_976[0] : i32 from vector<1xi32>
      %while3A_978 = arith.constant 0 : i32
      %while3A_979 = arith.constant 0 : i32
      %while3A_980 = arith.subi %squeeze3A_977, %while3A_978 : i32
      %while3A_981 = arith.addi %while3A_978, %while3A_980 : i32
      %while3A_982 = arith.constant 1 : i32
      %while3A_983 = arith.divsi %while3A_980, %while3A_982 : i32
      %while3A_984 = arith.muli %while3A_983, %while3A_982 : i32
      %while3A_985 = arith.addi %while3A_978, %while3A_984 : i32
      %while3A_986 = arith.constant 1 : i32
      %while3A_987 = scf.for %while3A_1074 = %while3A_978 to %while3A_985 step %while3A_986 iter_args(%while3A_1075 = %while3A_979) -> (i32)  : i32 {
        %mul3A_1076 = arith.constant 16 : i32
        %mul3A_1077 = arith.muli %while3A_1074, %mul3A_1076 : i32
        %mul3A_1078 = arith.constant 16 : i32
        %mul3A_1079 = arith.muli %while3A_1074, %mul3A_1078 : i32
        %dma_start3A_1080 = arith.constant 0 : i32
        %dma_start3A_1081 = tpu.memref_slice %arg20[%sub3A_932, %mul3A_1079, %dma_start3A_1080] : memref<2x256x128xf32, #tpu.memory_space<vmem>> -> memref<1x16x128xf32, #tpu.memory_space<vmem>>
        %dma_start3A_1082 = tpu.memref_squeeze %dma_start3A_1081 : memref<1x16x128xf32, #tpu.memory_space<vmem>> -> memref<16x128xf32, #tpu.memory_space<vmem>>
        %dma_start3A_1083 = arith.constant 0 : i32
        %dma_start3A_1084 = tpu.memref_slice %arg2[%squeeze3A_967, %mul3A_1077, %dma_start3A_1083] : memref<1000x256x128xf32, #tpu.memory_space<hbm>> -> memref<1x16x128xf32, #tpu.memory_space<hbm>>
        %dma_start3A_1085 = tpu.memref_squeeze %dma_start3A_1084 : memref<1x16x128xf32, #tpu.memory_space<hbm>> -> memref<16x128xf32, #tpu.memory_space<hbm>>
        %dma_start3A_1086 = arith.constant 0 : i32
        %dma_start3A_1087 = tpu.memref_slice %arg20[%sub3A_932, %mul3A_1079, %dma_start3A_1086] : memref<2x256x128xf32, #tpu.memory_space<vmem>> -> memref<1x16x128xf32, #tpu.memory_space<vmem>>
        %dma_start3A_1088 = tpu.memref_squeeze %dma_start3A_1087 : memref<1x16x128xf32, #tpu.memory_space<vmem>> -> memref<16x128xf32, #tpu.memory_space<vmem>>
        %dma_start3A_1089 = arith.constant 0 : i32
        %dma_start3A_1090 = tpu.memref_slice %arg2[%squeeze3A_967, %mul3A_1077, %dma_start3A_1089] : memref<1000x256x128xf32, #tpu.memory_space<hbm>> -> memref<1x16x128xf32, #tpu.memory_space<hbm>>
        %dma_start3A_1091 = tpu.memref_squeeze %dma_start3A_1090 : memref<1x16x128xf32, #tpu.memory_space<hbm>> -> memref<16x128xf32, #tpu.memory_space<hbm>>
        tpu.enqueue_dma source(%dma_start3A_1091 : memref<16x128xf32, #tpu.memory_space<hbm>>) target(%dma_start3A_1088 : memref<16x128xf32, #tpu.memory_space<vmem>>) target_semaphore(%arg26 : memref<!tpu.dma_semaphore, #tpu.memory_space<semaphore_mem>>)
        %while3A_1092 = arith.constant 0 : i32
        scf.yield %while3A_1092 : i32
      }
      %while3A_988 = arith.constant 1 : i32
      %while3A_989 = scf.for %while3A_1074 = %while3A_985 to %while3A_981 step %while3A_988 iter_args(%while3A_1075 = %while3A_987) -> (i32)  : i32 {
        %mul3A_1076 = arith.constant 16 : i32
        %mul3A_1077 = arith.muli %while3A_1074, %mul3A_1076 : i32
        %mul3A_1078 = arith.constant 16 : i32
        %mul3A_1079 = arith.muli %while3A_1074, %mul3A_1078 : i32
        %dma_start3A_1080 = arith.constant 0 : i32
        %dma_start3A_1081 = tpu.memref_slice %arg20[%sub3A_932, %mul3A_1079, %dma_start3A_1080] : memref<2x256x128xf32, #tpu.memory_space<vmem>> -> memref<1x16x128xf32, #tpu.memory_space<vmem>>
        %dma_start3A_1082 = tpu.memref_squeeze %dma_start3A_1081 : memref<1x16x128xf32, #tpu.memory_space<vmem>> -> memref<16x128xf32, #tpu.memory_space<vmem>>
        %dma_start3A_1083 = arith.constant 0 : i32
        %dma_start3A_1084 = tpu.memref_slice %arg2[%squeeze3A_967, %mul3A_1077, %dma_start3A_1083] : memref<1000x256x128xf32, #tpu.memory_space<hbm>> -> memref<1x16x128xf32, #tpu.memory_space<hbm>>
        %dma_start3A_1085 = tpu.memref_squeeze %dma_start3A_1084 : memref<1x16x128xf32, #tpu.memory_space<hbm>> -> memref<16x128xf32, #tpu.memory_space<hbm>>
        %dma_start3A_1086 = arith.constant 0 : i32
        %dma_start3A_1087 = tpu.memref_slice %arg20[%sub3A_932, %mul3A_1079, %dma_start3A_1086] : memref<2x256x128xf32, #tpu.memory_space<vmem>> -> memref<1x16x128xf32, #tpu.memory_space<vmem>>
        %dma_start3A_1088 = tpu.memref_squeeze %dma_start3A_1087 : memref<1x16x128xf32, #tpu.memory_space<vmem>> -> memref<16x128xf32, #tpu.memory_space<vmem>>
        %dma_start3A_1089 = arith.constant 0 : i32
        %dma_start3A_1090 = tpu.memref_slice %arg2[%squeeze3A_967, %mul3A_1077, %dma_start3A_1089] : memref<1000x256x128xf32, #tpu.memory_space<hbm>> -> memref<1x16x128xf32, #tpu.memory_space<hbm>>
        %dma_start3A_1091 = tpu.memref_squeeze %dma_start3A_1090 : memref<1x16x128xf32, #tpu.memory_space<hbm>> -> memref<16x128xf32, #tpu.memory_space<hbm>>
        tpu.enqueue_dma source(%dma_start3A_1091 : memref<16x128xf32, #tpu.memory_space<hbm>>) target(%dma_start3A_1088 : memref<16x128xf32, #tpu.memory_space<vmem>>) target_semaphore(%arg26 : memref<!tpu.dma_semaphore, #tpu.memory_space<semaphore_mem>>)
        %while3A_1092 = arith.constant 0 : i32
        scf.yield %while3A_1092 : i32
      }
      %convert_element_type3A_990 = arith.sitofp %squeeze3A_972 : i32 to f32
      %broadcast_in_dim3A_991 = vector.broadcast %convert_element_type3A_990 : f32 to vector<16xf32>
      %broadcast_in_dim3A_992 = arith.constant 1.000000e+00 : f32
      %broadcast_in_dim3A_993 = vector.broadcast %broadcast_in_dim3A_992 : f32 to vector<16xf32>
      %add3A_994 = arith.constant 9.99999993E-9 : f32
      %add3A_995 = vector.broadcast %add3A_994 : f32 to vector<16xf32>
      %add3A_996 = arith.addf %broadcast_in_dim3A_991, %add3A_995 : vector<16xf32>
      %div3A_997 = arith.divf %broadcast_in_dim3A_993, %add3A_996 : vector<16xf32>
      %broadcast_in_dim3A_998 = vector.broadcast %squeeze3A_972 : i32 to vector<16xi32>
      %scan3A_999 = arith.constant 0 : i32
      %scan3A_1000 = arith.constant 0 : i32
      %scan3A_1001 = arith.constant 16 : i32
      %scan3A_1002 = arith.addi %scan3A_1000, %scan3A_1001 : i32
      %scan3A_1003 = arith.constant 1 : i32
      %scan3A_1004 = scf.for %scan3A_1074 = %scan3A_1000 to %scan3A_1002 step %scan3A_1003 iter_args(%scan3A_1075 = %scan3A_999) -> (i32)  : i32 {
        %mul3A_1076 = arith.constant 16 : i32
        %mul3A_1077 = arith.muli %scan3A_1074, %mul3A_1076 : i32
        %add3A_1078 = vector.broadcast %mul3A_1077 : i32 to vector<16xi32>
        %add3A_1079 = arith.addi %iota3A, %add3A_1078 : vector<16xi32>
        %lt3A_1080 = arith.cmpi slt, %add3A_1079, %broadcast_in_dim3A_998 : vector<16xi32>
        %select_n3A_1081 = arith.select %lt3A_1080, %div3A_997, %broadcast_in_dim3A_1 : vector<16xi1>, vector<16xf32>
        %mul3A_1082 = arith.constant 16 : i32
        %mul3A_1083 = arith.muli %scan3A_1074, %mul3A_1082 : i32
        %multiple_of3A_1084 = tpu.assume_multiple %mul3A_1083, 16 : i32
        %swap3A_1085 = arith.index_cast %sub3A_932 : i32 to index
        %swap3A_1086 = arith.index_cast %multiple_of3A_1084 : i32 to index
        %swap3A_1087 = tpu.vector_load %arg22[%swap3A_1085, %swap3A_1086] {strides = array<i32>} : memref<2x256xf32, #tpu.memory_space<vmem>>, vector<1x16xf32>,
        %swap3A_1088 = vector.shape_cast %swap3A_1087 : vector<1x16xf32> to vector<16xf32>
        %swap3A_1089 = vector.shape_cast %select_n3A_1081 : vector<16xf32> to vector<1x16xf32>
        tpu.vector_store %arg22[%swap3A_1085, %swap3A_1086], %swap3A_1089 {strides = array<i32>} : memref<2x256xf32, #tpu.memory_space<vmem>>, vector<1x16xf32>,
        %scan3A_1090 = arith.constant 0 : i32
        scf.yield %scan3A_1090 : i32
      }
      %scan3A_1005 = arith.constant 16 : i32
      %while3A_1006 = arith.constant 0 : i32
      %while3A_1007 = arith.constant 0 : i32
      %while3A_1008 = arith.subi %squeeze3A_977, %while3A_1006 : i32
      %while3A_1009 = arith.addi %while3A_1006, %while3A_1008 : i32
      %while3A_1010 = arith.constant 1 : i32
      %while3A_1011 = arith.divsi %while3A_1008, %while3A_1010 : i32
      %while3A_1012 = arith.muli %while3A_1011, %while3A_1010 : i32
      %while3A_1013 = arith.addi %while3A_1006, %while3A_1012 : i32
      %while3A_1014 = arith.constant 1 : i32
      %while3A_1015 = scf.for %while3A_1074 = %while3A_1006 to %while3A_1013 step %while3A_1014 iter_args(%while3A_1075 = %while3A_1007) -> (i32)  : i32 {
        %mul3A_1076 = arith.constant 16 : i32
        %mul3A_1077 = arith.muli %while3A_1074, %mul3A_1076 : i32
        %mul3A_1078 = arith.constant 16 : i32
        %mul3A_1079 = arith.muli %while3A_1074, %mul3A_1078 : i32
        %dma_wait3A_1080 = arith.constant 0 : i32
        %dma_wait3A_1081 = tpu.memref_slice %arg20[%sub3A_932, %mul3A_1079, %dma_wait3A_1080] : memref<2x256x128xf32, #tpu.memory_space<vmem>> -> memref<1x16x128xf32, #tpu.memory_space<vmem>>
        %dma_wait3A_1082 = tpu.memref_squeeze %dma_wait3A_1081 : memref<1x16x128xf32, #tpu.memory_space<vmem>> -> memref<16x128xf32, #tpu.memory_space<vmem>>
        %dma_wait3A_1083 = arith.constant 0 : i32
        %dma_wait3A_1084 = tpu.memref_slice %arg2[%squeeze3A_967, %mul3A_1077, %dma_wait3A_1083] : memref<1000x256x128xf32, #tpu.memory_space<hbm>> -> memref<1x16x128xf32, #tpu.memory_space<hbm>>
        %dma_wait3A_1085 = tpu.memref_squeeze %dma_wait3A_1084 : memref<1x16x128xf32, #tpu.memory_space<hbm>> -> memref<16x128xf32, #tpu.memory_space<hbm>>
        %dma_wait3A_1086 = arith.constant 0 : i32
        %dma_wait3A_1087 = tpu.memref_slice %arg20[%sub3A_932, %mul3A_1079, %dma_wait3A_1086] : memref<2x256x128xf32, #tpu.memory_space<vmem>> -> memref<1x16x128xf32, #tpu.memory_space<vmem>>
        %dma_wait3A_1088 = tpu.memref_squeeze %dma_wait3A_1087 : memref<1x16x128xf32, #tpu.memory_space<vmem>> -> memref<16x128xf32, #tpu.memory_space<vmem>>
        %dma_wait3A_1089 = arith.constant 0 : i32
        %dma_wait3A_1090 = tpu.memref_slice %arg2[%squeeze3A_967, %mul3A_1077, %dma_wait3A_1089] : memref<1000x256x128xf32, #tpu.memory_space<hbm>> -> memref<1x16x128xf32, #tpu.memory_space<hbm>>
        %dma_wait3A_1091 = tpu.memref_squeeze %dma_wait3A_1090 : memref<1x16x128xf32, #tpu.memory_space<hbm>> -> memref<16x128xf32, #tpu.memory_space<hbm>>
        tpu.wait_dma2 semaphore(%arg26 : memref<!tpu.dma_semaphore, #tpu.memory_space<semaphore_mem>>) src(%dma_wait3A_1091 : memref<16x128xf32, #tpu.memory_space<hbm>>) dst(%dma_wait3A_1088 : memref<16x128xf32, #tpu.memory_space<vmem>>)
        %while3A_1092 = arith.constant 0 : i32
        scf.yield %while3A_1092 : i32
      }
      %while3A_1016 = arith.constant 1 : i32
      %while3A_1017 = scf.for %while3A_1074 = %while3A_1013 to %while3A_1009 step %while3A_1016 iter_args(%while3A_1075 = %while3A_1015) -> (i32)  : i32 {
        %mul3A_1076 = arith.constant 16 : i32
        %mul3A_1077 = arith.muli %while3A_1074, %mul3A_1076 : i32
        %mul3A_1078 = arith.constant 16 : i32
        %mul3A_1079 = arith.muli %while3A_1074, %mul3A_1078 : i32
        %dma_wait3A_1080 = arith.constant 0 : i32
        %dma_wait3A_1081 = tpu.memref_slice %arg20[%sub3A_932, %mul3A_1079, %dma_wait3A_1080] : memref<2x256x128xf32, #tpu.memory_space<vmem>> -> memref<1x16x128xf32, #tpu.memory_space<vmem>>
        %dma_wait3A_1082 = tpu.memref_squeeze %dma_wait3A_1081 : memref<1x16x128xf32, #tpu.memory_space<vmem>> -> memref<16x128xf32, #tpu.memory_space<vmem>>
        %dma_wait3A_1083 = arith.constant 0 : i32
        %dma_wait3A_1084 = tpu.memref_slice %arg2[%squeeze3A_967, %mul3A_1077, %dma_wait3A_1083] : memref<1000x256x128xf32, #tpu.memory_space<hbm>> -> memref<1x16x128xf32, #tpu.memory_space<hbm>>
        %dma_wait3A_1085 = tpu.memref_squeeze %dma_wait3A_1084 : memref<1x16x128xf32, #tpu.memory_space<hbm>> -> memref<16x128xf32, #tpu.memory_space<hbm>>
        %dma_wait3A_1086 = arith.constant 0 : i32
        %dma_wait3A_1087 = tpu.memref_slice %arg20[%sub3A_932, %mul3A_1079, %dma_wait3A_1086] : memref<2x256x128xf32, #tpu.memory_space<vmem>> -> memref<1x16x128xf32, #tpu.memory_space<vmem>>
        %dma_wait3A_1088 = tpu.memref_squeeze %dma_wait3A_1087 : memref<1x16x128xf32, #tpu.memory_space<vmem>> -> memref<16x128xf32, #tpu.memory_space<vmem>>
        %dma_wait3A_1089 = arith.constant 0 : i32
        %dma_wait3A_1090 = tpu.memref_slice %arg2[%squeeze3A_967, %mul3A_1077, %dma_wait3A_1089] : memref<1000x256x128xf32, #tpu.memory_space<hbm>> -> memref<1x16x128xf32, #tpu.memory_space<hbm>>
        %dma_wait3A_1091 = tpu.memref_squeeze %dma_wait3A_1090 : memref<1x16x128xf32, #tpu.memory_space<hbm>> -> memref<16x128xf32, #tpu.memory_space<hbm>>
        tpu.wait_dma2 semaphore(%arg26 : memref<!tpu.dma_semaphore, #tpu.memory_space<semaphore_mem>>) src(%dma_wait3A_1091 : memref<16x128xf32, #tpu.memory_space<hbm>>) dst(%dma_wait3A_1088 : memref<16x128xf32, #tpu.memory_space<vmem>>)
        %while3A_1092 = arith.constant 0 : i32
        scf.yield %while3A_1092 : i32
      }
      %mul3A_1018 = arith.constant 16 : i32
      %mul3A_1019 = arith.muli %squeeze3A_977, %mul3A_1018 : i32
      %min3A_1020 = arith.constant 256 : i32
      %min3A_1021 = arith.minsi %mul3A_1019, %min3A_1020 : i32
      %while3A_1022 = arith.constant 0 : i32
      %while3A_1023 = arith.subi %min3A_1021, %squeeze3A_972 : i32
      %while3A_1024 = arith.addi %squeeze3A_972, %while3A_1023 : i32
      %while3A_1025 = arith.constant 1 : i32
      %while3A_1026 = arith.divsi %while3A_1023, %while3A_1025 : i32
      %while3A_1027 = arith.muli %while3A_1026, %while3A_1025 : i32
      %while3A_1028 = arith.addi %squeeze3A_972, %while3A_1027 : i32
      %while3A_1029 = arith.constant 1 : i32
      %while3A_1030 = scf.for %while3A_1074 = %squeeze3A_972 to %while3A_1028 step %while3A_1029 iter_args(%while3A_1075 = %while3A_1022) -> (i32)  : i32 {
        %swap3A_1076 = arith.index_cast %sub3A_932 : i32 to index
        %swap3A_1077 = arith.index_cast %while3A_1074 : i32 to index
        %swap3A_1078 = arith.constant 0 : index
        %swap3A_1079 = tpu.vector_load %arg20[%swap3A_1076, %swap3A_1077, %swap3A_1078] {strides = array<i32>} : memref<2x256x128xf32, #tpu.memory_space<vmem>>, vector<1x1x16xf32>,
        %swap3A_1080 = vector.shape_cast %swap3A_1079 : vector<1x1x16xf32> to vector<16xf32>
        %swap3A_1081 = vector.shape_cast %broadcast_in_dim3A_1 : vector<16xf32> to vector<1x1x16xf32>
        tpu.vector_store %arg20[%swap3A_1076, %swap3A_1077, %swap3A_1078], %swap3A_1081 {strides = array<i32>} : memref<2x256x128xf32, #tpu.memory_space<vmem>>, vector<1x1x16xf32>,
        %swap3A_1082 = arith.index_cast %sub3A_932 : i32 to index
        %swap3A_1083 = arith.index_cast %while3A_1074 : i32 to index
        %swap3A_1084 = arith.constant 16 : index
        %swap3A_1085 = tpu.vector_load %arg20[%swap3A_1082, %swap3A_1083, %swap3A_1084] {strides = array<i32>} : memref<2x256x128xf32, #tpu.memory_space<vmem>>, vector<1x1x16xf32>,
        %swap3A_1086 = vector.shape_cast %swap3A_1085 : vector<1x1x16xf32> to vector<16xf32>
        %swap3A_1087 = vector.shape_cast %broadcast_in_dim3A_1 : vector<16xf32> to vector<1x1x16xf32>
        tpu.vector_store %arg20[%swap3A_1082, %swap3A_1083, %swap3A_1084], %swap3A_1087 {strides = array<i32>} : memref<2x256x128xf32, #tpu.memory_space<vmem>>, vector<1x1x16xf32>,
        %swap3A_1088 = arith.index_cast %sub3A_932 : i32 to index
        %swap3A_1089 = arith.index_cast %while3A_1074 : i32 to index
        %swap3A_1090 = arith.constant 32 : index
        %swap3A_1091 = tpu.vector_load %arg20[%swap3A_1088, %swap3A_1089, %swap3A_1090] {strides = array<i32>} : memref<2x256x128xf32, #tpu.memory_space<vmem>>, vector<1x1x16xf32>,
        %swap3A_1092 = vector.shape_cast %swap3A_1091 : vector<1x1x16xf32> to vector<16xf32>
        %swap3A_1093 = vector.shape_cast %broadcast_in_dim3A_1 : vector<16xf32> to vector<1x1x16xf32>
        tpu.vector_store %arg20[%swap3A_1088, %swap3A_1089, %swap3A_1090], %swap3A_1093 {strides = array<i32>} : memref<2x256x128xf32, #tpu.memory_space<vmem>>, vector<1x1x16xf32>,
        %swap3A_1094 = arith.index_cast %sub3A_932 : i32 to index
        %swap3A_1095 = arith.index_cast %while3A_1074 : i32 to index
        %swap3A_1096 = arith.constant 48 : index
        %swap3A_1097 = tpu.vector_load %arg20[%swap3A_1094, %swap3A_1095, %swap3A_1096] {strides = array<i32>} : memref<2x256x128xf32, #tpu.memory_space<vmem>>, vector<1x1x16xf32>,
        %swap3A_1098 = vector.shape_cast %swap3A_1097 : vector<1x1x16xf32> to vector<16xf32>
        %swap3A_1099 = vector.shape_cast %broadcast_in_dim3A_1 : vector<16xf32> to vector<1x1x16xf32>
        tpu.vector_store %arg20[%swap3A_1094, %swap3A_1095, %swap3A_1096], %swap3A_1099 {strides = array<i32>} : memref<2x256x128xf32, #tpu.memory_space<vmem>>, vector<1x1x16xf32>,
        %swap3A_1100 = arith.index_cast %sub3A_932 : i32 to index
        %swap3A_1101 = arith.index_cast %while3A_1074 : i32 to index
        %swap3A_1102 = arith.constant 64 : index
        %swap3A_1103 = tpu.vector_load %arg20[%swap3A_1100, %swap3A_1101, %swap3A_1102] {strides = array<i32>} : memref<2x256x128xf32, #tpu.memory_space<vmem>>, vector<1x1x16xf32>,
        %swap3A_1104 = vector.shape_cast %swap3A_1103 : vector<1x1x16xf32> to vector<16xf32>
        %swap3A_1105 = vector.shape_cast %broadcast_in_dim3A_1 : vector<16xf32> to vector<1x1x16xf32>
        tpu.vector_store %arg20[%swap3A_1100, %swap3A_1101, %swap3A_1102], %swap3A_1105 {strides = array<i32>} : memref<2x256x128xf32, #tpu.memory_space<vmem>>, vector<1x1x16xf32>,
        %swap3A_1106 = arith.index_cast %sub3A_932 : i32 to index
        %swap3A_1107 = arith.index_cast %while3A_1074 : i32 to index
        %swap3A_1108 = arith.constant 80 : index
        %swap3A_1109 = tpu.vector_load %arg20[%swap3A_1106, %swap3A_1107, %swap3A_1108] {strides = array<i32>} : memref<2x256x128xf32, #tpu.memory_space<vmem>>, vector<1x1x16xf32>,
        %swap3A_1110 = vector.shape_cast %swap3A_1109 : vector<1x1x16xf32> to vector<16xf32>
        %swap3A_1111 = vector.shape_cast %broadcast_in_dim3A_1 : vector<16xf32> to vector<1x1x16xf32>
        tpu.vector_store %arg20[%swap3A_1106, %swap3A_1107, %swap3A_1108], %swap3A_1111 {strides = array<i32>} : memref<2x256x128xf32, #tpu.memory_space<vmem>>, vector<1x1x16xf32>,
        %swap3A_1112 = arith.index_cast %sub3A_932 : i32 to index
        %swap3A_1113 = arith.index_cast %while3A_1074 : i32 to index
        %swap3A_1114 = arith.constant 96 : index
        %swap3A_1115 = tpu.vector_load %arg20[%swap3A_1112, %swap3A_1113, %swap3A_1114] {strides = array<i32>} : memref<2x256x128xf32, #tpu.memory_space<vmem>>, vector<1x1x16xf32>,
        %swap3A_1116 = vector.shape_cast %swap3A_1115 : vector<1x1x16xf32> to vector<16xf32>
        %swap3A_1117 = vector.shape_cast %broadcast_in_dim3A_1 : vector<16xf32> to vector<1x1x16xf32>
        tpu.vector_store %arg20[%swap3A_1112, %swap3A_1113, %swap3A_1114], %swap3A_1117 {strides = array<i32>} : memref<2x256x128xf32, #tpu.memory_space<vmem>>, vector<1x1x16xf32>,
        %swap3A_1118 = arith.index_cast %sub3A_932 : i32 to index
        %swap3A_1119 = arith.index_cast %while3A_1074 : i32 to index
        %swap3A_1120 = arith.constant 112 : index
        %swap3A_1121 = tpu.vector_load %arg20[%swap3A_1118, %swap3A_1119, %swap3A_1120] {strides = array<i32>} : memref<2x256x128xf32, #tpu.memory_space<vmem>>, vector<1x1x16xf32>,
        %swap3A_1122 = vector.shape_cast %swap3A_1121 : vector<1x1x16xf32> to vector<16xf32>
        %swap3A_1123 = vector.shape_cast %broadcast_in_dim3A_1 : vector<16xf32> to vector<1x1x16xf32>
        tpu.vector_store %arg20[%swap3A_1118, %swap3A_1119, %swap3A_1120], %swap3A_1123 {strides = array<i32>} : memref<2x256x128xf32, #tpu.memory_space<vmem>>, vector<1x1x16xf32>,
        %while3A_1124 = arith.constant 0 : i32
        scf.yield %while3A_1124 : i32
      }
      %while3A_1031 = arith.constant 1 : i32
      %while3A_1032 = scf.for %while3A_1074 = %while3A_1028 to %while3A_1024 step %while3A_1031 iter_args(%while3A_1075 = %while3A_1030) -> (i32)  : i32 {
        %swap3A_1076 = arith.index_cast %sub3A_932 : i32 to index
        %swap3A_1077 = arith.index_cast %while3A_1074 : i32 to index
        %swap3A_1078 = arith.constant 0 : index
        %swap3A_1079 = tpu.vector_load %arg20[%swap3A_1076, %swap3A_1077, %swap3A_1078] {strides = array<i32>} : memref<2x256x128xf32, #tpu.memory_space<vmem>>, vector<1x1x16xf32>,
        %swap3A_1080 = vector.shape_cast %swap3A_1079 : vector<1x1x16xf32> to vector<16xf32>
        %swap3A_1081 = vector.shape_cast %broadcast_in_dim3A_1 : vector<16xf32> to vector<1x1x16xf32>
        tpu.vector_store %arg20[%swap3A_1076, %swap3A_1077, %swap3A_1078], %swap3A_1081 {strides = array<i32>} : memref<2x256x128xf32, #tpu.memory_space<vmem>>, vector<1x1x16xf32>,
        %swap3A_1082 = arith.index_cast %sub3A_932 : i32 to index
        %swap3A_1083 = arith.index_cast %while3A_1074 : i32 to index
        %swap3A_1084 = arith.constant 16 : index
        %swap3A_1085 = tpu.vector_load %arg20[%swap3A_1082, %swap3A_1083, %swap3A_1084] {strides = array<i32>} : memref<2x256x128xf32, #tpu.memory_space<vmem>>, vector<1x1x16xf32>,
        %swap3A_1086 = vector.shape_cast %swap3A_1085 : vector<1x1x16xf32> to vector<16xf32>
        %swap3A_1087 = vector.shape_cast %broadcast_in_dim3A_1 : vector<16xf32> to vector<1x1x16xf32>
        tpu.vector_store %arg20[%swap3A_1082, %swap3A_1083, %swap3A_1084], %swap3A_1087 {strides = array<i32>} : memref<2x256x128xf32, #tpu.memory_space<vmem>>, vector<1x1x16xf32>,
        %swap3A_1088 = arith.index_cast %sub3A_932 : i32 to index
        %swap3A_1089 = arith.index_cast %while3A_1074 : i32 to index
        %swap3A_1090 = arith.constant 32 : index
        %swap3A_1091 = tpu.vector_load %arg20[%swap3A_1088, %swap3A_1089, %swap3A_1090] {strides = array<i32>} : memref<2x256x128xf32, #tpu.memory_space<vmem>>, vector<1x1x16xf32>,
        %swap3A_1092 = vector.shape_cast %swap3A_1091 : vector<1x1x16xf32> to vector<16xf32>
        %swap3A_1093 = vector.shape_cast %broadcast_in_dim3A_1 : vector<16xf32> to vector<1x1x16xf32>
        tpu.vector_store %arg20[%swap3A_1088, %swap3A_1089, %swap3A_1090], %swap3A_1093 {strides = array<i32>} : memref<2x256x128xf32, #tpu.memory_space<vmem>>, vector<1x1x16xf32>,
        %swap3A_1094 = arith.index_cast %sub3A_932 : i32 to index
        %swap3A_1095 = arith.index_cast %while3A_1074 : i32 to index
        %swap3A_1096 = arith.constant 48 : index
        %swap3A_1097 = tpu.vector_load %arg20[%swap3A_1094, %swap3A_1095, %swap3A_1096] {strides = array<i32>} : memref<2x256x128xf32, #tpu.memory_space<vmem>>, vector<1x1x16xf32>,
        %swap3A_1098 = vector.shape_cast %swap3A_1097 : vector<1x1x16xf32> to vector<16xf32>
        %swap3A_1099 = vector.shape_cast %broadcast_in_dim3A_1 : vector<16xf32> to vector<1x1x16xf32>
        tpu.vector_store %arg20[%swap3A_1094, %swap3A_1095, %swap3A_1096], %swap3A_1099 {strides = array<i32>} : memref<2x256x128xf32, #tpu.memory_space<vmem>>, vector<1x1x16xf32>,
        %swap3A_1100 = arith.index_cast %sub3A_932 : i32 to index
        %swap3A_1101 = arith.index_cast %while3A_1074 : i32 to index
        %swap3A_1102 = arith.constant 64 : index
        %swap3A_1103 = tpu.vector_load %arg20[%swap3A_1100, %swap3A_1101, %swap3A_1102] {strides = array<i32>} : memref<2x256x128xf32, #tpu.memory_space<vmem>>, vector<1x1x16xf32>,
        %swap3A_1104 = vector.shape_cast %swap3A_1103 : vector<1x1x16xf32> to vector<16xf32>
        %swap3A_1105 = vector.shape_cast %broadcast_in_dim3A_1 : vector<16xf32> to vector<1x1x16xf32>
        tpu.vector_store %arg20[%swap3A_1100, %swap3A_1101, %swap3A_1102], %swap3A_1105 {strides = array<i32>} : memref<2x256x128xf32, #tpu.memory_space<vmem>>, vector<1x1x16xf32>,
        %swap3A_1106 = arith.index_cast %sub3A_932 : i32 to index
        %swap3A_1107 = arith.index_cast %while3A_1074 : i32 to index
        %swap3A_1108 = arith.constant 80 : index
        %swap3A_1109 = tpu.vector_load %arg20[%swap3A_1106, %swap3A_1107, %swap3A_1108] {strides = array<i32>} : memref<2x256x128xf32, #tpu.memory_space<vmem>>, vector<1x1x16xf32>,
        %swap3A_1110 = vector.shape_cast %swap3A_1109 : vector<1x1x16xf32> to vector<16xf32>
        %swap3A_1111 = vector.shape_cast %broadcast_in_dim3A_1 : vector<16xf32> to vector<1x1x16xf32>
        tpu.vector_store %arg20[%swap3A_1106, %swap3A_1107, %swap3A_1108], %swap3A_1111 {strides = array<i32>} : memref<2x256x128xf32, #tpu.memory_space<vmem>>, vector<1x1x16xf32>,
        %swap3A_1112 = arith.index_cast %sub3A_932 : i32 to index
        %swap3A_1113 = arith.index_cast %while3A_1074 : i32 to index
        %swap3A_1114 = arith.constant 96 : index
        %swap3A_1115 = tpu.vector_load %arg20[%swap3A_1112, %swap3A_1113, %swap3A_1114] {strides = array<i32>} : memref<2x256x128xf32, #tpu.memory_space<vmem>>, vector<1x1x16xf32>,
        %swap3A_1116 = vector.shape_cast %swap3A_1115 : vector<1x1x16xf32> to vector<16xf32>
        %swap3A_1117 = vector.shape_cast %broadcast_in_dim3A_1 : vector<16xf32> to vector<1x1x16xf32>
        tpu.vector_store %arg20[%swap3A_1112, %swap3A_1113, %swap3A_1114], %swap3A_1117 {strides = array<i32>} : memref<2x256x128xf32, #tpu.memory_space<vmem>>, vector<1x1x16xf32>,
        %swap3A_1118 = arith.index_cast %sub3A_932 : i32 to index
        %swap3A_1119 = arith.index_cast %while3A_1074 : i32 to index
        %swap3A_1120 = arith.constant 112 : index
        %swap3A_1121 = tpu.vector_load %arg20[%swap3A_1118, %swap3A_1119, %swap3A_1120] {strides = array<i32>} : memref<2x256x128xf32, #tpu.memory_space<vmem>>, vector<1x1x16xf32>,
        %swap3A_1122 = vector.shape_cast %swap3A_1121 : vector<1x1x16xf32> to vector<16xf32>
        %swap3A_1123 = vector.shape_cast %broadcast_in_dim3A_1 : vector<16xf32> to vector<1x1x16xf32>
        tpu.vector_store %arg20[%swap3A_1118, %swap3A_1119, %swap3A_1120], %swap3A_1123 {strides = array<i32>} : memref<2x256x128xf32, #tpu.memory_space<vmem>>, vector<1x1x16xf32>,
        %while3A_1124 = arith.constant 0 : i32
        scf.yield %while3A_1124 : i32
      }
      %gt3A = arith.constant 0 : i32
      %gt3A_1033 = arith.cmpi sgt, %while3A_904, %gt3A : i32
      %convert_element_type3A_1034 = arith.extui %gt3A_1033 : i1 to i32
      %cond3A_1035 = arith.constant 0 : i32
      %cond3A_1036 = arith.cmpi ne, %convert_element_type3A_1034, %cond3A_1035 : i32
      scf.if %cond3A_1036 {
        %scan3A_1074 = arith.constant 0 : i32
        %scan3A_1075 = arith.constant 0 : i32
        %scan3A_1076 = arith.constant 16 : i32
        %scan3A_1077 = arith.addi %scan3A_1075, %scan3A_1076 : i32
        %scan3A_1078 = arith.constant 1 : i32
        %scan3A_1079 = scf.for %scan3A_1096 = %scan3A_1075 to %scan3A_1077 step %scan3A_1078 iter_args(%scan3A_1097 = %scan3A_1074) -> (i32)  : i32 {
          %dma_wait3A_1098 = arith.constant 0 : i32
          %dma_wait3A_1099 = arith.constant 0 : i32
          %dma_wait3A_1100 = arith.constant 0 : i32
          %dma_wait3A_1101 = arith.constant 0 : i32
          %dma_wait3A_1102 = arith.constant 0 : i32
          %dma_wait3A_1103 = tpu.memref_slice %arg20[%dma_wait3A_1098, %dma_wait3A_1101, %dma_wait3A_1102] : memref<2x256x128xf32, #tpu.memory_space<vmem>> -> memref<1x16x128xf32, #tpu.memory_space<vmem>>
          %dma_wait3A_1104 = tpu.memref_squeeze %dma_wait3A_1103 : memref<1x16x128xf32, #tpu.memory_space<vmem>> -> memref<16x128xf32, #tpu.memory_space<vmem>>
          %dma_wait3A_1105 = arith.constant 0 : i32
          %dma_wait3A_1106 = arith.constant 0 : i32
          %dma_wait3A_1107 = tpu.memref_slice %arg8[%dma_wait3A_1099, %dma_wait3A_1100, %dma_wait3A_1105, %dma_wait3A_1106] : memref<16x5x256x128xf32, #tpu.memory_space<hbm>> -> memref<1x1x16x128xf32, #tpu.memory_space<hbm>>
          %dma_wait3A_1108 = tpu.memref_squeeze %dma_wait3A_1107 : memref<1x1x16x128xf32, #tpu.memory_space<hbm>> -> memref<16x128xf32, #tpu.memory_space<hbm>>
          %dma_wait3A_1109 = arith.constant 0 : i32
          %dma_wait3A_1110 = arith.constant 0 : i32
          %dma_wait3A_1111 = tpu.memref_slice %arg8[%dma_wait3A_1099, %dma_wait3A_1100, %dma_wait3A_1109, %dma_wait3A_1110] : memref<16x5x256x128xf32, #tpu.memory_space<hbm>> -> memref<1x1x16x128xf32, #tpu.memory_space<hbm>>
          %dma_wait3A_1112 = tpu.memref_squeeze %dma_wait3A_1111 : memref<1x1x16x128xf32, #tpu.memory_space<hbm>> -> memref<16x128xf32, #tpu.memory_space<hbm>>
          %dma_wait3A_1113 = arith.constant 0 : i32
          %dma_wait3A_1114 = arith.constant 0 : i32
          %dma_wait3A_1115 = tpu.memref_slice %arg20[%dma_wait3A_1098, %dma_wait3A_1113, %dma_wait3A_1114] : memref<2x256x128xf32, #tpu.memory_space<vmem>> -> memref<1x16x128xf32, #tpu.memory_space<vmem>>
          %dma_wait3A_1116 = tpu.memref_squeeze %dma_wait3A_1115 : memref<1x16x128xf32, #tpu.memory_space<vmem>> -> memref<16x128xf32, #tpu.memory_space<vmem>>
          tpu.wait_dma2 semaphore(%arg27 : memref<!tpu.dma_semaphore, #tpu.memory_space<semaphore_mem>>) src(%dma_wait3A_1116 : memref<16x128xf32, #tpu.memory_space<vmem>>) dst(%dma_wait3A_1112 : memref<16x128xf32, #tpu.memory_space<hbm>>)
          %scan3A_1117 = arith.constant 0 : i32
          scf.yield %scan3A_1117 : i32
        }
        %scan3A_1080 = arith.constant 16 : i32
        %dma_wait3A_1081 = arith.constant 0 : i32
        %dma_wait3A_1082 = arith.constant 0 : i32
        %dma_wait3A_1083 = arith.constant 0 : i32
        %dma_wait3A_1084 = arith.constant 0 : i32
        %dma_wait3A_1085 = tpu.memref_slice %arg22[%dma_wait3A_1081, %dma_wait3A_1084] : memref<2x256xf32, #tpu.memory_space<vmem>> -> memref<1x256xf32, #tpu.memory_space<vmem>>
        %dma_wait3A_1086 = tpu.memref_squeeze %dma_wait3A_1085 : memref<1x256xf32, #tpu.memory_space<vmem>> -> memref<256xf32, #tpu.memory_space<vmem>>
        %dma_wait3A_1087 = arith.constant 0 : i32
        %dma_wait3A_1088 = tpu.memref_slice %arg9[%dma_wait3A_1082, %dma_wait3A_1083, %dma_wait3A_1087] : memref<5x16x256xf32, #tpu.memory_space<hbm>> -> memref<1x1x256xf32, #tpu.memory_space<hbm>>
        %dma_wait3A_1089 = tpu.memref_squeeze %dma_wait3A_1088 : memref<1x1x256xf32, #tpu.memory_space<hbm>> -> memref<256xf32, #tpu.memory_space<hbm>>
        %dma_wait3A_1090 = arith.constant 0 : i32
        %dma_wait3A_1091 = tpu.memref_slice %arg9[%dma_wait3A_1082, %dma_wait3A_1083, %dma_wait3A_1090] : memref<5x16x256xf32, #tpu.memory_space<hbm>> -> memref<1x1x256xf32, #tpu.memory_space<hbm>>
        %dma_wait3A_1092 = tpu.memref_squeeze %dma_wait3A_1091 : memref<1x1x256xf32, #tpu.memory_space<hbm>> -> memref<256xf32, #tpu.memory_space<hbm>>
        %dma_wait3A_1093 = arith.constant 0 : i32
        %dma_wait3A_1094 = tpu.memref_slice %arg22[%dma_wait3A_1081, %dma_wait3A_1093] : memref<2x256xf32, #tpu.memory_space<vmem>> -> memref<1x256xf32, #tpu.memory_space<vmem>>
        %dma_wait3A_1095 = tpu.memref_squeeze %dma_wait3A_1094 : memref<1x256xf32, #tpu.memory_space<vmem>> -> memref<256xf32, #tpu.memory_space<vmem>>
        tpu.wait_dma2 semaphore(%arg27 : memref<!tpu.dma_semaphore, #tpu.memory_space<semaphore_mem>>) src(%dma_wait3A_1095 : memref<256xf32, #tpu.memory_space<vmem>>) dst(%dma_wait3A_1092 : memref<256xf32, #tpu.memory_space<hbm>>)
      } else {
      }
      %while3A_1037 = arith.constant 0 : i32
      %while3A_1038 = arith.constant 0 : i32
      %while3A_1039 = arith.subi %squeeze3A_977, %while3A_1037 : i32
      %while3A_1040 = arith.addi %while3A_1037, %while3A_1039 : i32
      %while3A_1041 = arith.constant 1 : i32
      %while3A_1042 = arith.divsi %while3A_1039, %while3A_1041 : i32
      %while3A_1043 = arith.muli %while3A_1042, %while3A_1041 : i32
      %while3A_1044 = arith.addi %while3A_1037, %while3A_1043 : i32
      %while3A_1045 = arith.constant 1 : i32
      %while3A_1046 = scf.for %while3A_1074 = %while3A_1037 to %while3A_1044 step %while3A_1045 iter_args(%while3A_1075 = %while3A_1038) -> (i32)  : i32 {
        %mul3A_1076 = arith.constant 16 : i32
        %mul3A_1077 = arith.muli %while3A_1074, %mul3A_1076 : i32
        %mul3A_1078 = arith.constant 16 : i32
        %mul3A_1079 = arith.muli %while3A_1074, %mul3A_1078 : i32
        %dma_start3A_1080 = arith.constant 0 : i32
        %dma_start3A_1081 = tpu.memref_slice %arg20[%sub3A_932, %mul3A_1077, %dma_start3A_1080] : memref<2x256x128xf32, #tpu.memory_space<vmem>> -> memref<1x16x128xf32, #tpu.memory_space<vmem>>
        %dma_start3A_1082 = tpu.memref_squeeze %dma_start3A_1081 : memref<1x16x128xf32, #tpu.memory_space<vmem>> -> memref<16x128xf32, #tpu.memory_space<vmem>>
        %dma_start3A_1083 = arith.constant 0 : i32
        %dma_start3A_1084 = tpu.memref_slice %arg8[%select_n3A_959, %sub3A_962, %mul3A_1079, %dma_start3A_1083] : memref<16x5x256x128xf32, #tpu.memory_space<hbm>> -> memref<1x1x16x128xf32, #tpu.memory_space<hbm>>
        %dma_start3A_1085 = tpu.memref_squeeze %dma_start3A_1084 : memref<1x1x16x128xf32, #tpu.memory_space<hbm>> -> memref<16x128xf32, #tpu.memory_space<hbm>>
        %dma_start3A_1086 = arith.constant 0 : i32
        %dma_start3A_1087 = tpu.memref_slice %arg8[%select_n3A_959, %sub3A_962, %mul3A_1079, %dma_start3A_1086] : memref<16x5x256x128xf32, #tpu.memory_space<hbm>> -> memref<1x1x16x128xf32, #tpu.memory_space<hbm>>
        %dma_start3A_1088 = tpu.memref_squeeze %dma_start3A_1087 : memref<1x1x16x128xf32, #tpu.memory_space<hbm>> -> memref<16x128xf32, #tpu.memory_space<hbm>>
        %dma_start3A_1089 = arith.constant 0 : i32
        %dma_start3A_1090 = tpu.memref_slice %arg20[%sub3A_932, %mul3A_1077, %dma_start3A_1089] : memref<2x256x128xf32, #tpu.memory_space<vmem>> -> memref<1x16x128xf32, #tpu.memory_space<vmem>>
        %dma_start3A_1091 = tpu.memref_squeeze %dma_start3A_1090 : memref<1x16x128xf32, #tpu.memory_space<vmem>> -> memref<16x128xf32, #tpu.memory_space<vmem>>
        tpu.enqueue_dma source(%dma_start3A_1091 : memref<16x128xf32, #tpu.memory_space<vmem>>) target(%dma_start3A_1088 : memref<16x128xf32, #tpu.memory_space<hbm>>) target_semaphore(%arg27 : memref<!tpu.dma_semaphore, #tpu.memory_space<semaphore_mem>>)
        %while3A_1092 = arith.constant 0 : i32
        scf.yield %while3A_1092 : i32
      }
      %while3A_1047 = arith.constant 1 : i32
      %while3A_1048 = scf.for %while3A_1074 = %while3A_1044 to %while3A_1040 step %while3A_1047 iter_args(%while3A_1075 = %while3A_1046) -> (i32)  : i32 {
        %mul3A_1076 = arith.constant 16 : i32
        %mul3A_1077 = arith.muli %while3A_1074, %mul3A_1076 : i32
        %mul3A_1078 = arith.constant 16 : i32
        %mul3A_1079 = arith.muli %while3A_1074, %mul3A_1078 : i32
        %dma_start3A_1080 = arith.constant 0 : i32
        %dma_start3A_1081 = tpu.memref_slice %arg20[%sub3A_932, %mul3A_1077, %dma_start3A_1080] : memref<2x256x128xf32, #tpu.memory_space<vmem>> -> memref<1x16x128xf32, #tpu.memory_space<vmem>>
        %dma_start3A_1082 = tpu.memref_squeeze %dma_start3A_1081 : memref<1x16x128xf32, #tpu.memory_space<vmem>> -> memref<16x128xf32, #tpu.memory_space<vmem>>
        %dma_start3A_1083 = arith.constant 0 : i32
        %dma_start3A_1084 = tpu.memref_slice %arg8[%select_n3A_959, %sub3A_962, %mul3A_1079, %dma_start3A_1083] : memref<16x5x256x128xf32, #tpu.memory_space<hbm>> -> memref<1x1x16x128xf32, #tpu.memory_space<hbm>>
        %dma_start3A_1085 = tpu.memref_squeeze %dma_start3A_1084 : memref<1x1x16x128xf32, #tpu.memory_space<hbm>> -> memref<16x128xf32, #tpu.memory_space<hbm>>
        %dma_start3A_1086 = arith.constant 0 : i32
        %dma_start3A_1087 = tpu.memref_slice %arg8[%select_n3A_959, %sub3A_962, %mul3A_1079, %dma_start3A_1086] : memref<16x5x256x128xf32, #tpu.memory_space<hbm>> -> memref<1x1x16x128xf32, #tpu.memory_space<hbm>>
        %dma_start3A_1088 = tpu.memref_squeeze %dma_start3A_1087 : memref<1x1x16x128xf32, #tpu.memory_space<hbm>> -> memref<16x128xf32, #tpu.memory_space<hbm>>
        %dma_start3A_1089 = arith.constant 0 : i32
        %dma_start3A_1090 = tpu.memref_slice %arg20[%sub3A_932, %mul3A_1077, %dma_start3A_1089] : memref<2x256x128xf32, #tpu.memory_space<vmem>> -> memref<1x16x128xf32, #tpu.memory_space<vmem>>
        %dma_start3A_1091 = tpu.memref_squeeze %dma_start3A_1090 : memref<1x16x128xf32, #tpu.memory_space<vmem>> -> memref<16x128xf32, #tpu.memory_space<vmem>>
        tpu.enqueue_dma source(%dma_start3A_1091 : memref<16x128xf32, #tpu.memory_space<vmem>>) target(%dma_start3A_1088 : memref<16x128xf32, #tpu.memory_space<hbm>>) target_semaphore(%arg27 : memref<!tpu.dma_semaphore, #tpu.memory_space<semaphore_mem>>)
        %while3A_1092 = arith.constant 0 : i32
        scf.yield %while3A_1092 : i32
      }
      %while3A_1049 = arith.constant 16 : i32
      %while3A_1050 = arith.constant 0 : i32
      %while3A_1051 = arith.subi %while3A_1049, %squeeze3A_977 : i32
      %while3A_1052 = arith.addi %squeeze3A_977, %while3A_1051 : i32
      %while3A_1053 = arith.constant 1 : i32
      %while3A_1054 = arith.divsi %while3A_1051, %while3A_1053 : i32
      %while3A_1055 = arith.muli %while3A_1054, %while3A_1053 : i32
      %while3A_1056 = arith.addi %squeeze3A_977, %while3A_1055 : i32
      %while3A_1057 = arith.constant 1 : i32
      %while3A_1058 = scf.for %while3A_1074 = %squeeze3A_977 to %while3A_1056 step %while3A_1057 iter_args(%while3A_1075 = %while3A_1050) -> (i32)  : i32 {
        %mul3A_1076 = arith.constant 16 : i32
        %mul3A_1077 = arith.muli %while3A_1074, %mul3A_1076 : i32
        %dma_start3A_1078 = arith.constant 0 : i32
        %dma_start3A_1079 = tpu.memref_slice %arg8[%select_n3A_959, %sub3A_962, %mul3A_1077, %dma_start3A_1078] : memref<16x5x256x128xf32, #tpu.memory_space<hbm>> -> memref<1x1x16x128xf32, #tpu.memory_space<hbm>>
        %dma_start3A_1080 = tpu.memref_squeeze %dma_start3A_1079 : memref<1x1x16x128xf32, #tpu.memory_space<hbm>> -> memref<16x128xf32, #tpu.memory_space<hbm>>
        %dma_start3A_1081 = arith.constant 0 : i32
        %dma_start3A_1082 = tpu.memref_slice %arg8[%select_n3A_959, %sub3A_962, %mul3A_1077, %dma_start3A_1081] : memref<16x5x256x128xf32, #tpu.memory_space<hbm>> -> memref<1x1x16x128xf32, #tpu.memory_space<hbm>>
        %dma_start3A_1083 = tpu.memref_squeeze %dma_start3A_1082 : memref<1x1x16x128xf32, #tpu.memory_space<hbm>> -> memref<16x128xf32, #tpu.memory_space<hbm>>
        tpu.enqueue_dma source(%arg21 : memref<16x128xf32, #tpu.memory_space<vmem>>) target(%dma_start3A_1083 : memref<16x128xf32, #tpu.memory_space<hbm>>) target_semaphore(%arg27 : memref<!tpu.dma_semaphore, #tpu.memory_space<semaphore_mem>>)
        %while3A_1084 = arith.constant 0 : i32
        scf.yield %while3A_1084 : i32
      }
      %while3A_1059 = arith.constant 1 : i32
      %while3A_1060 = scf.for %while3A_1074 = %while3A_1056 to %while3A_1052 step %while3A_1059 iter_args(%while3A_1075 = %while3A_1058) -> (i32)  : i32 {
        %mul3A_1076 = arith.constant 16 : i32
        %mul3A_1077 = arith.muli %while3A_1074, %mul3A_1076 : i32
        %dma_start3A_1078 = arith.constant 0 : i32
        %dma_start3A_1079 = tpu.memref_slice %arg8[%select_n3A_959, %sub3A_962, %mul3A_1077, %dma_start3A_1078] : memref<16x5x256x128xf32, #tpu.memory_space<hbm>> -> memref<1x1x16x128xf32, #tpu.memory_space<hbm>>
        %dma_start3A_1080 = tpu.memref_squeeze %dma_start3A_1079 : memref<1x1x16x128xf32, #tpu.memory_space<hbm>> -> memref<16x128xf32, #tpu.memory_space<hbm>>
        %dma_start3A_1081 = arith.constant 0 : i32
        %dma_start3A_1082 = tpu.memref_slice %arg8[%select_n3A_959, %sub3A_962, %mul3A_1077, %dma_start3A_1081] : memref<16x5x256x128xf32, #tpu.memory_space<hbm>> -> memref<1x1x16x128xf32, #tpu.memory_space<hbm>>
        %dma_start3A_1083 = tpu.memref_squeeze %dma_start3A_1082 : memref<1x1x16x128xf32, #tpu.memory_space<hbm>> -> memref<16x128xf32, #tpu.memory_space<hbm>>
        tpu.enqueue_dma source(%arg21 : memref<16x128xf32, #tpu.memory_space<vmem>>) target(%dma_start3A_1083 : memref<16x128xf32, #tpu.memory_space<hbm>>) target_semaphore(%arg27 : memref<!tpu.dma_semaphore, #tpu.memory_space<semaphore_mem>>)
        %while3A_1084 = arith.constant 0 : i32
        scf.yield %while3A_1084 : i32
      }
      %dma_start3A_1061 = arith.constant 0 : i32
      %dma_start3A_1062 = tpu.memref_slice %arg22[%sub3A_932, %dma_start3A_1061] : memref<2x256xf32, #tpu.memory_space<vmem>> -> memref<1x256xf32, #tpu.memory_space<vmem>>
      %dma_start3A_1063 = tpu.memref_squeeze %dma_start3A_1062 : memref<1x256xf32, #tpu.memory_space<vmem>> -> memref<256xf32, #tpu.memory_space<vmem>>
      %dma_start3A_1064 = arith.constant 0 : i32
      %dma_start3A_1065 = tpu.memref_slice %arg9[%sub3A_962, %select_n3A_959, %dma_start3A_1064] : memref<5x16x256xf32, #tpu.memory_space<hbm>> -> memref<1x1x256xf32, #tpu.memory_space<hbm>>
      %dma_start3A_1066 = tpu.memref_squeeze %dma_start3A_1065 : memref<1x1x256xf32, #tpu.memory_space<hbm>> -> memref<256xf32, #tpu.memory_space<hbm>>
      %dma_start3A_1067 = arith.constant 0 : i32
      %dma_start3A_1068 = tpu.memref_slice %arg9[%sub3A_962, %select_n3A_959, %dma_start3A_1067] : memref<5x16x256xf32, #tpu.memory_space<hbm>> -> memref<1x1x256xf32, #tpu.memory_space<hbm>>
      %dma_start3A_1069 = tpu.memref_squeeze %dma_start3A_1068 : memref<1x1x256xf32, #tpu.memory_space<hbm>> -> memref<256xf32, #tpu.memory_space<hbm>>
      %dma_start3A_1070 = arith.constant 0 : i32
      %dma_start3A_1071 = tpu.memref_slice %arg22[%sub3A_932, %dma_start3A_1070] : memref<2x256xf32, #tpu.memory_space<vmem>> -> memref<1x256xf32, #tpu.memory_space<vmem>>
      %dma_start3A_1072 = tpu.memref_squeeze %dma_start3A_1071 : memref<1x256xf32, #tpu.memory_space<vmem>> -> memref<256xf32, #tpu.memory_space<vmem>>
      tpu.enqueue_dma source(%dma_start3A_1072 : memref<256xf32, #tpu.memory_space<vmem>>) target(%dma_start3A_1069 : memref<256xf32, #tpu.memory_space<hbm>>) target_semaphore(%arg27 : memref<!tpu.dma_semaphore, #tpu.memory_space<semaphore_mem>>)
      %while3A_1073 = arith.constant 0 : i32
      scf.yield %while3A_1073 : i32
    }
    %scan3A_866 = arith.constant 0 : i32
    %scan3A_867 = arith.constant 0 : i32
    %scan3A_868 = arith.constant 16 : i32
    %scan3A_869 = arith.addi %scan3A_867, %scan3A_868 : i32
    %scan3A_870 = arith.constant 1 : i32
    %scan3A_871 = scf.for %scan3A_904 = %scan3A_867 to %scan3A_869 step %scan3A_870 iter_args(%scan3A_905 = %scan3A_866) -> (i32)  : i32 {
      %dma_wait3A_906 = arith.constant 0 : i32
      %dma_wait3A_907 = arith.constant 0 : i32
      %dma_wait3A_908 = arith.constant 0 : i32
      %dma_wait3A_909 = arith.constant 0 : i32
      %dma_wait3A_910 = arith.constant 0 : i32
      %dma_wait3A_911 = tpu.memref_slice %arg20[%dma_wait3A_906, %dma_wait3A_909, %dma_wait3A_910] : memref<2x256x128xf32, #tpu.memory_space<vmem>> -> memref<1x16x128xf32, #tpu.memory_space<vmem>>
      %dma_wait3A_912 = tpu.memref_squeeze %dma_wait3A_911 : memref<1x16x128xf32, #tpu.memory_space<vmem>> -> memref<16x128xf32, #tpu.memory_space<vmem>>
      %dma_wait3A_913 = arith.constant 0 : i32
      %dma_wait3A_914 = arith.constant 0 : i32
      %dma_wait3A_915 = tpu.memref_slice %arg8[%dma_wait3A_907, %dma_wait3A_908, %dma_wait3A_913, %dma_wait3A_914] : memref<16x5x256x128xf32, #tpu.memory_space<hbm>> -> memref<1x1x16x128xf32, #tpu.memory_space<hbm>>
      %dma_wait3A_916 = tpu.memref_squeeze %dma_wait3A_915 : memref<1x1x16x128xf32, #tpu.memory_space<hbm>> -> memref<16x128xf32, #tpu.memory_space<hbm>>
      %dma_wait3A_917 = arith.constant 0 : i32
      %dma_wait3A_918 = arith.constant 0 : i32
      %dma_wait3A_919 = tpu.memref_slice %arg8[%dma_wait3A_907, %dma_wait3A_908, %dma_wait3A_917, %dma_wait3A_918] : memref<16x5x256x128xf32, #tpu.memory_space<hbm>> -> memref<1x1x16x128xf32, #tpu.memory_space<hbm>>
      %dma_wait3A_920 = tpu.memref_squeeze %dma_wait3A_919 : memref<1x1x16x128xf32, #tpu.memory_space<hbm>> -> memref<16x128xf32, #tpu.memory_space<hbm>>
      %dma_wait3A_921 = arith.constant 0 : i32
      %dma_wait3A_922 = arith.constant 0 : i32
      %dma_wait3A_923 = tpu.memref_slice %arg20[%dma_wait3A_906, %dma_wait3A_921, %dma_wait3A_922] : memref<2x256x128xf32, #tpu.memory_space<vmem>> -> memref<1x16x128xf32, #tpu.memory_space<vmem>>
      %dma_wait3A_924 = tpu.memref_squeeze %dma_wait3A_923 : memref<1x16x128xf32, #tpu.memory_space<vmem>> -> memref<16x128xf32, #tpu.memory_space<vmem>>
      tpu.wait_dma2 semaphore(%arg27 : memref<!tpu.dma_semaphore, #tpu.memory_space<semaphore_mem>>) src(%dma_wait3A_924 : memref<16x128xf32, #tpu.memory_space<vmem>>) dst(%dma_wait3A_920 : memref<16x128xf32, #tpu.memory_space<hbm>>)
      %scan3A_925 = arith.constant 0 : i32
      scf.yield %scan3A_925 : i32
    }
    %scan3A_872 = arith.constant 16 : i32
    %dma_wait3A_873 = arith.constant 0 : i32
    %dma_wait3A_874 = arith.constant 0 : i32
    %dma_wait3A_875 = arith.constant 0 : i32
    %dma_wait3A_876 = arith.constant 0 : i32
    %dma_wait3A_877 = tpu.memref_slice %arg22[%dma_wait3A_873, %dma_wait3A_876] : memref<2x256xf32, #tpu.memory_space<vmem>> -> memref<1x256xf32, #tpu.memory_space<vmem>>
    %dma_wait3A_878 = tpu.memref_squeeze %dma_wait3A_877 : memref<1x256xf32, #tpu.memory_space<vmem>> -> memref<256xf32, #tpu.memory_space<vmem>>
    %dma_wait3A_879 = arith.constant 0 : i32
    %dma_wait3A_880 = tpu.memref_slice %arg9[%dma_wait3A_874, %dma_wait3A_875, %dma_wait3A_879] : memref<5x16x256xf32, #tpu.memory_space<hbm>> -> memref<1x1x256xf32, #tpu.memory_space<hbm>>
    %dma_wait3A_881 = tpu.memref_squeeze %dma_wait3A_880 : memref<1x1x256xf32, #tpu.memory_space<hbm>> -> memref<256xf32, #tpu.memory_space<hbm>>
    %dma_wait3A_882 = arith.constant 0 : i32
    %dma_wait3A_883 = tpu.memref_slice %arg9[%dma_wait3A_874, %dma_wait3A_875, %dma_wait3A_882] : memref<5x16x256xf32, #tpu.memory_space<hbm>> -> memref<1x1x256xf32, #tpu.memory_space<hbm>>
    %dma_wait3A_884 = tpu.memref_squeeze %dma_wait3A_883 : memref<1x1x256xf32, #tpu.memory_space<hbm>> -> memref<256xf32, #tpu.memory_space<hbm>>
    %dma_wait3A_885 = arith.constant 0 : i32
    %dma_wait3A_886 = tpu.memref_slice %arg22[%dma_wait3A_873, %dma_wait3A_885] : memref<2x256xf32, #tpu.memory_space<vmem>> -> memref<1x256xf32, #tpu.memory_space<vmem>>
    %dma_wait3A_887 = tpu.memref_squeeze %dma_wait3A_886 : memref<1x256xf32, #tpu.memory_space<vmem>> -> memref<256xf32, #tpu.memory_space<vmem>>
    tpu.wait_dma2 semaphore(%arg27 : memref<!tpu.dma_semaphore, #tpu.memory_space<semaphore_mem>>) src(%dma_wait3A_887 : memref<256xf32, #tpu.memory_space<vmem>>) dst(%dma_wait3A_884 : memref<256xf32, #tpu.memory_space<hbm>>)
    %eq3A_888 = arith.constant 0 : i32
    %eq3A_889 = arith.cmpi eq, %add3A, %eq3A_888 : i32
    %convert_element_type3A_890 = arith.extui %eq3A_889 : i1 to i32
    %cond3A_891 = arith.constant 0 : i32
    %cond3A_892 = arith.cmpi ne, %convert_element_type3A_890, %cond3A_891 : i32
    scf.if %cond3A_892 {
      %broadcast_in_dim3A_904 = arith.constant 2.000000e-01 : f32
      %broadcast_in_dim3A_905 = vector.broadcast %broadcast_in_dim3A_904 : f32 to vector<16xf32>
      %swap3A_906 = arith.constant 0 : i32
      %swap3A_907 = arith.index_cast %swap3A_906 : i32 to index
      %swap3A_908 = arith.constant 0 : index
      %swap3A_909 = tpu.vector_load %arg25[%swap3A_907, %swap3A_908] {strides = array<i32>} : memref<5x16xf32, #tpu.memory_space<vmem>>, vector<1x16xf32>,
      %swap3A_910 = vector.shape_cast %swap3A_909 : vector<1x16xf32> to vector<16xf32>
      %swap3A_911 = vector.shape_cast %broadcast_in_dim3A_905 : vector<16xf32> to vector<1x16xf32>
      tpu.vector_store %arg25[%swap3A_907, %swap3A_908], %swap3A_911 {strides = array<i32>} : memref<5x16xf32, #tpu.memory_space<vmem>>, vector<1x16xf32>,
      %swap3A_912 = arith.constant 1 : i32
      %swap3A_913 = arith.index_cast %swap3A_912 : i32 to index
      %swap3A_914 = arith.constant 0 : index
      %swap3A_915 = tpu.vector_load %arg25[%swap3A_913, %swap3A_914] {strides = array<i32>} : memref<5x16xf32, #tpu.memory_space<vmem>>, vector<1x16xf32>,
      %swap3A_916 = vector.shape_cast %swap3A_915 : vector<1x16xf32> to vector<16xf32>
      %swap3A_917 = vector.shape_cast %broadcast_in_dim3A_905 : vector<16xf32> to vector<1x16xf32>
      tpu.vector_store %arg25[%swap3A_913, %swap3A_914], %swap3A_917 {strides = array<i32>} : memref<5x16xf32, #tpu.memory_space<vmem>>, vector<1x16xf32>,
      %swap3A_918 = arith.constant 2 : i32
      %swap3A_919 = arith.index_cast %swap3A_918 : i32 to index
      %swap3A_920 = arith.constant 0 : index
      %swap3A_921 = tpu.vector_load %arg25[%swap3A_919, %swap3A_920] {strides = array<i32>} : memref<5x16xf32, #tpu.memory_space<vmem>>, vector<1x16xf32>,
      %swap3A_922 = vector.shape_cast %swap3A_921 : vector<1x16xf32> to vector<16xf32>
      %swap3A_923 = vector.shape_cast %broadcast_in_dim3A_905 : vector<16xf32> to vector<1x16xf32>
      tpu.vector_store %arg25[%swap3A_919, %swap3A_920], %swap3A_923 {strides = array<i32>} : memref<5x16xf32, #tpu.memory_space<vmem>>, vector<1x16xf32>,
      %swap3A_924 = arith.constant 3 : i32
      %swap3A_925 = arith.index_cast %swap3A_924 : i32 to index
      %swap3A_926 = arith.constant 0 : index
      %swap3A_927 = tpu.vector_load %arg25[%swap3A_925, %swap3A_926] {strides = array<i32>} : memref<5x16xf32, #tpu.memory_space<vmem>>, vector<1x16xf32>,
      %swap3A_928 = vector.shape_cast %swap3A_927 : vector<1x16xf32> to vector<16xf32>
      %swap3A_929 = vector.shape_cast %broadcast_in_dim3A_905 : vector<16xf32> to vector<1x16xf32>
      tpu.vector_store %arg25[%swap3A_925, %swap3A_926], %swap3A_929 {strides = array<i32>} : memref<5x16xf32, #tpu.memory_space<vmem>>, vector<1x16xf32>,
      %swap3A_930 = arith.constant 4 : i32
      %swap3A_931 = arith.index_cast %swap3A_930 : i32 to index
      %swap3A_932 = arith.constant 0 : index
      %swap3A_933 = tpu.vector_load %arg25[%swap3A_931, %swap3A_932] {strides = array<i32>} : memref<5x16xf32, #tpu.memory_space<vmem>>, vector<1x16xf32>,
      %swap3A_934 = vector.shape_cast %swap3A_933 : vector<1x16xf32> to vector<16xf32>
      %swap3A_935 = vector.shape_cast %broadcast_in_dim3A_905 : vector<16xf32> to vector<1x16xf32>
      tpu.vector_store %arg25[%swap3A_931, %swap3A_932], %swap3A_935 {strides = array<i32>} : memref<5x16xf32, #tpu.memory_space<vmem>>, vector<1x16xf32>,
      "tpu.region"() ({
        %run_scoped3A = tpu.sem_alloc : memref<!tpu.dma_semaphore, #tpu.memory_space<semaphore_mem>>
        tpu.enqueue_dma source(%arg25 : memref<5x16xf32, #tpu.memory_space<vmem>>) target(%arg12 : memref<5x16xf32, #tpu.memory_space<hbm>>) target_semaphore(%run_scoped3A : memref<!tpu.dma_semaphore, #tpu.memory_space<semaphore_mem>>)
        tpu.wait_dma2 semaphore(%run_scoped3A : memref<!tpu.dma_semaphore, #tpu.memory_space<semaphore_mem>>) src(%arg25 : memref<5x16xf32, #tpu.memory_space<vmem>>) dst(%arg12 : memref<5x16xf32, #tpu.memory_space<hbm>>)
        tpu.yield
      }) : () -> ()
    } else {
    }
    %dma_wait3A_893 = arith.constant 0 : i32
    %dma_wait3A_894 = tpu.memref_slice %arg6[%select_n3A, %mul3A_22, %dma_wait3A_893] : memref<16x128x128xf32, #tpu.memory_space<hbm>> -> memref<1x64x128xf32, #tpu.memory_space<hbm>>
    %dma_wait3A_895 = tpu.memref_squeeze %dma_wait3A_894 : memref<1x64x128xf32, #tpu.memory_space<hbm>> -> memref<64x128xf32, #tpu.memory_space<hbm>>
    %dma_wait3A_896 = arith.constant 0 : i32
    %dma_wait3A_897 = tpu.memref_slice %arg6[%select_n3A, %mul3A_22, %dma_wait3A_896] : memref<16x128x128xf32, #tpu.memory_space<hbm>> -> memref<1x64x128xf32, #tpu.memory_space<hbm>>
    %dma_wait3A_898 = tpu.memref_squeeze %dma_wait3A_897 : memref<1x64x128xf32, #tpu.memory_space<hbm>> -> memref<64x128xf32, #tpu.memory_space<hbm>>
    tpu.wait_dma2 semaphore(%arg29 : memref<!tpu.dma_semaphore, #tpu.memory_space<semaphore_mem>>) src(%dma_wait3A_898 : memref<64x128xf32, #tpu.memory_space<hbm>>) dst(%arg23 : memref<64x128xf32, #tpu.memory_space<vmem>>)
    "tpu.region"() ({
      %run_scoped3A = tpu.sem_alloc : memref<!tpu.dma_semaphore, #tpu.memory_space<semaphore_mem>>
      %dma_start3A_904 = arith.constant 0 : i32
      %dma_start3A_905 = tpu.memref_slice %arg10[%select_n3A, %mul3A_22, %dma_start3A_904] : memref<16x128x128xf32, #tpu.memory_space<hbm>> -> memref<1x64x128xf32, #tpu.memory_space<hbm>>
      %dma_start3A_906 = tpu.memref_squeeze %dma_start3A_905 : memref<1x64x128xf32, #tpu.memory_space<hbm>> -> memref<64x128xf32, #tpu.memory_space<hbm>>
      %dma_start3A_907 = arith.constant 0 : i32
      %dma_start3A_908 = tpu.memref_slice %arg10[%select_n3A, %mul3A_22, %dma_start3A_907] : memref<16x128x128xf32, #tpu.memory_space<hbm>> -> memref<1x64x128xf32, #tpu.memory_space<hbm>>
      %dma_start3A_909 = tpu.memref_squeeze %dma_start3A_908 : memref<1x64x128xf32, #tpu.memory_space<hbm>> -> memref<64x128xf32, #tpu.memory_space<hbm>>
      tpu.enqueue_dma source(%arg23 : memref<64x128xf32, #tpu.memory_space<vmem>>) target(%dma_start3A_909 : memref<64x128xf32, #tpu.memory_space<hbm>>) target_semaphore(%run_scoped3A : memref<!tpu.dma_semaphore, #tpu.memory_space<semaphore_mem>>)
      %dma_wait3A_910 = arith.constant 0 : i32
      %dma_wait3A_911 = tpu.memref_slice %arg10[%select_n3A, %mul3A_22, %dma_wait3A_910] : memref<16x128x128xf32, #tpu.memory_space<hbm>> -> memref<1x64x128xf32, #tpu.memory_space<hbm>>
      %dma_wait3A_912 = tpu.memref_squeeze %dma_wait3A_911 : memref<1x64x128xf32, #tpu.memory_space<hbm>> -> memref<64x128xf32, #tpu.memory_space<hbm>>
      %dma_wait3A_913 = arith.constant 0 : i32
      %dma_wait3A_914 = tpu.memref_slice %arg10[%select_n3A, %mul3A_22, %dma_wait3A_913] : memref<16x128x128xf32, #tpu.memory_space<hbm>> -> memref<1x64x128xf32, #tpu.memory_space<hbm>>
      %dma_wait3A_915 = tpu.memref_squeeze %dma_wait3A_914 : memref<1x64x128xf32, #tpu.memory_space<hbm>> -> memref<64x128xf32, #tpu.memory_space<hbm>>
      tpu.wait_dma2 semaphore(%run_scoped3A : memref<!tpu.dma_semaphore, #tpu.memory_space<semaphore_mem>>) src(%arg23 : memref<64x128xf32, #tpu.memory_space<vmem>>) dst(%dma_wait3A_915 : memref<64x128xf32, #tpu.memory_space<hbm>>)
      tpu.yield
    }) : () -> ()
    %lt3A_899 = arith.constant 2 : i32
    %lt3A_900 = arith.cmpi slt, %add3A, %lt3A_899 : i32
    %convert_element_type3A_901 = arith.extui %lt3A_900 : i1 to i32
    %cond3A_902 = arith.constant 0 : i32
    %cond3A_903 = arith.cmpi ne, %convert_element_type3A_901, %cond3A_902 : i32
    scf.if %cond3A_903 {
      %mul3A_904 = arith.constant 8 : i32
      %mul3A_905 = arith.muli %add3A, %mul3A_904 : i32
      %dma_wait3A_906 = arith.constant 0 : i32
      %dma_wait3A_907 = tpu.memref_slice %arg7[%mul3A_905, %dma_wait3A_906] : memref<16x128xf32, #tpu.memory_space<hbm>> -> memref<8x128xf32, #tpu.memory_space<hbm>>
      %dma_wait3A_908 = arith.constant 0 : i32
      %dma_wait3A_909 = tpu.memref_slice %arg7[%mul3A_905, %dma_wait3A_908] : memref<16x128xf32, #tpu.memory_space<hbm>> -> memref<8x128xf32, #tpu.memory_space<hbm>>
      tpu.wait_dma2 semaphore(%arg29 : memref<!tpu.dma_semaphore, #tpu.memory_space<semaphore_mem>>) src(%dma_wait3A_909 : memref<8x128xf32, #tpu.memory_space<hbm>>) dst(%arg24 : memref<8x128xf32, #tpu.memory_space<vmem>>)
      %mul3A_910 = arith.constant 8 : i32
      %mul3A_911 = arith.muli %add3A, %mul3A_910 : i32
      "tpu.region"() ({
        %run_scoped3A = tpu.sem_alloc : memref<!tpu.dma_semaphore, #tpu.memory_space<semaphore_mem>>
        %dma_start3A_912 = arith.constant 0 : i32
        %dma_start3A_913 = tpu.memref_slice %arg11[%mul3A_911, %dma_start3A_912] : memref<16x128xf32, #tpu.memory_space<hbm>> -> memref<8x128xf32, #tpu.memory_space<hbm>>
        %dma_start3A_914 = arith.constant 0 : i32
        %dma_start3A_915 = tpu.memref_slice %arg11[%mul3A_911, %dma_start3A_914] : memref<16x128xf32, #tpu.memory_space<hbm>> -> memref<8x128xf32, #tpu.memory_space<hbm>>
        tpu.enqueue_dma source(%arg24 : memref<8x128xf32, #tpu.memory_space<vmem>>) target(%dma_start3A_915 : memref<8x128xf32, #tpu.memory_space<hbm>>) target_semaphore(%run_scoped3A : memref<!tpu.dma_semaphore, #tpu.memory_space<semaphore_mem>>)
        %dma_wait3A_916 = arith.constant 0 : i32
        %dma_wait3A_917 = tpu.memref_slice %arg11[%mul3A_911, %dma_wait3A_916] : memref<16x128xf32, #tpu.memory_space<hbm>> -> memref<8x128xf32, #tpu.memory_space<hbm>>
        %dma_wait3A_918 = arith.constant 0 : i32
        %dma_wait3A_919 = tpu.memref_slice %arg11[%mul3A_911, %dma_wait3A_918] : memref<16x128xf32, #tpu.memory_space<hbm>> -> memref<8x128xf32, #tpu.memory_space<hbm>>
        tpu.wait_dma2 semaphore(%run_scoped3A : memref<!tpu.dma_semaphore, #tpu.memory_space<semaphore_mem>>) src(%arg24 : memref<8x128xf32, #tpu.memory_space<vmem>>) dst(%dma_wait3A_919 : memref<8x128xf32, #tpu.memory_space<hbm>>)
        tpu.yield
      }) : () -> ()
    } else {
    }
    return
  }
}

</mosaic_0001>

<sc_bundles>
// kernel: kernel.3.cloned.1.call-start
scs
__scs_entry_jumppad:
0x0: {  	(pc) =	sbr.rel $0x88, $3  }
0x1: {  	(tag) =	ssettag $0x0;
	lr =	simm.s32 $0x1  }
0x2: {  	[smem:$0x3F9B] =	sst lr;
	_ =	strace $0xD0000000  }
0x3: {  	_ = 	snop  }
0x4: {  	_ = 	snop  }
0x5: {  	_ = 	snop  }
0x6: {  	_ = 	snop  }
0x7: {  	_ = 	snop  }
__scs_overlays_trampoline_lowered:
0x8: {  	[smem:$0x3FAA] =	sst s0  }
0x9: {  	[smem:$0x3FAB] =	sst s1  }
0xa: {  	[smem:$0x3FAC] =	sst s2  }
0xb: {  	[smem:$0x3FAD] =	sst s3  }
0xc: {  	[smem:$0x3FAE] =	sst s4  }
0xd: {  	[smem:$0x3FAF] =	sst s5  }
0xe: {  	[smem:$0x3FB0] =	sst s6  }
0xf: {  	[smem:$0x3FB1] =	sst s7  }
0x10: {  	[smem:$0x3FB2] =	sst s8  }
0x11: {  	[smem:$0x3FB3] =	sst s9;
	s0 =	simm.s32 @!p0 $0x0  }
0x12: {  	s1 =	sld [smem:$0x3F99];
	s0 =	simm.s32 @p0 $0x1  }
0x13: {  	[smem:$0x3FB4] =	sst s0;
	s0 =	simm.s32 @!p1 $0x0  }
0x14: {  	s2 =	sld [smem:$0x3F98];
	s0 =	simm.s32 @p1 $0x1  }
0x15: {  	[smem:$0x3FB5] =	sst s0;
	s0 =	simm.s32 @!p2 $0x0  }
0x16: {  	s3 =	sld [smem:$0x3FDB];
	s0 =	simm.s32 @p2 $0x1  }
0x17: {  	s4 =	simm.s32 $0x1BF5;
	[smem:$0x3FB7] =	sst s0  }
0x18: {  	s0 =	sld [smem:$0x3F9A];
	_ =	swait.ge [sflag:s4], $0x0  }
0x19: {  	s7 =	sld [smem:$0x3F9B]  }
0x1a: {  	s8 =	sadd.s32 $0xFFFFE003, lr  }
0x1b: {  	s9 =	sadd.s32 $0xFFFFFEF7, lr;
	s5 =	simm.s32 $0xFFFFFFFF;
	p2 =	slt.u32 s8, $0xFFFFF086  }
0x1c: {  	p1 =	slt.u32 s9, $0xF7A;
	s5 =	simm.s32 @!p2 $0x0  }
0x1d: {  	s5 =	simm.s32 @p1 $0x1;
	p0 =	seq.s32 s7, s2  }
0x1e: {  	s7 =	smul.u32 @!p0 $0xF7A, s2;
	p2 =	seq.s32 @!p0 s5, $0x0  }
0x1f: {  	s9 =	smul.u32 $0xF7A, s1;
	s8 =	simm.s32 @!p0 $0x1BF5;
	p2 =	por !p2, p0  }
0x20: {  	[sflag:s8] =	ssyncset.s32 @!p0 $0xFFFFF086;
	s6 =	sadd.s32 @!p0 s3, s7;
	s7 =	simm.s32 @!p0 $0x108  }
0x21: {  	s3 =	sadd.s32 s3, s9;
	s6 =	sadd.s32 @!p0 $0x88, s6;
	s7 =	simm.s32 @p2 $0x1082  }
0x22: {  	[simem:s7], [sflag:s8] =	dma.local @!p0 [hbm:s6], $0xF7A  }
0x23: {  	s9 =	sor.u32 $0xD0000000, s2;
	s6 =	simm.s32 $0x108;
	_ =	swait.ge @!p0 [sflag:s8], $0x0  }
0x24: {  	s3 =	sadd.s32 $0x88, s3;
	s6 =	simm.s32 @!p1 $0x1082;
	[sflag:s4] =	ssyncset.s32 $0xFFFFF086  }
0x25: {  	[simem:s6], [sflag:s4] =	dma.local [hbm:s3], $0xF7A  }
0x26: {  	[smem:$0x3F9B] =	sst s1;
	(tag) =	ssettag s2;
	_ =	strace s9  }
0x27: {  	s1 =	sld [smem:$0x3FAB]  }
0x28: {  	s2 =	sld [smem:$0x3FAC]  }
0x29: {  	s4 =	sld [smem:$0x3FAE]  }
0x2a: {  	p0 =	seq.s32 s5, $0x0;
	s5 =	sld [smem:$0x3FAF]  }
0x2b: {  	s6 =	sld [smem:$0x3FB0]  }
0x2c: {  	s7 =	sld [smem:$0x3FB1]  }
0x2d: {  	s3 =	simm.s32 $0x108;
	s8 =	sld [smem:$0x3FB2]  }
0x2e: {  	s3 =	simm.s32 @!p0 $0x1082;
	s9 =	sld [smem:$0x3FB3]  }
0x2f: {  	lr =	sadd.s32 s0, s3;
	s0 =	sld [smem:$0x3FAA]  }
0x30: {  	s3 =	sld [smem:$0x3FAD]  }
0x31: {  	[smem:$0x3FB6] =	sst s10  }
0x32: {  	s10 =	sld [smem:$0x3FB4];
	_ =	sdelay $0x3  }
0x33: {  	p0 =	seq.s32 s10, $0x1;
	s10 =	sld [smem:$0x3FB6];
	_ =	sdelay $0x3  }
0x34: {  	[smem:$0x3FB6] =	sst s10  }
0x35: {  	s10 =	sld [smem:$0x3FB5];
	_ =	sdelay $0x3  }
0x36: {  	p1 =	seq.s32 s10, $0x1;
	s10 =	sld [smem:$0x3FB6];
	_ =	sdelay $0x3  }
0x37: {  	[smem:$0x3FB6] =	sst s10  }
0x38: {  	s10 =	sld [smem:$0x3FB7]  }
0x39: {  	_ = 	snop;
	(pc) =	sbr.ind lr, $3  }
0x3a: {  	_ = 	snop  }
0x3b: {  	_ = 	snop  }
0x3c: {  	p2 =	seq.s32 s10, $0x1;
	s10 =	sld [smem:$0x3FB6]  }
0x3d: {  	_ =	shalt  }
0x3e: {  	_ =	shalt  }
0x3f: {  	_ =	shalt  }
0x40: {  	_ =	shalt  }
0x41: {  	_ =	shalt  }
0x42: {  	_ =	shalt  }
0x43: {  	_ =	shalt  }
0x44: {  	_ =	shalt  }
0x45: {  	_ =	shalt  }
0x46: {  	_ =	shalt  }
0x47: {  	_ =	shalt  }
0x48: {  	_ =	shalt  }
0x49: {  	_ =	shalt  }
0x4a: {  	_ =	shalt  }
0x4b: {  	_ =	shalt  }
0x4c: {  	_ =	shalt  }
0x4d: {  	_ =	shalt  }
0x4e: {  	_ =	shalt  }
0x4f: {  	_ =	shalt  }
0x50: {  	_ =	shalt  }
0x51: {  	_ =	shalt  }
0x52: {  	_ =	shalt  }
0x53: {  	_ =	shalt  }
0x54: {  	_ =	shalt  }
0x55: {  	_ =	shalt  }
0x56: {  	_ =	shalt  }
0x57: {  	_ =	shalt  }
0x58: {  	_ =	shalt  }
0x59: {  	_ =	shalt  }
0x5a: {  	_ =	shalt  }
0x5b: {  	_ =	shalt  }
0x5c: {  	_ =	shalt  }
0x5d: {  	_ =	shalt  }
0x5e: {  	_ =	shalt  }
0x5f: {  	_ =	shalt  }
0x60: {  	_ =	shalt  }
0x61: {  	_ =	shalt  }
0x62: {  	_ =	shalt  }
0x63: {  	_ =	shalt  }
0x64: {  	_ =	shalt  }
0x65: {  	_ =	shalt  }
0x66: {  	_ =	shalt  }
0x67: {  	_ =	shalt  }
0x68: {  	_ =	shalt  }
0x69: {  	_ =	shalt  }
0x6a: {  	_ =	shalt  }
0x6b: {  	_ =	shalt  }
0x6c: {  	_ =	shalt  }
0x6d: {  	_ =	shalt  }
0x6e: {  	_ =	shalt  }
0x6f: {  	_ =	shalt  }
0x70: {  	_ =	shalt  }
0x71: {  	_ =	shalt  }
0x72: {  	_ =	shalt  }
0x73: {  	_ =	shalt  }
0x74: {  	_ =	shalt  }
0x75: {  	_ =	shalt  }
0x76: {  	_ =	shalt  }
0x77: {  	_ =	shalt  }
0x78: {  	_ =	shalt  }
0x79: {  	_ =	shalt  }
0x7a: {  	_ =	shalt  }
0x7b: {  	_ =	shalt  }
0x7c: {  	_ =	shalt  }
0x7d: {  	_ =	shalt  }
0x7e: {  	_ =	shalt  }
0x7f: {  	_ =	shalt  }
0x80: {  	_ =	shalt  }
0x81: {  	_ =	shalt  }
0x82: {  	_ =	shalt  }
0x83: {  	_ =	shalt  }
0x84: {  	_ =	shalt  }
0x85: {  	_ =	shalt  }
0x86: {  	_ =	shalt  }
0x87: {  	_ =	shalt  }
.Lfunc_end0:
.L_simem_size_0:
called_computation_lowered:
.L_overlay_start_0:
0x88: {  	s2 =	sld [smem:$0x3FD9]  }
0x89: {  	s3 =	sld [smem:$0x3FFE];
	_ =	sdelay $0x1  }
0x8a: {  	s1 =	srdreg.scid  }
0x8b: {  	s0 =	sand.u32 $0x1, s1  }
0x8c: {  	s30 =	sshll.u32 s0, $0xA;
	s2 =	sadd.s32 s3, s2  }
0x8d: {  	s2 =	sadd.s32 s2, s30  }
0x8e: {  	[smem:$0x3FC2] =	sst s2  }
0x8f: {  	_ = 	snop  }
0x90: {  	s2 =	sld [smem:$0x3FC9]  }
0x91: {  	s31 =	sld [smem:$0x3FC8]  }
0x92: {  	s4 =	sld [smem:$0x3FC7]  }
0x93: {  	s5 =	sld [smem:$0x3FD0]  }
0x94: {  	s6 =	sld [smem:$0x3FC6]  }
0x95: {  	s7 =	sld [smem:$0x3FC5]  }
0x96: {  	s9 =	simm.s32 $0xA;
	s10 =	simm.s32 $0x10;
	s8 =	sld [smem:$0x3FC4]  }
0x97: {  	[smem:s10], [sflag:s9] =	dma.local [hbm:s5], $0x1  }
0x98: {  	_ =	swait.eq [sflag:s9], $0x1  }
0x99: {  	s10 =	sld [smem:$0x10]  }
0x9a: {  	s18 =	sld [smem:$0x11]  }
0x9b: {  	s11 =	sld [smem:$0x12];
	[sflag:s9] =	ssyncset.done $0x0  }
0x9c: {  	s12 =	sld [smem:$0x13];
	[sflag:s9] =	ssyncadd.s32 $0xFFFFFFFF  }
0x9d: {  	s19 =	sld [smem:$0x14];
	(tm) =	ssettm $0x1  }
0x9e: {  	s13 =	sld [smem:$0x3FFB];
	_ =	sdelay $0x3  }
0x9f: {  	_ =	strace s13  }
0xa0: {  	s13 =	sld [smem:$0x3FFC];
	_ =	sdelay $0x3  }
0xa1: {  	_ =	strace s13  }
0xa2: {  	s13 =	sld [smem:$0x3FFD];
	_ =	sdelay $0x3  }
0xa3: {  	_ =	strace s13  }
0xa4: {  	_ =	strace $0x8FFFFFFF  }
0xa5: {  	s20 =	sld [smem:$0x3FDB];
	_ =	sdelay $0x1  }
0xa6: {  	s14 =	simm.s32 $_scs_section_size  }
0xa7: {  	s15 =	simm.s32 $_size__tile_overlayer_lowered;
	s16 =	simm.s32 $_tile_overlayer_lowered  }
0xa8: {  	s23 =	simm.s32 $0x1BFF;
	s22 =	sshll.u32 s16, $0x1;
	s13 =	sadd.s32 s14, s20  }
0xa9: {  	s17 =	simm.s32 $0x0;
	s21 =	sshll.u32 s15, $0x1;
	s15 =	sadd.s32 s22, s13  }
0xaa: {  	[timem:s17], [sflag:s23] =	dma.local [hbm:s15], s21  }
0xab: {  	_ =	swait.ge [sflag:s23], s21  }
0xac: {  	s14 =	ssub.s32 $0x0, s21;
	[sflag:s23] =	ssyncset.done $0x0  }
0xad: {  	[sflag:s23] =	ssyncadd.s32 s14;
	_ =	sdelay $0x1  }
0xae: {  	s24 =	simm.s32 $0x1B8B  }
0xaf: {  	_ =	swait.ge [sflag:s24], $0x1  }
0xb0: {  	[sflag:s24] =	ssyncset.done $0x0  }
0xb1: {  	s25 =	simm.s32 $0x1B8E;
	[sflag:s24] =	ssyncadd.s32 $0xFFFFFFFF  }
0xb2: {  	s26 =	simm.s32 $execute0_lowered;
	[smem:$0x3FD2] =	sst s25  }
0xb3: {  	s14 =	sshll.u32 s26, $0x1;
	_ =	strace $0x80000046;
	[dreg:$0x1] =	wrdreg $0xFFFFFFFF  }
0xb4: {  	s28 =	simm.s32 $_size_execute0_lowered;
	s13 =	sadd.s32 s13, s14;
	[dreg:$0x0] =	wrdreg $0x0  }
0xb5: {  	s14 =	sshll.u32 s28, $0x1;
	[dreg:$0x2] =	wrdreg s13  }
0xb6: {  	[dreg:$0x3] =	wrdreg s14  }
0xb7: {  	[dreg:$0x4] =	wrdreg $0xC0  }
0xb8: {  	_ =	task [dreg:s17], $0x5FFFF  }
0xb9: {  	[dreg:$0x1] =	wrdreg $0xFFFFFFFF  }
0xba: {  	[dreg:$0x0] =	wrdreg $0x60  }
0xbb: {  	[dreg:$0x2] =	wrdreg s4  }
0xbc: {  	[dreg:$0x3] =	wrdreg s6  }
0xbd: {  	[dreg:$0x4] =	wrdreg s7  }
0xbe: {  	[dreg:$0x5] =	wrdreg s8  }
0xbf: {  	[dreg:$0x6] =	wrdreg s2  }
0xc0: {  	[dreg:$0x7] =	wrdreg s31  }
0xc1: {  	[dreg:$0x8] =	wrdreg s11  }
0xc2: {  	[dreg:$0x9] =	wrdreg s12  }
0xc3: {  	[dreg:$0xa] =	wrdreg s10  }
0xc4: {  	[dreg:$0xb] =	wrdreg s18  }
0xc5: {  	[dreg:$0xc] =	wrdreg s19  }
0xc6: {  	[dreg:$0xd] =	wrdreg $0x9  }
0xc7: {  	_ =	task.clear_ibuf [dreg:s17], $0xEFFFF;
	_ =	strace $0x90000046  }
0xc8: {  	s29 =	simm.s32 $0x9;
	_ =	strace $0x80000048  }
0xc9: {  	_ =	swait.ge [sflag:s29], $0x1  }
0xca: {  	[sflag:s29] =	ssyncadd.s32 $0xFFFFFFFF  }
0xcb: {  	_ =	strace $0x90000048  }
0xcc: {  	_ =	sfence  }
0xcd: {  	s30 =	sld [smem:$0x0];
	_ =	sdelay $0x2  }
0xce: {  	s31 =	sshll.u32 s1, $0xD;
	s1 =	sshrl.u32 s1, $0x2  }
0xcf: {  	s3 =	sand.u32 $0x4000, s31;
	s1 =	sadd.s32 s1, s30  }
0xd0: {  	s0 =	sor.u32 s3, s0;
	s1 =	sshll.u32 s1, $0x11  }
0xd1: {  	s0 =	sor.u32 s1, s0  }
0xd2: {  	s0 =	sadd.s32 $0x8F2B, s0  }
0xd3: {  	[sflag:s0] =	ssyncadd.remote.s32 $0x1  }
0xd4: {  	_ =	sfence.sel $0xFFFF  }
0xd5: {  	[dreg:$0x0] =	wrdreg $0xFFFFFFFF;
	(pc) =	sbr.abs _section_cstart, $3  }
0xd6: {  	[dreg:$0x1] =	wrdreg $0xFFFFFFFF  }
0xd7: {  	_ =	task.clear_ibuf [dreg:s17], $0x2FFFF;
	_ =	strace $0x9FFFFFFF  }
0xd8: {  	(tm) =	ssettm $0x7FFFFFFF  }
0xd9: {  	_ =	shalt  }
tec
execute0_lowered:
.L_overlay_start_1:
0x0: {  	(tag) =	ssettag $0x1  }
0x1: {  	s0 =	rddreg [dreg:$0x0]  }
0x2: {  	s1 =	rddreg [dreg:$0x4]  }
0x3: {  	s2 =	rddreg [dreg:$0x5]  }
0x4: {  	s5 =	rddreg [dreg:$0x6]  }
0x5: {  	s6 =	rddreg [dreg:$0x7]  }
0x6: {  	s3 =	rddreg [dreg:$0x8]  }
0x7: {  	s4 =	rddreg [dreg:$0x9]  }
0x8: {  	s7 =	srdreg.scid;
	s10 =	stileid.u32  }
0x9: {  	s8 =	simm.s32 $0x0;
	s28 =	simm.s32 $0x13C00;
	s7 =	sand.u32 $0x1, s7  }
0xa: {  	s9 =	sshll.u32 s10, $0x1;
	[smem:$0x7FF] =	sst s8;
	p0 =	sne.s32 s10, $0x0  }
0xb: {  	p1 =	slt.u32 s10, $0x8;
	s9 =	sor.u32 s7, s9;
	_ =	strace $0x80000047  }
0xc: {  	s15 =	ssub.s32 $0x2, s7;
	s7 =	sshll.u32 s7, $0x7;
	s11 =	smul.u32 $0x34, s9  }
0xd: {  	s12 =	sor.u32 $0x20, s9;
	s13 =	smin.u32 s9, $0xF;
	s16 =	sshrl.u32 s15, $0x1  }
0xe: {  	s31 =	sshll.u32 s9, $0xA;
	s20 =	sadd.s32 s2, s7;
	s14 =	smul.u32 $0x34, s12  }
0xf: {  	s13 =	sor.u32 $0x40, s13;
	s1 =	sadd.s32 s1, s31;
	[dreg:$0x10] =	wrdreg s20  }
0x10: {  	s17 =	sshrl.u32 s11, $0x8;
	s25 =	smul.u32 $0x67, s13;
	[dreg:$0xf] =	wrdreg s1  }
0x11: {  	p2 =	sne.s32 s9, $0x0;
	s19 =	sshrl.u32 s14, $0x8;
	[dreg:$0xc] =	wrdreg s17  }
0x12: {  	s26 =	smul.u32 $0x7FFFFB, s17;
	s29 =	sshrl.u32 s25, $0x9;
	[dreg:$0xd] =	wrdreg s19  }
0x13: {  	s18 =	ssub.s32 s15, s16;
	s30 =	smul.u32 $0x7FFFFB, s19;
	[dreg:$0xe] =	wrdreg s29  }
0x14: {  	s15 =	smul.u32 $0x7FFFFB, s29;
	s21 =	sadd.s32 s9, s26;
	s26 =	ssub.s32 $0x4F, s9  }
0x15: {  	s29 =	sadd.s32 s3, s31;
	s31 =	smax.u32 s18, $0x1;
	s3 =	simm.s32 $0x2  }
0x16: {  	s1 =	sshll.u32 s21, $0x9;
	s22 =	sadd.s32 s12, s30;
	[dreg:$0x11] =	wrdreg s29  }
0x17: {  	s30 =	sadd.s32 s4, s7;
	s20 =	sshrl.u32 s26, $0x5;
	[dreg:$0x13] =	wrdreg s31  }
0x18: {  	s12 =	simm.s32 $0x11E00;
	s4 =	simm.s32 $0x3;
	s7 =	simm.s32 $0x4  }
.Ltmp0:
0x19: {  	s23 =	sadd.s32 s13, s15;
	s15 =	sshra.s32 s1, $0x2;
	(pc) =	sbr.rel .LBB2_1-.Ltmp0, $4  }
0x1a: {  	s24 =	sshll.u32 s22, $0x9;
	[dreg:$0x12] =	wrdreg s30;
	s1 =	simm.s32 @!p1 $0x0  }
0x1b: {  	s25 =	sshll.u32 s23, $0x9;
	s16 =	sshra.s32 s24, $0x2;
	s23 =	simm.s32 $0x5  }
0x1c: {  	v0 =	vimm.f32 $0.0e+00;
	vm0 =	vcmask $0x300;
	s1 =	simm.s32 @p1 $0x1;
	s24 =	simm.s32 $0x0;
	s17 =	sshra.s32 s25, $0x2  }
0x1d: {  	vm1 =	vcmask $0x704;
	vm2 =	vcmask $0xB08;
	v1 =	vlaneseq.u32;
	[smem:$0x7FD] =	sst s1;
	s25 =	simm.s32 $0x1;
	s1 =	simm.s32 $0x11400  }
.LBB2_25:
0x1e: {  	_ =	swait.ge [sflag:s3], $0x800  }
0x1f: {  	[sflag:s3] =	ssyncset.done $0x0  }
0x20: {  	[sflag:s3] =	ssyncadd.s32 $0xFFFFF800  }
0x21: {  	_ =	swait.ge [sflag:s3], $0x800  }
0x22: {  	[sflag:s3] =	ssyncset.done $0x0  }
0x23: {  	[sflag:s3] =	ssyncadd.s32 $0xFFFFF800  }
0x24: {  	_ =	swait.ge [sflag:s3], $0x800  }
0x25: {  	[sflag:s3] =	ssyncset.done $0x0  }
0x26: {  	[sflag:s3] =	ssyncadd.s32 $0xFFFFF800  }
0x27: {  	_ =	swait.ge [sflag:s3], $0x800  }
0x28: {  	[sflag:s3] =	ssyncset.done $0x0  }
0x29: {  	[sflag:s3] =	ssyncadd.s32 $0xFFFFF800  }
0x2a: {  	_ =	swait.ge [sflag:s3], $0x800  }
0x2b: {  	[sflag:s3] =	ssyncset.done $0x0  }
0x2c: {  	[sflag:s3] =	ssyncadd.s32 $0xFFFFF800  }
0x2d: {  	_ =	swait.ge [sflag:s3], $0x800  }
0x2e: {  	[sflag:s3] =	ssyncset.done $0x0  }
0x2f: {  	[sflag:s3] =	ssyncadd.s32 $0xFFFFF800  }
0x30: {  	_ =	swait.ge [sflag:s3], $0x800  }
0x31: {  	[sflag:s3] =	ssyncset.done $0x0  }
0x32: {  	[sflag:s3] =	ssyncadd.s32 $0xFFFFF800  }
0x33: {  	_ =	swait.ge [sflag:s3], $0x800  }
0x34: {  	[sflag:s3] =	ssyncset.done $0x0  }
0x35: {  	[sflag:s3] =	ssyncadd.s32 $0xFFFFF800  }
0x36: {  	_ =	swait.ge [sflag:s3], $0x800  }
0x37: {  	[sflag:s3] =	ssyncset.done $0x0  }
0x38: {  	[sflag:s3] =	ssyncadd.s32 $0xFFFFF800  }
0x39: {  	_ =	swait.ge [sflag:s3], $0x800  }
0x3a: {  	[sflag:s3] =	ssyncset.done $0x0  }
0x3b: {  	[sflag:s3] =	ssyncadd.s32 $0xFFFFF800  }
0x3c: {  	_ =	swait.ge [sflag:s3], $0x800  }
0x3d: {  	[sflag:s3] =	ssyncset.done $0x0  }
0x3e: {  	[sflag:s3] =	ssyncadd.s32 $0xFFFFF800  }
0x3f: {  	_ =	swait.ge [sflag:s3], $0x800  }
0x40: {  	[sflag:s3] =	ssyncset.done $0x0  }
0x41: {  	[sflag:s3] =	ssyncadd.s32 $0xFFFFF800  }
0x42: {  	_ =	swait.ge [sflag:s3], $0x800  }
0x43: {  	[sflag:s3] =	ssyncset.done $0x0  }
0x44: {  	[sflag:s3] =	ssyncadd.s32 $0xFFFFF800  }
0x45: {  	_ =	swait.ge [sflag:s3], $0x800  }
0x46: {  	[sflag:s3] =	ssyncset.done $0x0  }
0x47: {  	[sflag:s3] =	ssyncadd.s32 $0xFFFFF800  }
0x48: {  	_ =	swait.ge [sflag:s3], $0x800  }
0x49: {  	[sflag:s3] =	ssyncset.done $0x0  }
0x4a: {  	[sflag:s3] =	ssyncadd.s32 $0xFFFFF800  }
0x4b: {  	_ =	swait.ge [sflag:s3], $0x800  }
0x4c: {  	[sflag:s3] =	ssyncset.done $0x0  }
0x4d: {  	[sflag:s3] =	ssyncadd.s32 $0xFFFFF800  }
0x4e: {  	_ =	swait.ge [sflag:s3], $0x100  }
0x4f: {  	[sflag:s3] =	ssyncset.done $0x0  }
0x50: {  	v2 =	vimm.f32 @!p2 $2.000000030e-01;
	[sflag:s3] =	ssyncadd.s32 $0xFFFFFF00  }
0x51: {  	[tilespmem:$0x14200] =	vst @!p2 v2  }
0x52: {  	[tilespmem:$0x14280] =	vst @!p2 v2  }
0x53: {  	[tilespmem:$0x14300] =	vst @!p2 v2  }
0x54: {  	[tilespmem:$0x14380] =	vst @!p2 v2  }
0x55: {  	s2 =	simm.s32 @!p2 $0x0;
	s10 =	simm.s32 @!p2 $0x14200;
	[tilespmem:$0x14400] =	vst @!p2 v2;
	s11 =	rddreg [dreg:$0xa]  }
0x56: {  	[hbm4b:s11+s2] =	stream.linear.scatter @!p2 [tilespmem:s10], [sflag:$0x5], $0x280, $0x38;
	[tilespmem:$0x14600] =	vst v63  }
0x57: {  	s2 =	simm.s32 @!p2 $0x5  }
0x58: {  	_ =	swait.ge @!p2 [sflag:s2], $0x280  }
0x59: {  	[sflag:s2] =	ssyncset.done @!p2 $0x0  }
0x5a: {  	[sflag:s2] =	ssyncadd.s32 @!p2 $0xFFFFFD80  }
0x5b: {  	_ =	swait.ge [sflag:s7], $0x2000  }
0x5c: {  	[sflag:s7] =	ssyncset.done $0x0  }
0x5d: {  	s12 =	simm.s32 $0x11E00;
	s30 =	rddreg [dreg:$0x11];
	[sflag:s7] =	ssyncadd.s32 $0xFFFFE000  }
0x5e: {  	[hbm4b:s30+s8] =	stream.linear.scatter [tilespmem:s12], [sflag:$0x5], $0x2000, $0x38;
	[tilespmem:$0x14600] =	vst v63  }
0x5f: {  	_ =	swait.ge [sflag:s23], $0x2000  }
0x60: {  	[sflag:s23] =	ssyncset.done $0x0  }
0x61: {  	s2 =	simm.s32 @!p0 $0x4;
	[sflag:s23] =	ssyncadd.s32 $0xFFFFE000  }
0x62: {  	_ =	swait.ge @!p0 [sflag:s2], $0x400  }
0x63: {  	s10 =	simm.s32 @!p0 $0x13E00;
	[sflag:s2] =	ssyncset.done @!p0 $0x0  }
0x64: {  	s11 =	rddreg [dreg:$0x12];
	[sflag:s2] =	ssyncadd.s32 @!p0 $0xFFFFFC00;
	s2 =	simm.s32 @!p0 $0x0  }
0x65: {  	[hbm4b:s11+s2] =	stream.linear.scatter @!p0 [tilespmem:s10], [sflag:$0x5], $0x400, $0x38;
	[tilespmem:$0x14600] =	vst v63  }
0x66: {  	s2 =	simm.s32 @!p0 $0x5  }
0x67: {  	_ =	swait.ge @!p0 [sflag:s2], $0x400  }
0x68: {  	s24 =	sadd.s32 $0x1, s24;
	s31 =	rddreg [dreg:$0x13]  }
0x69: {  	p1 =	sne.s32 s24, s31  }
.Ltmp1:
0x6a: {  	_ = 	snop;
	(pc) =	sbr.rel @!p1 .LBB2_26-.Ltmp1, $3  }
0x6b: {  	_ =	sdelay $0x1  }
0x6c: {  	[sflag:s2] =	ssyncset.done @!p0 $0x0  }
0x6d: {  	[sflag:s2] =	ssyncadd.s32 @!p0 $0xFFFFFC00  }
.LBB2_1:
0x6e: {  	s2 =	rddreg [dreg:$0xf]  }
0x6f: {  	[tilespmem:s12], [sflag:$0x4] =	stream.linear.gather [hbm4b:s2+s8], $0x2000, $0x38;
	[tilespmem:$0x14600] =	vst v63  }
0x70: {  	s10 =	simm.s32 @!p0 $0x13E00;
	s11 =	rddreg [dreg:$0x10];
	s2 =	simm.s32 @!p0 $0x0  }
0x71: {  	[tilespmem:s10], [sflag:$0x4] =	stream.linear.gather @!p0 [hbm4b:s11+s2], $0x400, $0x38;
	[tilespmem:$0x14600] =	vst v63  }
0x72: {  	s12 =	rddreg [dreg:$0x1]  }
0x73: {  	[tilespmem:s8], [sflag:$0x5] =	stream.linear.gather [hbm4b:s12+s8], $0x10, $0x38;
	[tilespmem:$0x14600] =	vst v63  }
0x74: {  	_ =	swait.ge [sflag:s23], $0x10  }
0x75: {  	[sflag:s23] =	ssyncset.done $0x0  }
0x76: {  	s18 =	rddreg [dreg:$0xc];
	[sflag:s23] =	ssyncadd.s32 $0xFFFFFFF0  }
0x77: {  	s14 =	simm.s32 $0xE80;
	s13 =	rddreg [dreg:$0x3]  }
0x78: {  	[tilespmem:s14], [sflag:$0x3] =	stream.linear.gather [hbm4b:s13+s8], $0x3E8, $0x38;
	[tilespmem:$0x14600] =	vst v63  }
0x79: {  	v2 =	vld [tilespmem:s18+$0x0];
	_ =	sdelay $0x4  }
0x7a: {  	(v2sf) =	vpush v2, $0x0;
	_ =	sdelay $0xe  }
0x7b: {  	s21 =	spop (v2sf)  }
0x7c: {  	s18 =	sand.u32 $0x7F, s21  }
0x7d: {  	s19 =	sshra.s32 s21, $0x1F;
	p3 =	slt.s32 s21, $0x1;
	p4 =	sne.s32 s18, $0x0  }
0x7e: {  	s2 =	sshrl.u32 s19, $0x19;
	p3 =	por !p3, !p4  }
0x7f: {  	s10 =	simm.s32 $0x1;
	s2 =	sadd.s32 s2, s21;
	p3 =	por !p3, !p3  }
0x80: {  	s2 =	sshrl.u32 s2, $0x7;
	s10 =	simm.s32 @!p3 $0x0  }
0x81: {  	s2 =	ssub.s32 s2, s10  }
0x82: {  	s29 =	sshll.u32 s2, $0x7  }
0x83: {  	s26 =	rddreg [dreg:$0x2];
	s2 =	sand.u32 $0x1FFFFF80, s29  }
0x84: {  	s30 =	simm.s32 $0x400;
	s22 =	simm.s32 $0x80;
	s2 =	sadd.s32 s26, s2  }
0x85: {  	[tilespmem:s22], [sflag:$0x3] =	stream.strided.gather [hbm4b:s2+s30], $0x0, s28, s30, $0x38;
	[tilespmem:$0x14600] =	vst v63  }
0x86: {  	s31 =	rddreg [dreg:$0xd]  }
0x87: {  	[tilespmem:s22], [sflag:$0x3] =	stream.linear.gather [hbm4b:s2+s8], $0x280, $0x38;
	[tilespmem:$0x14600] =	vst v63  }
0x88: {  	v2 =	vld [tilespmem:s31+$0x0];
	_ =	sdelay $0x4  }
0x89: {  	(v2sf) =	vpush v2, $0x0;
	_ =	sdelay $0xe  }
0x8a: {  	s14 =	spop (v2sf)  }
0x8b: {  	s13 =	sand.u32 $0x7F, s14  }
0x8c: {  	s10 =	sshra.s32 s14, $0x1F;
	p6 =	slt.s32 s14, $0x1;
	p1 =	sne.s32 s13, $0x0  }
0x8d: {  	s2 =	sshrl.u32 s10, $0x19;
	p3 =	por !p6, !p1  }
0x8e: {  	s10 =	simm.s32 $0x1;
	s2 =	sadd.s32 s2, s14;
	p3 =	por !p3, !p3  }
0x8f: {  	s2 =	sshrl.u32 s2, $0x7;
	s10 =	simm.s32 @!p3 $0x0  }
0x90: {  	s2 =	ssub.s32 s2, s10  }
0x91: {  	s22 =	sshll.u32 s2, $0x7  }
0x92: {  	s2 =	sand.u32 $0x1FFFFF80, s22  }
0x93: {  	s11 =	simm.s32 $0x480;
	s2 =	sadd.s32 s26, s2  }
0x94: {  	[tilespmem:s11], [sflag:$0x3] =	stream.strided.gather [hbm4b:s2+s30], $0x0, s28, s30, $0x38;
	[tilespmem:$0x14600] =	vst v63  }
0x95: {  	s12 =	rddreg [dreg:$0xe]  }
0x96: {  	[tilespmem:s11], [sflag:$0x3] =	stream.linear.gather [hbm4b:s2+s8], $0x280, $0x38;
	[tilespmem:$0x14600] =	vst v63  }
0x97: {  	v2 =	vld [tilespmem:s12+$0x0];
	_ =	sdelay $0x4  }
0x98: {  	(v2sf) =	vpush v2, $0x0;
	_ =	sdelay $0xe  }
0x99: {  	s11 =	spop (v2sf)  }
0x9a: {  	s10 =	sand.u32 $0x7F, s11  }
0x9b: {  	s19 =	sshra.s32 s11, $0x1F;
	p5 =	slt.s32 s11, $0x1;
	p6 =	sne.s32 s10, $0x0  }
0x9c: {  	s2 =	sshrl.u32 s19, $0x19;
	p3 =	por !p5, !p6  }
0x9d: {  	s12 =	simm.s32 $0x1;
	s2 =	sadd.s32 s2, s11;
	p3 =	por !p3, !p3  }
0x9e: {  	s2 =	sshrl.u32 s2, $0x7;
	s12 =	simm.s32 @!p3 $0x0  }
0x9f: {  	s2 =	ssub.s32 s2, s12  }
0xa0: {  	s19 =	sshll.u32 s2, $0x7  }
0xa1: {  	s2 =	sand.u32 $0x1FFFFF80, s19  }
0xa2: {  	s31 =	simm.s32 $0x880;
	s2 =	sadd.s32 s26, s2  }
0xa3: {  	[tilespmem:s31], [sflag:$0x3] =	stream.strided.gather [hbm4b:s2+s30], $0x0, s28, s30, $0x38;
	[tilespmem:$0x14600] =	vst v63  }
0xa4: {  	s12 =	simm.s32 $0x0;
	s30 =	simm.s32 $0x200  }
0xa5: {  	[tilespmem:s31], [sflag:$0x3] =	stream.linear.gather [hbm4b:s2+s8], $0x280, $0x38;
	[tilespmem:$0x14600] =	vst v63  }
.LBB2_2:
0xa6: {  	p3 =	sne.s32 s30, $0x1E00;
	[tilespmem:s12+$0x11470] =	vst v0  }
0xa7: {  	[tilespmem:s12+$0x11400] =	vst v0  }
0xa8: {  	[tilespmem:s12+$0x11410] =	vst v0  }
.Ltmp2:
0xa9: {  	[tilespmem:s12+$0x11420] =	vst v0;
	(pc) =	sbr.rel @p3 .LBB2_2-.Ltmp2, $4  }
0xaa: {  	[tilespmem:s12+$0x11430] =	vst v0  }
0xab: {  	[tilespmem:s12+$0x11440] =	vst v0  }
0xac: {  	[tilespmem:s12+$0x11450] =	vst v0  }
0xad: {  	[tilespmem:s12+$0x11460] =	vst v0;
	s12 =	sshra.s32 s30, $0x2;
	s30 =	sadd.s32 $0x200, s30  }
0xae: {  	[tilespmem:s12+$0x11470] =	vst v0  }
0xaf: {  	[tilespmem:s12+$0x11400] =	vst v0  }
0xb0: {  	[tilespmem:s12+$0x11410] =	vst v0  }
0xb1: {  	[tilespmem:s12+$0x11420] =	vst v0  }
0xb2: {  	[tilespmem:s12+$0x11430] =	vst v0  }
0xb3: {  	[tilespmem:s12+$0x11440] =	vst v0  }
0xb4: {  	[tilespmem:s12+$0x11450] =	vst v0  }
0xb5: {  	[tilespmem:s12+$0x11460] =	vst v0  }
0xb6: {  	_ =	swait.ge [sflag:s4], $0x3E8  }
0xb7: {  	[sflag:s4] =	ssyncset.done $0x0  }
0xb8: {  	[sflag:s4] =	ssyncadd.s32 $0xFFFFFC18  }
0xb9: {  	_ =	swait.ge [sflag:s4], $0x280  }
0xba: {  	[sflag:s4] =	ssyncset.done $0x0  }
0xbb: {  	[sflag:s4] =	ssyncadd.s32 $0xFFFFFD80  }
0xbc: {  	_ =	swait.ge [sflag:s4], $0x280  }
0xbd: {  	[sflag:s4] =	ssyncset.done $0x0  }
0xbe: {  	[sflag:s4] =	ssyncadd.s32 $0xFFFFFD80  }
0xbf: {  	_ =	swait.ge [sflag:s4], $0x280  }
0xc0: {  	[sflag:s4] =	ssyncset.done $0x0  }
0xc1: {  	[sflag:s4] =	ssyncadd.s32 $0xFFFFFD80  }
0xc2: {  	v2 =	vld [tilespmem:s15+$0x80];
	_ =	sdelay $0x4  }
0xc3: {  	[tilespmem:$0xC80] =	vst v2  }
0xc4: {  	v2 =	vld [tilespmem:s15+$0x90];
	_ =	sdelay $0x4  }
0xc5: {  	[tilespmem:$0xC90] =	vst v2  }
0xc6: {  	v2 =	vld [tilespmem:s15+$0xA0];
	_ =	sdelay $0x4  }
0xc7: {  	[tilespmem:$0xCA0] =	vst v2  }
0xc8: {  	v2 =	vld [tilespmem:s15+$0xB0];
	_ =	sdelay $0x4  }
0xc9: {  	[tilespmem:$0xCB0] =	vst v2  }
0xca: {  	v2 =	vld [tilespmem:s15+$0xC0];
	_ =	sdelay $0x4  }
0xcb: {  	[tilespmem:$0xCC0] =	vst v2  }
0xcc: {  	v2 =	vld [tilespmem:s15+$0xD0];
	_ =	sdelay $0x4  }
0xcd: {  	[tilespmem:$0xCD0] =	vst v2  }
0xce: {  	v2 =	vld [tilespmem:s15+$0xE0];
	_ =	sdelay $0x4  }
0xcf: {  	[tilespmem:$0xCE0] =	vst v2  }
0xd0: {  	v2 =	vld [tilespmem:s15+$0xF0];
	_ =	sdelay $0x2  }
0xd1: {  	s2 =	ssub.s32 s21, s29  }
0xd2: {  	s2 =	sand.u32 $0xFFFFFF80, s2  }
0xd3: {  	s2 =	sor.u32 s18, s2;
	[tilespmem:$0xCF0] =	vst v2  }
0xd4: {  	v2 =	vld [tilespmem:s2+$0xC80];
	_ =	sdelay $0x4  }
0xd5: {  	(v2sf) =	vpush v2, $0x0;
	_ =	sdelay $0xd  }
0xd6: {  	v2 =	vld [tilespmem:s16+$0x480]  }
0xd7: {  	s2 =	spop (v2sf)  }
0xd8: {  	p3 =	sgt.s32 s2, $0x0  }
0xd9: {  	s2 =	simm.s32 @!p3 $0x0  }
0xda: {  	s18 =	smin.u32 s2, $0x3E7  }
0xdb: {  	v3 =	vld [tilespmem:s18+$0xE80];
	[tilespmem:$0xD00] =	vst v2  }
0xdc: {  	v2 =	vld [tilespmem:s16+$0x490];
	_ =	sdelay $0x4  }
0xdd: {  	[tilespmem:$0xD10] =	vst v2  }
0xde: {  	v2 =	vld [tilespmem:s16+$0x4A0];
	_ =	sdelay $0x4  }
0xdf: {  	[tilespmem:$0xD20] =	vst v2  }
0xe0: {  	v2 =	vld [tilespmem:s16+$0x4B0];
	_ =	sdelay $0x4  }
0xe1: {  	[tilespmem:$0xD30] =	vst v2  }
0xe2: {  	v2 =	vld [tilespmem:s16+$0x4C0];
	_ =	sdelay $0x4  }
0xe3: {  	[tilespmem:$0xD40] =	vst v2  }
0xe4: {  	v2 =	vld [tilespmem:s16+$0x4D0];
	_ =	sdelay $0x4  }
0xe5: {  	[tilespmem:$0xD50] =	vst v2  }
0xe6: {  	v2 =	vld [tilespmem:s16+$0x4E0];
	_ =	sdelay $0x4  }
0xe7: {  	[tilespmem:$0xD60] =	vst v2  }
0xe8: {  	v2 =	vld [tilespmem:s16+$0x4F0];
	_ =	sdelay $0x2  }
0xe9: {  	s14 =	ssub.s32 s14, s22  }
0xea: {  	s2 =	sand.u32 $0xFFFFFF80, s14  }
0xeb: {  	s2 =	sor.u32 s13, s2;
	[tilespmem:$0xD70] =	vst v2  }
0xec: {  	v2 =	vld [tilespmem:s2+$0xD00];
	_ =	sdelay $0x3  }
0xed: {  	(v2sf) =	vpush v3, $0x0  }
0xee: {  	(v2sf) =	vpush v2, $0x0;
	_ =	sdelay $0xd  }
0xef: {  	s13 =	spop (v2sf);
	v2 =	vld [tilespmem:s17+$0x880]  }
0xf0: {  	s2 =	spop (v2sf)  }
0xf1: {  	p3 =	sgt.s32 s2, $0x0  }
0xf2: {  	s2 =	simm.s32 @!p3 $0x0  }
0xf3: {  	s14 =	smin.u32 s2, $0x3E7  }
0xf4: {  	v3 =	vld [tilespmem:s14+$0xE80];
	[tilespmem:$0xD80] =	vst v2  }
0xf5: {  	v2 =	vld [tilespmem:s17+$0x890];
	_ =	sdelay $0x4  }
0xf6: {  	[tilespmem:$0xD90] =	vst v2  }
0xf7: {  	v2 =	vld [tilespmem:s17+$0x8A0];
	_ =	sdelay $0x4  }
0xf8: {  	[tilespmem:$0xDA0] =	vst v2  }
0xf9: {  	v2 =	vld [tilespmem:s17+$0x8B0];
	_ =	sdelay $0x4  }
0xfa: {  	[tilespmem:$0xDB0] =	vst v2  }
0xfb: {  	v2 =	vld [tilespmem:s17+$0x8C0];
	_ =	sdelay $0x4  }
0xfc: {  	[tilespmem:$0xDC0] =	vst v2  }
0xfd: {  	v2 =	vld [tilespmem:s17+$0x8D0];
	_ =	sdelay $0x4  }
0xfe: {  	[tilespmem:$0xDD0] =	vst v2  }
0xff: {  	v2 =	vld [tilespmem:s17+$0x8E0];
	_ =	sdelay $0x4  }
0x100: {  	[tilespmem:$0xDE0] =	vst v2  }
0x101: {  	v2 =	vld [tilespmem:s17+$0x8F0];
	_ =	sdelay $0x2  }
0x102: {  	s19 =	ssub.s32 s11, s19  }
0x103: {  	s2 =	sand.u32 $0xFFFFFF80, s19  }
0x104: {  	s2 =	sor.u32 s10, s2;
	[tilespmem:$0xDF0] =	vst v2  }
0x105: {  	v2 =	vld [tilespmem:s2+$0xD80];
	_ =	sdelay $0x3  }
0x106: {  	(v2sf) =	vpush v3, $0x0  }
0x107: {  	(v2sf) =	vpush v2, $0x0;
	_ =	sdelay $0xd  }
0x108: {  	s2 =	spop (v2sf)  }
0x109: {  	s10 =	spop (v2sf)  }
0x10a: {  	p3 =	sgt.s32 s10, $0x0  }
0x10b: {  	s10 =	simm.s32 @!p3 $0x0  }
0x10c: {  	s10 =	smin.u32 s10, $0x3E7  }
0x10d: {  	v2 =	vld [tilespmem:s10+$0xE80];
	_ =	sdelay $0x4  }
0x10e: {  	(v2sf) =	vpush v2, $0x0;
	_ =	sdelay $0x7  }
0x10f: {  	p3 =	slt.s32 s13, $0x100  }
0x110: {  	p4 =	slt.s32 s13, $0xFFFFFFF2;
	p6 =	slt.s32 s2, $0x100;
	s13 =	simm.s32 @!p3 $0x100  }
0x111: {  	p3 =	slt.s32 s2, $0xFFFFFFF2;
	s2 =	simm.s32 @!p6 $0x100;
	s21 =	sadd.s32 $0xF, s13  }
0x112: {  	s26 =	sadd.s32 $0xF, s2;
	s22 =	sshra.s32 s21, $0x1F  }
0x113: {  	s11 =	sand.u32 $0xF, s21;
	s30 =	sshra.s32 s26, $0x1F;
	s19 =	sand.u32 $0xF, s26  }
0x114: {  	s12 =	sshrl.u32 s22, $0x1C;
	p5 =	sne.s32 s11, $0x0;
	s22 =	simm.s32 $0x1  }
0x115: {  	s12 =	sadd.s32 s12, s21;
	p4 =	por !p4, !p5;
	s21 =	sshrl.u32 s30, $0x1C  }
0x116: {  	p4 =	por !p4, !p4;
	s21 =	sadd.s32 s21, s26;
	s11 =	spop (v2sf)  }
0x117: {  	s12 =	sshra.s32 s12, $0x4;
	s22 =	simm.s32 @!p4 $0x0;
	p5 =	slt.s32 s11, $0x100  }
0x118: {  	p6 =	slt.s32 s11, $0xFFFFFFF2;
	s11 =	simm.s32 @!p5 $0x100;
	p5 =	sne.s32 s19, $0x0  }
0x119: {  	s31 =	sshra.s32 s21, $0x4;
	s29 =	sadd.s32 $0xF, s11;
	p3 =	por !p3, !p5  }
0x11a: {  	v2 =	vmov s18;
	s18 =	simm.s32 $0x1;
	s30 =	sand.u32 $0xF, s29;
	p3 =	por !p3, !p3  }
0x11b: {  	s26 =	sshra.s32 s29, $0x1F;
	p1 =	sne.s32 s30, $0x0;
	s18 =	simm.s32 @!p3 $0x0  }
0x11c: {  	s21 =	sshrl.u32 s26, $0x1C;
	s30 =	ssub.s32 s31, s18;
	s31 =	sld [smem:$0x7FD]  }
0x11d: {  	s12 =	ssub.s32 s12, s22;
	p1 =	por !p6, !p1;
	s21 =	sadd.s32 s21, s29  }
0x11e: {  	v3 =	vmov s13;
	s22 =	simm.s32 $0x1;
	v2 =	vnsel vm0, $0x0, v2;
	p1 =	por !p1, !p1;
	s29 =	sshra.s32 s21, $0x4  }
.Ltmp3:
0x11f: {  	v3 =	vnsel vm0, $0x0, v3;
	v2 =	vsel vm1, s14, v2;
	v4 =	vmov s12;
	s22 =	simm.s32 @!p1 $0x0;
	p1 =	seq.s32 s31, $0x1;
	(pc) =	sbr.rel .LBB2_4-.Ltmp3, $4  }
0x120: {  	v3 =	vsel vm1, s2, v3;
	v2 =	vsel vm2, s10, v2;
	v4 =	vnsel vm0, $0x0, v4;
	s13 =	ssub.s32 s29, s22;
	s11 =	simm.s32 @!p1 $0x0  }
0x121: {  	[tilespmem:$0x1280] =	vst v2;
	v4 =	vsel vm1, s30, v4;
	s13 =	simm.s32 @!p1 $0x0;
	v3 =	vsel vm2, s11, v3  }
0x122: {  	v2 =	vsel vm2, s13, v4;
	[tilespmem:$0x1300] =	vst v3  }
0x123: {  	p3 =	por $0x0, $0x0;
	s13 =	simm.s32 $0x0;
	[tilespmem:$0x1380] =	vst v2  }
.LBB2_23:
0x124: {  	[hbm4b:s14+s8] =	stream.linear.scatter [tilespmem:s1], [sflag:$0x2], $0x800, $0x38;
	[tilespmem:$0x14600] =	vst v63  }
.LBB2_24:
0x125: {  	s2 =	sshll.u32 s18, $0x8  }
0x126: {  	s11 =	sshll.u32 s29, $0xC;
	s12 =	sshll.u32 s18, $0x7;
	s2 =	sand.u32 $0xFFFFF800, s2  }
0x127: {  	s30 =	sand.u32 $0x380, s12;
	s2 =	sadd.s32 s2, s11  }
0x128: {  	p1 =	sne.s32 s13, s20;
	s2 =	sor.u32 s30, s2  }
.Ltmp4:
0x129: {  	s2 =	sshrl.u32 s2, $0x3;
	(pc) =	sbr.rel @!p1 .LBB2_25-.Ltmp4, $4  }
0x12a: {  	s10 =	sor.u32 $0x11D00, s10;
	s31 =	sadd.s32 $0x1, s13;
	s2 =	sadd.s32 s6, s2  }
0x12b: {  	[hbm4b:s2+s8] =	stream.linear.scatter [tilespmem:s19], [sflag:$0x2], $0x80, $0x38;
	[tilespmem:$0x14600] =	vst v63  }
0x12c: {  	p3 =	por !p3, !p3;
	s13 =	smov.u32 s31;
	s2 =	sadd.s32 $0x80, s2  }
0x12d: {  	[hbm4b:s2+s8] =	stream.linear.scatter [tilespmem:s10], [sflag:$0x2], $0x80, $0x38;
	[tilespmem:$0x14600] =	vst v63  }
.LBB2_4:
0x12e: {  	v2 =	vld [tilespmem:s13+$0x1300]  }
0x12f: {  	v3 =	vld [tilespmem:s13+$0x1380];
	_ =	sdelay $0x3  }
0x130: {  	(v2sf) =	vpush v2, $0x0  }
0x131: {  	(v2sf) =	vpush v3, $0x0;
	_ =	sdelay $0xd  }
0x132: {  	s30 =	spop (v2sf)  }
0x133: {  	s14 =	spop (v2sf)  }
0x134: {  	p4 =	slt.s32 s14, $0x1  }
.Ltmp5:
0x135: {  	s2 =	simm.s32 $0x1;
	(pc) =	sbr.rel @p4 .LBB2_7-.Ltmp5, $4  }
0x136: {  	s2 =	simm.s32 @!p3 $0x0  }
0x137: {  	s21 =	sshll.u32 s2, $0x11  }
0x138: {  	s2 =	sshrl.u32 s21, $0x2  }
0x139: {  	s22 =	sor.u32 $0x1400, s2  }
0x13a: {  	v3 =	vld [tilespmem:s13+$0x1280];
	_ =	sdelay $0x4  }
0x13b: {  	(v2sf) =	vpush v3, $0x0;
	_ =	sdelay $0xe  }
0x13c: {  	p1 =	sne.s32 s14, $0x1;
	s2 =	spop (v2sf)  }
.Ltmp6:
0x13d: {  	s2 =	sshll.u32 s2, $0xF;
	(pc) =	sbr.rel @!p1 .LBB2_7-.Ltmp6, $4  }
0x13e: {  	s10 =	sshrl.u32 s2, $0x3  }
0x13f: {  	s10 =	sadd.s32 s0, s10  }
0x140: {  	[tilespmem:s22], [sflag:$0x1] =	stream.linear.gather [hbm4b:s10+s8], $0x800, $0x38;
	[tilespmem:$0x14600] =	vst v63  }
0x141: {  	s12 =	smov.u32 s22;
	s11 =	sadd.s32 $0x800, s2;
	s10 =	sadd.s32 $0xFFFFFFFF, s14  }
.LBB2_6:
0x142: {  	s2 =	sshrl.u32 s11, $0x3;
	p1 =	sne.s32 s10, $0x1;
	s10 =	sadd.s32 $0xFFFFFFFF, s10  }
.Ltmp7:
0x143: {  	s12 =	sadd.s32 $0x800, s12;
	s2 =	sadd.s32 s0, s2;
	(pc) =	sbr.rel @p1 .LBB2_6-.Ltmp7, $3  }
0x144: {  	[tilespmem:s12], [sflag:$0x1] =	stream.linear.gather [hbm4b:s2+s8], $0x800, $0x38;
	[tilespmem:$0x14600] =	vst v63  }
0x145: {  	_ =	sdelay $0x1  }
0x146: {  	s11 =	sadd.s32 $0x800, s11  }
.LBB2_7:
0x147: {  	s2 =	sshll.u32 s13, $0x5  }
0x148: {  	s11 =	sor.u32 s9, s2  }
0x149: {  	s26 =	scvt.s32.f32 s30;
	s10 =	smulhi.u32 $0x66666667, s11;
	s12 =	sshra.s32 s11, $0x1F  }
0x14a: {  	s12 =	smul.u32 $0x66666667, s12  }
0x14b: {  	v3 =	vmov s26  }
0x14c: {  	v3 =	vadd.f32 $9.999999930e-09, v3;
	s18 =	sadd.s32 s12, s10  }
0x14d: {  	s10 =	sshrl.u32 s18, $0x1F;
	s2 =	sshra.s32 s18, $0x1  }
0x14e: {  	v3 =	vbroadcast v3, $0x0;
	s2 =	sadd.s32 s10, s2  }
0x14f: {  	s10 =	smul.u32 $0xFFFFFFFB, s2  }
0x150: {  	s19 =	ssub.s32 $0x0, s11;
	(erf) = vrcp.f32 v3  }
0x151: {  	p1 =	slt.s32 s11, $0x1;
	p5 =	sne.s32 s10, s19  }
0x152: {  	p1 =	por !p1, !p5  }
0x153: {  	s10 =	simm.s32 $0x1;
	p1 =	por !p1, !p1  }
0x154: {  	s10 =	simm.s32 @!p1 $0x0  }
0x155: {  	s18 =	ssub.s32 s2, s10  }
0x156: {  	s26 =	sshll.u32 s13, $0x7;
	s2 =	smul.u32 $0xFFFFFFFB, s18  }
0x157: {  	v2 =	vbroadcast v2, $0x0;
	s12 =	simm.s32 $0x0;
	s10 =	sand.u32 $0x80, s26  }
0x158: {  	v4 =	vor.u32 s12, v1;
	s19 =	sor.u32 $0x11C00, s10;
	s29 =	sadd.s32 s11, s2;
	s2 =	sand.u32 $0x100, s12  }
0x159: {  	vm3 =	vlt.s32 v4, v2;
	s26 =	sand.u32 $0x70, s12;
	v3 =	vpop (erf);
	s2 =	sadd.s32 s2, s19  }
0x15a: {  	s31 =	simm.s32 $0x10;
	v4 =	vnsel vm3, $0x0, v3;
	s2 =	sadd.s32 s26, s2  }
.LBB2_8:
0x15b: {  	p5 =	seq.s32 s31, $0xF0  }
0x15c: {  	[tilespmem:s2+$0x0] =	vst v4;
	s12 =	sadd.s32 $0x20, s12;
	s2 =	smov.u32 s31;
	s31 =	sadd.s32 $0x10, s31  }
.Ltmp8:
0x15d: {  	(pc) =	sbr.rel @!p5 .LBB2_8-.Ltmp8, $4  }
0x15e: {  	_ = 	snop  }
0x15f: {  	v4 =	vor.u32 s2, v1;
	s26 =	sand.u32 $0x100, s12  }
0x160: {  	s2 =	sand.u32 $0x70, s2;
	vm3 =	vlt.s32 v4, v2;
	s26 =	sadd.s32 s26, s19  }
0x161: {  	v4 =	vnsel vm3, $0x0, v3;
	s2 =	sadd.s32 s2, s26  }
0x162: {  	p1 =	sgt.s32 s14, $0x0  }
.Ltmp9:
0x163: {  	_ = 	snop;
	(pc) =	sbr.rel @!p1 .LBB2_13-.Ltmp9, $2  }
0x164: {  	_ =	sdelay $0x2  }
0x165: {  	[tilespmem:s2+$0x0] =	vst v4  }
0x166: {  	p1 =	sne.s32 s14, $0x1  }
.Ltmp10:
0x167: {  	_ = 	snop;
	(pc) =	sbr.rel @!p1 .LBB2_12-.Ltmp10, $3  }
0x168: {  	_ =	sdelay $0x1  }
0x169: {  	_ =	swait.ge [sflag:s25], $0x800  }
0x16a: {  	s12 =	sadd.s32 $0xFFFFFFFF, s14;
	[sflag:s25] =	ssyncset.done $0x0  }
.LBB2_11:
0x16b: {  	p1 =	sne.s32 s12, $0x1;
	s12 =	sadd.s32 $0xFFFFFFFF, s12;
	[sflag:s25] =	ssyncadd.s32 $0xFFFFF800  }
.Ltmp11:
0x16c: {  	(pc) =	sbr.rel @p1 .LBB2_11-.Ltmp11, $3  }
0x16d: {  	_ =	sdelay $0x1  }
0x16e: {  	_ =	swait.ge [sflag:s25], $0x800  }
0x16f: {  	[sflag:s25] =	ssyncset.done $0x0  }
.LBB2_12:
0x170: {  	[sflag:s25] =	ssyncadd.s32 $0xFFFFF800  }
.LBB2_13:
0x171: {  	s12 =	sshll.u32 s14, $0x4  }
0x172: {  	p1 =	slt.s32 s12, $0x100  }
0x173: {  	s12 =	simm.s32 @!p1 $0x100  }
0x174: {  	p1 =	sle.s32 s12, s30  }
.Ltmp12:
0x175: {  	_ = 	snop;
	(pc) =	sbr.rel @p1 .LBB2_17-.Ltmp12, $1  }
0x176: {  	_ =	sdelay $0x3  }
0x177: {  	s2 =	sshll.u32 s30, $0x9  }
0x178: {  	s2 =	sadd.s32 s2, s21  }
0x179: {  	s2 =	sshra.s32 s2, $0x2  }
0x17a: {  	s21 =	sadd.s32 $0x1440, s2  }
0x17b: {  	s31 =	ssub.s32 s12, s30;
	[tilespmem:s21+$0xFFFFFFC0] =	vst v0  }
0x17c: {  	p1 =	sne.s32 s31, $0x1;
	[tilespmem:s21+$0x30] =	vst v0  }
.Ltmp13:
0x17d: {  	[tilespmem:s21+$0x20] =	vst v0;
	(pc) =	sbr.rel @!p1 .LBB2_16-.Ltmp13, $4  }
0x17e: {  	[tilespmem:s21+$0x10] =	vst v0  }
0x17f: {  	[tilespmem:s21+$0x0] =	vst v0  }
0x180: {  	[tilespmem:s21+$0xFFFFFFF0] =	vst v0  }
0x181: {  	s12 =	sadd.s32 $0xFFFFFFFF, s31;
	[tilespmem:s21+$0xFFFFFFE0] =	vst v0  }
.LBB2_15:
0x182: {  	p5 =	sne.s32 s12, $0x1;
	s12 =	sadd.s32 $0xFFFFFFFF, s12;
	[tilespmem:s21+$0xFFFFFFD0] =	vst v0;
	s21 =	sadd.s32 $0x80, s21  }
0x183: {  	[tilespmem:s21+$0xFFFFFFC0] =	vst v0  }
0x184: {  	[tilespmem:s21+$0x30] =	vst v0  }
.Ltmp14:
0x185: {  	[tilespmem:s21+$0x20] =	vst v0;
	(pc) =	sbr.rel @p5 .LBB2_15-.Ltmp14, $4  }
0x186: {  	[tilespmem:s21+$0x10] =	vst v0  }
0x187: {  	[tilespmem:s21+$0x0] =	vst v0  }
0x188: {  	[tilespmem:s21+$0xFFFFFFF0] =	vst v0  }
0x189: {  	[tilespmem:s21+$0xFFFFFFE0] =	vst v0  }
.LBB2_16:
0x18a: {  	[tilespmem:s21+$0xFFFFFFD0] =	vst v0  }
.LBB2_17:
0x18b: {  	p5 =	seq.s32 s13, $0x0  }
0x18c: {  	s2 =	simm.s32 @!p5 $0x2  }
0x18d: {  	_ =	swait.ge @!p5 [sflag:s2], $0x800  }
0x18e: {  	[sflag:s2] =	ssyncset.done @!p5 $0x0  }
0x18f: {  	[sflag:s2] =	ssyncadd.s32 @!p5 $0xFFFFF800  }
0x190: {  	_ =	swait.ge @!p5 [sflag:s2], $0x800  }
0x191: {  	[sflag:s2] =	ssyncset.done @!p5 $0x0  }
0x192: {  	[sflag:s2] =	ssyncadd.s32 @!p5 $0xFFFFF800  }
0x193: {  	_ =	swait.ge @!p5 [sflag:s2], $0x800  }
0x194: {  	[sflag:s2] =	ssyncset.done @!p5 $0x0  }
0x195: {  	[sflag:s2] =	ssyncadd.s32 @!p5 $0xFFFFF800  }
0x196: {  	_ =	swait.ge @!p5 [sflag:s2], $0x800  }
0x197: {  	[sflag:s2] =	ssyncset.done @!p5 $0x0  }
0x198: {  	[sflag:s2] =	ssyncadd.s32 @!p5 $0xFFFFF800  }
0x199: {  	_ =	swait.ge @!p5 [sflag:s2], $0x800  }
0x19a: {  	[sflag:s2] =	ssyncset.done @!p5 $0x0  }
0x19b: {  	[sflag:s2] =	ssyncadd.s32 @!p5 $0xFFFFF800  }
0x19c: {  	_ =	swait.ge @!p5 [sflag:s2], $0x800  }
0x19d: {  	[sflag:s2] =	ssyncset.done @!p5 $0x0  }
0x19e: {  	[sflag:s2] =	ssyncadd.s32 @!p5 $0xFFFFF800  }
0x19f: {  	_ =	swait.ge @!p5 [sflag:s2], $0x800  }
0x1a0: {  	[sflag:s2] =	ssyncset.done @!p5 $0x0  }
0x1a1: {  	[sflag:s2] =	ssyncadd.s32 @!p5 $0xFFFFF800  }
0x1a2: {  	_ =	swait.ge @!p5 [sflag:s2], $0x800  }
0x1a3: {  	[sflag:s2] =	ssyncset.done @!p5 $0x0  }
0x1a4: {  	[sflag:s2] =	ssyncadd.s32 @!p5 $0xFFFFF800  }
0x1a5: {  	_ =	swait.ge @!p5 [sflag:s2], $0x800  }
0x1a6: {  	[sflag:s2] =	ssyncset.done @!p5 $0x0  }
0x1a7: {  	[sflag:s2] =	ssyncadd.s32 @!p5 $0xFFFFF800  }
0x1a8: {  	_ =	swait.ge @!p5 [sflag:s2], $0x800  }
0x1a9: {  	[sflag:s2] =	ssyncset.done @!p5 $0x0  }
0x1aa: {  	[sflag:s2] =	ssyncadd.s32 @!p5 $0xFFFFF800  }
0x1ab: {  	_ =	swait.ge @!p5 [sflag:s2], $0x800  }
0x1ac: {  	[sflag:s2] =	ssyncset.done @!p5 $0x0  }
0x1ad: {  	[sflag:s2] =	ssyncadd.s32 @!p5 $0xFFFFF800  }
0x1ae: {  	_ =	swait.ge @!p5 [sflag:s2], $0x800  }
0x1af: {  	[sflag:s2] =	ssyncset.done @!p5 $0x0  }
0x1b0: {  	[sflag:s2] =	ssyncadd.s32 @!p5 $0xFFFFF800  }
0x1b1: {  	_ =	swait.ge @!p5 [sflag:s2], $0x800  }
0x1b2: {  	[sflag:s2] =	ssyncset.done @!p5 $0x0  }
0x1b3: {  	[sflag:s2] =	ssyncadd.s32 @!p5 $0xFFFFF800  }
0x1b4: {  	_ =	swait.ge @!p5 [sflag:s2], $0x800  }
0x1b5: {  	[sflag:s2] =	ssyncset.done @!p5 $0x0  }
0x1b6: {  	[sflag:s2] =	ssyncadd.s32 @!p5 $0xFFFFF800  }
0x1b7: {  	_ =	swait.ge @!p5 [sflag:s2], $0x800  }
0x1b8: {  	[sflag:s2] =	ssyncset.done @!p5 $0x0  }
0x1b9: {  	[sflag:s2] =	ssyncadd.s32 @!p5 $0xFFFFF800  }
0x1ba: {  	_ =	swait.ge @!p5 [sflag:s2], $0x800  }
.Ltmp15:
0x1bb: {  	[sflag:s2] =	ssyncset.done @!p5 $0x0;
	(pc) =	sbr.rel @p4 .LBB2_21-.Ltmp15, $4  }
0x1bc: {  	[sflag:s2] =	ssyncadd.s32 @!p5 $0xFFFFF800  }
0x1bd: {  	_ =	swait.ge @!p5 [sflag:s2], $0x100  }
0x1be: {  	[sflag:s2] =	ssyncset.done @!p5 $0x0  }
0x1bf: {  	s11 =	sshll.u32 s11, $0xF;
	[sflag:s2] =	ssyncadd.s32 @!p5 $0xFFFFFF00  }
0x1c0: {  	p1 =	seq.s32 s14, $0x1  }
.Ltmp16:
0x1c1: {  	_ = 	snop;
	(pc) =	sbr.rel @p1 .LBB2_20-.Ltmp16, $4  }
0x1c2: {  	_ = 	snop  }
0x1c3: {  	s2 =	sshrl.u32 s11, $0x3  }
0x1c4: {  	s12 =	sadd.s32 $0xFFFFFFFF, s14;
	s21 =	sadd.s32 $0x800, s11;
	s2 =	sadd.s32 s5, s2  }
0x1c5: {  	[hbm4b:s2+s8] =	stream.linear.scatter [tilespmem:s22], [sflag:$0x2], $0x800, $0x38;
	[tilespmem:$0x14600] =	vst v63  }
.LBB2_19:
0x1c6: {  	s2 =	sshrl.u32 s21, $0x3;
	p1 =	seq.s32 s12, $0x1;
	s12 =	sadd.s32 $0xFFFFFFFF, s12  }
.Ltmp17:
0x1c7: {  	s22 =	sadd.s32 $0x800, s22;
	s2 =	sadd.s32 s5, s2;
	(pc) =	sbr.rel @!p1 .LBB2_19-.Ltmp17, $3  }
0x1c8: {  	[hbm4b:s2+s8] =	stream.linear.scatter [tilespmem:s22], [sflag:$0x2], $0x800, $0x38;
	[tilespmem:$0x14600] =	vst v63  }
0x1c9: {  	_ =	sdelay $0x1  }
0x1ca: {  	s21 =	sadd.s32 $0x800, s21  }
.LBB2_20:
0x1cb: {  	p1 =	sgt.u32 s14, $0xF  }
.Ltmp18:
0x1cc: {  	_ = 	snop;
	(pc) =	sbr.rel @p1 .LBB2_24-.Ltmp18, $1  }
0x1cd: {  	_ =	sdelay $0x3  }
.LBB2_21:
0x1ce: {  	s30 =	ssub.s32 $0x10, s14  }
0x1cf: {  	p1 =	sne.s32 s30, $0x1  }
.Ltmp19:
0x1d0: {  	_ = 	snop;
	(pc) =	sbr.rel @!p1 .LBB2_23-.Ltmp19, $4  }
0x1d1: {  	s2 =	sshll.u32 s14, $0xB  }
0x1d2: {  	s12 =	sadd.s32 s2, s11  }
0x1d3: {  	s31 =	sshrl.u32 s12, $0x3  }
0x1d4: {  	s11 =	sadd.s32 $0xFFFFFFFF, s30;
	s12 =	sadd.s32 $0x800, s12;
	s14 =	sadd.s32 s5, s31  }
.LBB2_22:
0x1d5: {  	[hbm4b:s14+s8] =	stream.linear.scatter [tilespmem:s1], [sflag:$0x2], $0x800, $0x38;
	[tilespmem:$0x14600] =	vst v63  }
0x1d6: {  	p1 =	sne.s32 s11, $0x1  }
.Ltmp20:
0x1d7: {  	s11 =	sadd.s32 $0xFFFFFFFF, s11;
	(pc) =	sbr.rel @p1 .LBB2_22-.Ltmp20, $3  }
0x1d8: {  	_ =	sdelay $0x1  }
0x1d9: {  	s2 =	sshrl.u32 s12, $0x3  }
0x1da: {  	s12 =	sadd.s32 $0x800, s12;
	s14 =	sadd.s32 s5, s2  }
.Ltmp21:
0x1db: {  	_ = 	snop;
	(pc) =	sbr.rel .LBB2_23-.Ltmp21, $1  }
0x1dc: {  	_ =	sdelay $0x3  }
.LBB2_26:
0x1dd: {  	_ =	sfence.sel $0x180000  }
0x1de: {  	[bflag:$0x0] =	sbarrier.arrive $0xFFFF  }
0x1df: {  	_ =	strace $0x90000047  }
0x1e0: {  	[bflag:$0x2] =	sbarrier.arrive $0xFFFF  }
0x1e1: {  	s0 =	rddreg [dreg:$0xb]  }
0x1e2: {  	s0 =	sadd.s32 @!p0 $0x100000, s0  }
0x1e3: {  	[sflag:s0] =	ssyncadd.tile.s32 @!p0 $0x1;
	_ =	shalt  }
.Lfunc_end2:
_tile_overlayer_lowered:
.L_overlay_start_2:
0x1e4: {  	(tag) =	ssettag $0x2  }
0x1e5: {  	s0 =	rddreg [dreg:$0x0];
	s2 =	stileid.u32  }
0x1e6: {  	s1 =	rddreg [dreg:$0x1];
	p0 =	sne.s32 s2, $0x0  }
0x1e7: {  	s3 =	rddreg [dreg:$0x2];
	[bflag:$0x3] =	sbarrier.arrive $0xFFFF;
	s2 =	simm.s32 @!p0 $0x1C05  }
0x1e8: {  	[timem:s3], [sflag:s2] =	dma.local @!p0 [hbm:s0], s1  }
0x1e9: {  	s0 =	simm.s32 @!p0 $0x5  }
0x1ea: {  	_ =	swait.ge @!p0 [sflag:s0], s1  }
0x1eb: {  	s1 =	ssub.s32 @!p0 $0x0, s1;
	[sflag:s0] =	ssyncset.done @!p0 $0x0  }
0x1ec: {  	[sflag:s0] =	ssyncadd.s32 @!p0 s1  }
0x1ed: {  	[bflag:$0x3] =	sbarrier.arrive $0xFFFF  }
0x1ee: {  	_ =	shalt  }

</sc_bundles>
